<compile_context>
chip_gen: v7x
topology: tpu7x:2x2x1
jax: 0.10.2.dev20260603
libtpu: 0.0.44.dev20260713+nightly
codegen_flags: <defaults>
</compile_context>

<pallas_src>
import functools

import jax
import jax.numpy as jnp
from jax import lax
from jax.experimental import pallas as pl
from jax.experimental.pallas import tpu as pltpu
from jax.experimental.pallas import tpu_sc as plsc

N = 10000
E = 160000
G = 64
F0 = 28
H = 256
HH = 128
W1 = 32
NPAD = 10112
RPT = NPAD // 16
NTILES = 16
BLK = 128
EB = 79
EPT = E // NTILES
EB1 = 40
EPT1 = E // 32

_f32 = jnp.float32
_i32 = jnp.int32


def _dot(a, b):
    return jnp.dot(a, b, preferred_element_type=_f32)


def _sc_mesh():
    return plsc.VectorSubcoreMesh(core_axis_name="c", subcore_axis_name="s",
                                  num_cores=2, num_subcores=16)


@functools.cache
def _get_sc_agg():
    return functools.partial(
        pl.kernel,
        mesh=_sc_mesh(),
        out_type=(
            jax.ShapeDtypeStruct((NPAD, HH), _i32),
            jax.ShapeDtypeStruct((NPAD, HH), _i32),
        ),
        scratch_types=[
            pltpu.VMEM((EB, BLK), _i32),
            pltpu.VMEM((EB, BLK), _i32),
            pltpu.VMEM((BLK, HH), _i32),
            pltpu.VMEM_SHARED((NPAD, HH), _i32),
            pltpu.SemaphoreType.DMA,
        ],
    )(_sc_agg_body)


def _sc_agg(*args):
    return _get_sc_agg()(*args)


def _sc_agg_body(gA, gB, srcI, dstI, zrows, outA, outB,
                 src_v, dst_v, rows_v, acc, sem):
    c = lax.axis_index("c")
    s = lax.axis_index("s")

    pltpu.sync_copy(srcI.at[s], src_v)
    pltpu.sync_copy(dstI.at[s], dst_v)
    pltpu.sync_copy(zrows, acc.at[pl.ds(s * RPT, RPT)])
    plsc.subcore_barrier()

    def make_body(g_ref):
        def body(j, carry):
            pltpu.async_copy(g_ref.at[src_v.at[j]], rows_v, sem).wait()
            pltpu.sync_copy(rows_v, acc.at[dst_v.at[j]], add=True)
            return carry
        return body

    @pl.when(c == 0)
    def _():
        lax.fori_loop(0, EB, make_body(gA), 0)

    @pl.when(c == 1)
    def _():
        lax.fori_loop(0, EB, make_body(gB), 0)

    plsc.subcore_barrier()

    @pl.when(c == 0)
    def _():
        pltpu.sync_copy(acc.at[pl.ds(s * RPT, RPT)],
                        outA.at[pl.ds(s * RPT, RPT)])

    @pl.when(c == 1)
    def _():
        pltpu.sync_copy(acc.at[pl.ds(s * RPT, RPT)],
                        outB.at[pl.ds(s * RPT, RPT)])


@functools.cache
def _get_sc_agg1():
    return functools.partial(
        pl.kernel,
        mesh=_sc_mesh(),
        out_type=(
            jax.ShapeDtypeStruct((NPAD, W1), _i32),
            jax.ShapeDtypeStruct((NPAD, W1), _i32),
        ),
        scratch_types=[
            pltpu.VMEM((EB1, BLK), _i32),
            pltpu.VMEM((EB1, BLK), _i32),
            pltpu.VMEM((BLK, W1), _i32),
            pltpu.VMEM_SHARED((NPAD, W1), _i32),
            pltpu.SemaphoreType.DMA,
        ],
        compiler_params=pltpu.CompilerParams(use_tc_tiling_on_sc=False),
    )(_sc_agg1_body)


def _sc_agg1(*args):
    return _get_sc_agg1()(*args)


def _sc_agg1_body(xw, srcI, dstI, zrows, outA, outB,
                  src_v, dst_v, rows_v, acc, sem):
    c = lax.axis_index("c")
    s = lax.axis_index("s")
    wid = s * 2 + c

    pltpu.sync_copy(srcI.at[wid], src_v)
    pltpu.sync_copy(dstI.at[wid], dst_v)
    pltpu.sync_copy(zrows, acc.at[pl.ds(s * RPT, RPT)])
    plsc.subcore_barrier()

    def body(j, carry):
        pltpu.async_copy(xw.at[src_v.at[j]], rows_v, sem).wait()
        pltpu.sync_copy(rows_v, acc.at[dst_v.at[j]], add=True)
        return carry
    lax.fori_loop(0, EB1, body, 0)

    plsc.subcore_barrier()

    @pl.when(c == 0)
    def _():
        pltpu.sync_copy(acc.at[pl.ds(s * RPT, RPT)],
                        outA.at[pl.ds(s * RPT, RPT)])

    @pl.when(c == 1)
    def _():
        pltpu.sync_copy(acc.at[pl.ds(s * RPT, RPT)],
                        outB.at[pl.ds(s * RPT, RPT)])


_GRID = NPAD // RPT


def _rowspec(w=HH):
    return pl.BlockSpec((RPT, w), lambda i: (i, 0))


def _smemspec():
    return pl.BlockSpec(memory_space=pltpu.SMEM)


def _fullspec(shape):
    return pl.BlockSpec(shape, lambda i: tuple(0 for _ in shape))


def _row_mask(i):
    rows = i * RPT + lax.broadcasted_iota(_i32, (RPT, 1), 0)
    return rows < N


def _scale_from(maxabs, degmax):
    e = jnp.floor(29.9 - jnp.log2(jnp.maximum(maxabs, 1e-30)
                                  * jnp.maximum(degmax, 1.0)))
    return jnp.exp2(jnp.minimum(e, 24.0))


def _split1_body(x_ref, c0, c1, xq, S_ref, M_s, D_s):
    i = pl.program_id(0)

    @pl.when(i == 0)
    def _():
        M_s[0, 0] = 0.0
        D_s[0, 0] = 0.0

    @pl.when(i < _GRID)
    def _():
        M_s[0, 0] = jnp.maximum(M_s[0, 0], jnp.max(jnp.abs(x_ref[...])))
        cnt = (c0[..., 0:1] + c1[..., 0:1]).astype(_f32)
        D_s[0, 0] = jnp.maximum(D_s[0, 0], jnp.max(cnt))

    @pl.when(i == _GRID - 1)
    def _():
        S_ref[0] = _scale_from(M_s[0, 0], D_s[0, 0])
        S_ref[1] = D_s[0, 0]

    @pl.when(i >= _GRID)
    def _():
        Sv = _scale_from(M_s[0, 0], D_s[0, 0])
        xq[...] = jnp.round(x_ref[...] * Sv).astype(_i32)


def _split1(xp, c0, c1):
    return pl.pallas_call(
        _split1_body,
        grid=(2 * _GRID,),
        in_specs=[pl.BlockSpec((RPT, W1), lambda i: (i % _GRID, 0)),
                  pl.BlockSpec((RPT, W1), lambda i: (i % _GRID, 0)),
                  pl.BlockSpec((RPT, W1), lambda i: (i % _GRID, 0))],
        out_specs=[pl.BlockSpec((RPT, W1), lambda i: (i % _GRID, 0)),
                   _smemspec()],
        out_shape=[jax.ShapeDtypeStruct((NPAD, W1), _i32),
                   jax.ShapeDtypeStruct((2,), _f32)],
        scratch_shapes=[pltpu.SMEM((1, 1), _f32), pltpu.SMEM((1, 1), _f32)],
    )(xp, c0, c1)


def _split_body(hA, hB, SD, qA, qB, S_ref, M_s):
    i = pl.program_id(0)

    @pl.when(i == 0)
    def _():
        M_s[0, 0] = 0.0

    @pl.when(i < _GRID)
    def _():
        m = jnp.maximum(jnp.max(hA[...]), jnp.max(hB[...]))
        M_s[0, 0] = jnp.maximum(M_s[0, 0], m)

    @pl.when(i == _GRID - 1)
    def _():
        S_ref[0] = _scale_from(M_s[0, 0], SD[1])
        S_ref[1] = SD[1]

    @pl.when(i >= _GRID)
    def _():
        Sv = _scale_from(M_s[0, 0], SD[1])
        qA[...] = jnp.round(hA[...] * Sv).astype(_i32)
        qB[...] = jnp.round(hB[...] * Sv).astype(_i32)


def _split(hA, hB, SD):
    return pl.pallas_call(
        _split_body,
        grid=(2 * _GRID,),
        in_specs=[pl.BlockSpec((RPT, HH), lambda i: (i % _GRID, 0)),
                  pl.BlockSpec((RPT, HH), lambda i: (i % _GRID, 0)),
                  _smemspec()],
        out_specs=[pl.BlockSpec((RPT, HH), lambda i: (i % _GRID, 0)),
                   pl.BlockSpec((RPT, HH), lambda i: (i % _GRID, 0)),
                   _smemspec()],
        out_shape=[jax.ShapeDtypeStruct((NPAD, HH), _i32),
                   jax.ShapeDtypeStruct((NPAD, HH), _i32),
                   jax.ShapeDtypeStruct((2,), _f32)],
        scratch_shapes=[pltpu.SMEM((1, 1), _f32)],
    )(hA, hB, SD)


def _tc1_body(p0, p1, S_ref, x_ref, Wr1, Wo1, b, oA, oB):
    i = pl.program_id(0)
    agg = (p0[...] + p1[...]).astype(_f32) * (1.0 / S_ref[0])
    y = _dot(agg, Wr1[...]) + _dot(x_ref[...], Wo1[...])
    y = jnp.maximum(y + b[...], 0.0)
    y = jnp.where(_row_mask(i), y, 0.0)
    oA[...] = y[:, :HH]
    oB[...] = y[:, HH:]


def _tc_layer1(p0, p1, S0, xp, Wr1p, Wo1p, b1):
    return pl.pallas_call(
        _tc1_body,
        grid=(_GRID,),
        in_specs=[_rowspec(W1), _rowspec(W1), _smemspec(),
                  _rowspec(W1), _fullspec((W1, H)), _fullspec((W1, H)),
                  _fullspec((1, H))],
        out_specs=[_rowspec()] * 2,
        out_shape=[jax.ShapeDtypeStruct((NPAD, HH), _f32)] * 2,
    )(p0, p1, S0, xp, Wr1p, Wo1p, b1.reshape(1, H))


def _tc_layer_body(aA, aB, S_ref, hA, hB, Wr, Wo, b, oA, oB):
    i = pl.program_id(0)
    inv = 1.0 / S_ref[0]
    a = jnp.concatenate([aA[...].astype(_f32), aB[...].astype(_f32)],
                        axis=1) * inv
    h = jnp.concatenate([hA[...], hB[...]], axis=1)
    y = _dot(a, Wr[...]) + _dot(h, Wo[...])
    y = jnp.maximum(y + b[...], 0.0)
    y = jnp.where(_row_mask(i), y, 0.0)
    oA[...] = y[:, :HH]
    oB[...] = y[:, HH:]


def _tc_layer(aA, aB, S, hA, hB, Wr, Wo, b):
    return pl.pallas_call(
        _tc_layer_body,
        grid=(_GRID,),
        in_specs=[_rowspec(), _rowspec(), _smemspec()]
        + [_rowspec()] * 2 + [_fullspec((H, H))] * 2
        + [_fullspec((1, H))],
        out_specs=[_rowspec()] * 2,
        out_shape=[jax.ShapeDtypeStruct((NPAD, HH), _f32)] * 2,
    )(aA, aB, S, hA, hB, Wr, Wo, b.reshape(1, H))


def _head_body(batch_ref, a4A, a4B, S_ref, h3A, h3B, h1A, h1B, h2A, h2B,
               Wr4, Wo4, b4,
               Wf1, bf1, Wf2, bf2, Wf3, bf3, Wf4, bf4,
               out_ref, S, C):
    i = pl.program_id(0)

    @pl.when(i == 0)
    def _():
        S[...] = jnp.zeros_like(S)
        C[...] = jnp.zeros_like(C)

    inv = 1.0 / S_ref[0]
    a4 = jnp.concatenate([a4A[...].astype(_f32), a4B[...].astype(_f32)],
                         axis=1) * inv
    h3 = jnp.concatenate([h3A[...], h3B[...]], axis=1)
    y4 = _dot(a4, Wr4[...]) + _dot(h3, Wo4[...])
    y4 = jnp.maximum(y4 + b4[...], 0.0)

    b_ids = batch_ref[0, 0, :]
    onehot = (lax.broadcasted_iota(_i32, (G, RPT), 0)
              == b_ids[None, :]).astype(_f32)
    parts = [h1A[...], h1B[...], h2A[...], h2B[...], h3A[...], h3B[...],
             y4[:, :HH], y4[:, HH:]]
    for k, hr in enumerate(parts):
        S[:, k * HH:(k + 1) * HH] += _dot(onehot, hr)
    C[...] += jnp.broadcast_to(
        jnp.sum(onehot, axis=1, keepdims=True), (G, HH))

    @pl.when(i == _GRID - 1)
    def _():
        cnt = C[:, 0:1]
        pooled = S[...] / jnp.maximum(cnt, 1.0)
        t = jnp.maximum(_dot(pooled, Wf1[...]) + bf1[...], 0.0)
        t = jnp.maximum(_dot(t, Wf2[...]) + bf2[...], 0.0)
        t = jnp.maximum(_dot(t, Wf3[...]) + bf3[...], 0.0)
        out_ref[...] = _dot(t, Wf4[...]) + bf4[...]


def _head(batchp, a4A, a4B, S3, h3A, h3B, h1A, h1B, h2A, h2B, Wr4, Wo4, b4,
          Wf1, bf1, Wf2, bf2, Wf3, bf3, Wf4, bf4):
    args = [batchp, a4A, a4B, S3, h3A, h3B, h1A, h1B, h2A, h2B,
            Wr4, Wo4, b4.reshape(1, H),
            Wf1, bf1.reshape(1, H), Wf2, bf2.reshape(1, H),
            Wf3, bf3.reshape(1, H), Wf4, bf4.reshape(1, 1)]
    in_specs = (
        [pl.BlockSpec((1, 1, RPT), lambda i: (i, 0, 0))]
        + [_rowspec(), _rowspec(), _smemspec()]
        + [_rowspec()] * 6
        + [_fullspec((H, H))] * 2 + [_fullspec((1, H)),
           _fullspec((4 * H, H)), _fullspec((1, H)),
           _fullspec((H, H)), _fullspec((1, H)),
           _fullspec((H, H)), _fullspec((1, H)),
           _fullspec((H, 1)), _fullspec((1, 1))])
    return pl.pallas_call(
        _head_body,
        grid=(_GRID,),
        in_specs=in_specs,
        out_specs=pl.BlockSpec((G, 1), lambda i: (0, 0)),
        out_shape=jax.ShapeDtypeStruct((G, 1), _f32),
        scratch_shapes=[pltpu.VMEM((G, 4 * H), _f32),
                        pltpu.VMEM((G, HH), _f32)],
    )(*args)


def kernel(x, edge_index, batch,
           Wr1, Wo1, b1, Wr2, Wo2, b2, Wr3, Wo3, b3, Wr4, Wo4, b4,
           Wf1, bf1, Wf2, bf2, Wf3, bf3, Wf4, bf4):
    xp = jnp.zeros((NPAD, W1), _f32).at[:N, :F0].set(x)
    Wr1p = jnp.zeros((W1, H), _f32).at[:F0].set(Wr1)
    Wo1p = jnp.zeros((W1, H), _f32).at[:F0].set(Wo1)
    ones1 = jnp.zeros((NPAD, W1), _i32).at[:N].set(1)

    src = edge_index[0]
    dst = edge_index[1]
    npad_e = EB * BLK - EPT
    spread = (jnp.arange(NTILES)[:, None] * 7
              + jnp.arange(npad_e)[None, :]) % (NPAD - N)
    padi_src = jnp.full((NTILES, npad_e), N, _i32)
    padi_dst = (N + spread).astype(_i32)
    srcp = jnp.concatenate([src.reshape(NTILES, EPT), padi_src],
                           axis=1).reshape(NTILES, EB, BLK)
    dstp = jnp.concatenate([dst.reshape(NTILES, EPT), padi_dst],
                           axis=1).reshape(NTILES, EB, BLK)
    npad_e1 = EB1 * BLK - EPT1
    spread1 = (jnp.arange(32)[:, None] * 13
               + jnp.arange(npad_e1)[None, :]) % (NPAD - N)
    padi1_src = jnp.full((32, npad_e1), N, _i32)
    padi1_dst = (N + spread1).astype(_i32)
    srcp1 = jnp.concatenate([src.reshape(32, EPT1), padi1_src],
                            axis=1).reshape(32, EB1, BLK)
    dstp1 = jnp.concatenate([dst.reshape(32, EPT1), padi1_dst],
                            axis=1).reshape(32, EB1, BLK)
    zrows = jnp.zeros((RPT, HH), _i32)
    zrows1 = jnp.zeros((RPT, W1), _i32)
    batchp = jnp.full((NPAD,), G, _i32).at[:N].set(batch) \
                .reshape(_GRID, 1, RPT)

    c0, c1 = _sc_agg1(ones1, srcp1, dstp1, zrows1)

    xq, S0 = _split1(xp, c0, c1)
    p0, p1 = _sc_agg1(xq, srcp1, dstp1, zrows1)
    h1A, h1B = _tc_layer1(p0, p1, S0, xp, Wr1p, Wo1p, b1)

    q1A, q1B, S1 = _split(h1A, h1B, S0)
    a2A, a2B = _sc_agg(q1A, q1B, srcp, dstp, zrows)
    h2A, h2B = _tc_layer(a2A, a2B, S1, h1A, h1B, Wr2, Wo2, b2)

    q2A, q2B, S2 = _split(h2A, h2B, S1)
    a3A, a3B = _sc_agg(q2A, q2B, srcp, dstp, zrows)
    h3A, h3B = _tc_layer(a3A, a3B, S2, h2A, h2B, Wr3, Wo3, b3)

    q3A, q3B, S3 = _split(h3A, h3B, S2)
    a4A, a4B = _sc_agg(q3A, q3B, srcp, dstp, zrows)
    out = _head(batchp, a4A, a4B, S3, h3A, h3B, h1A, h1B, h2A, h2B,
                Wr4, Wo4, b4, Wf1, bf1, Wf2, bf2, Wf3, bf3, Wf4, bf4)
    return out.reshape(-1)

# --- scband reference (transcript-rebuilt; emitter-appended) ---
"""Pipeline reference for scband-net-gine-63471026700727 (READ-ONLY COPY).

The authoritative reference and input builder live on the scoring server;
editing this copy changes nothing except your own understanding.
"""

import jax, jax.numpy as jnp
import numpy as np

N = 10000
E = 160000
G = 64
F0 = 28
H = 256
DIM = 256


def _glorot(key, shape):
    fan_in, fan_out = shape[0], shape[1]
    lim = np.sqrt(6.0 / (fan_in + fan_out))
    return jax.random.uniform(key, shape, dtype=jnp.float32, minval=-lim, maxval=lim)


def setup_inputs(seed: int = 0) -> dict:
    key = jax.random.key(seed)
    ks = jax.random.split(key, 32)
    inp = {}
    inp['x'] = jax.random.normal(ks[0], (N, F0), dtype=jnp.float32)
    inp['edge_index'] = jax.random.randint(ks[1], (2, E), 0, N, dtype=jnp.int32)
    inp['batch'] = jnp.sort(jax.random.randint(ks[2], (N,), 0, G, dtype=jnp.int32))
    dims = [(F0, H), (H, H), (H, H), (H, H)]
    k = 3
    for i, (din, dout) in enumerate(dims, start=1):
        inp[f'Wr{i}'] = _glorot(ks[k], (din, dout)); k += 1
        inp[f'Wo{i}'] = _glorot(ks[k], (din, dout)); k += 1
        inp[f'b{i}'] = jnp.zeros((dout,), dtype=jnp.float32)
    fcs = [(4 * DIM, DIM), (DIM, DIM), (DIM, DIM), (DIM, 1)]
    for i, (din, dout) in enumerate(fcs, start=1):
        inp[f'Wf{i}'] = _glorot(ks[k], (din, dout)); k += 1
        inp[f'bf{i}'] = jnp.zeros((dout,), dtype=jnp.float32)
    return inp


def reference(x, edge_index, batch,
              Wr1, Wo1, b1, Wr2, Wo2, b2, Wr3, Wo3, b3, Wr4, Wo4, b4,
              Wf1, bf1, Wf2, bf2, Wf3, bf3, Wf4, bf4):
    src = edge_index[0]
    dst = edge_index[1]

    def conv(h, Wr, Wo, b):
        # torch_geometric GraphConv: out = lin_rel(sum_{j in N(i)} x_j) + lin_root(x_i)
        agg = jax.ops.segment_sum(h[src], dst, num_segments=N)
        return agg @ Wr + h @ Wo + b

    x1 = jax.nn.relu(conv(x, Wr1, Wo1, b1))
    x2 = jax.nn.relu(conv(x1, Wr2, Wo2, b2))
    x3 = jax.nn.relu(conv(x2, Wr3, Wo3, b3))
    x4 = jax.nn.relu(conv(x3, Wr4, Wo4, b4))
    h = jnp.concatenate([x1, x2, x3, x4], axis=-1)
    sums = jax.ops.segment_sum(h, batch, num_segments=G)
    counts = jax.ops.segment_sum(jnp.ones((N, 1), dtype=jnp.float32), batch, num_segments=G)
    pooled = sums / jnp.clip(counts, 1.0)
    h = jax.nn.relu(pooled @ Wf1 + bf1)
    h = jax.nn.relu(h @ Wf2 + bf2)
    h = jax.nn.relu(h @ Wf3 + bf3)
    out = h @ Wf4 + bf4
    return out.reshape(-1)

if __name__ == "__main__":
    import jax
    _d = setup_inputs()
    print(jax.jit(kernel)(*tuple(_d.values())))

</pallas_src>

<mosaic_0001>
#map = affine_map<(d0, d1) -> (0, 0)>
#map1 = affine_map<(d0, d1) -> (0, 0, 0)>
module attributes {stable_mosaic.version = 14 : i64} {
  func.func @_sc_agg_body(%arg0: i32, %arg1: i32, %arg2: memref<10112x128xi32, #tpu.memory_space<hbm>>, %arg3: memref<10112x128xi32, #tpu.memory_space<hbm>>, %arg4: memref<16x79x128xi32, #tpu.memory_space<hbm>>, %arg5: memref<16x79x128xi32, #tpu.memory_space<hbm>>, %arg6: memref<632x128xi32, #tpu.memory_space<hbm>>, %arg7: memref<10112x128xi32, #tpu.memory_space<hbm>>, %arg8: memref<10112x128xi32, #tpu.memory_space<hbm>>, %arg9: memref<79x128xi32, #tpu.memory_space<vmem>>, %arg10: memref<79x128xi32, #tpu.memory_space<vmem>>, %arg11: memref<128x128xi32, #tpu.memory_space<vmem>>, %arg12: memref<10112x128xi32, #tpu.memory_space<vmem_shared>>, %arg13: memref<!tpu.dma_semaphore, #tpu.memory_space<semaphore_mem>>) attributes {dimension_semantics = [#tpu.dimension_semantics<core_parallel>, #tpu.dimension_semantics<subcore_parallel>], iteration_bounds = array<i64: 2, 16>, scalar_prefetch = 0 : i64, scratch_operands = 5 : i64, tpu.core_type = #tpu.core_type<sc_vector_subcore>, window_params = [{transform_indices = #map}, {transform_indices = #map}, {transform_indices = #map1}, {transform_indices = #map1}, {transform_indices = #map}, {transform_indices = #map}, {transform_indices = #map}]} {
    "tpu.region"() ({
      %run_scoped3A = tpu.sem_alloc : memref<!tpu.dma_semaphore, #tpu.memory_space<semaphore_mem>>
      %dma_start3A = arith.constant 0 : i32
      %dma_start3A_19 = arith.constant 0 : i32
      %dma_start3A_20 = tpu.memref_slice %arg4[%arg1, %dma_start3A, %dma_start3A_19] : memref<16x79x128xi32, #tpu.memory_space<hbm>> -> memref<1x79x128xi32, #tpu.memory_space<hbm>>
      %dma_start3A_21 = tpu.memref_squeeze %dma_start3A_20 : memref<1x79x128xi32, #tpu.memory_space<hbm>> -> memref<79x128xi32, #tpu.memory_space<hbm>>
      %dma_start3A_22 = arith.constant 0 : i32
      %dma_start3A_23 = arith.constant 0 : i32
      %dma_start3A_24 = tpu.memref_slice %arg4[%arg1, %dma_start3A_22, %dma_start3A_23] : memref<16x79x128xi32, #tpu.memory_space<hbm>> -> memref<1x79x128xi32, #tpu.memory_space<hbm>>
      %dma_start3A_25 = tpu.memref_squeeze %dma_start3A_24 : memref<1x79x128xi32, #tpu.memory_space<hbm>> -> memref<79x128xi32, #tpu.memory_space<hbm>>
      tpu.enqueue_dma source(%dma_start3A_25 : memref<79x128xi32, #tpu.memory_space<hbm>>) target(%arg9 : memref<79x128xi32, #tpu.memory_space<vmem>>) target_semaphore(%run_scoped3A : memref<!tpu.dma_semaphore, #tpu.memory_space<semaphore_mem>>)
      %dma_wait3A = arith.constant 0 : i32
      %dma_wait3A_26 = arith.constant 0 : i32
      %dma_wait3A_27 = tpu.memref_slice %arg4[%arg1, %dma_wait3A, %dma_wait3A_26] : memref<16x79x128xi32, #tpu.memory_space<hbm>> -> memref<1x79x128xi32, #tpu.memory_space<hbm>>
      %dma_wait3A_28 = tpu.memref_squeeze %dma_wait3A_27 : memref<1x79x128xi32, #tpu.memory_space<hbm>> -> memref<79x128xi32, #tpu.memory_space<hbm>>
      %dma_wait3A_29 = arith.constant 0 : i32
      %dma_wait3A_30 = arith.constant 0 : i32
      %dma_wait3A_31 = tpu.memref_slice %arg4[%arg1, %dma_wait3A_29, %dma_wait3A_30] : memref<16x79x128xi32, #tpu.memory_space<hbm>> -> memref<1x79x128xi32, #tpu.memory_space<hbm>>
      %dma_wait3A_32 = tpu.memref_squeeze %dma_wait3A_31 : memref<1x79x128xi32, #tpu.memory_space<hbm>> -> memref<79x128xi32, #tpu.memory_space<hbm>>
      tpu.wait_dma2 semaphore(%run_scoped3A : memref<!tpu.dma_semaphore, #tpu.memory_space<semaphore_mem>>) src(%dma_wait3A_32 : memref<79x128xi32, #tpu.memory_space<hbm>>) dst(%arg9 : memref<79x128xi32, #tpu.memory_space<vmem>>)
      tpu.yield
    }) : () -> ()
    "tpu.region"() ({
      %run_scoped3A = tpu.sem_alloc : memref<!tpu.dma_semaphore, #tpu.memory_space<semaphore_mem>>
      %dma_start3A = arith.constant 0 : i32
      %dma_start3A_19 = arith.constant 0 : i32
      %dma_start3A_20 = tpu.memref_slice %arg5[%arg1, %dma_start3A, %dma_start3A_19] : memref<16x79x128xi32, #tpu.memory_space<hbm>> -> memref<1x79x128xi32, #tpu.memory_space<hbm>>
      %dma_start3A_21 = tpu.memref_squeeze %dma_start3A_20 : memref<1x79x128xi32, #tpu.memory_space<hbm>> -> memref<79x128xi32, #tpu.memory_space<hbm>>
      %dma_start3A_22 = arith.constant 0 : i32
      %dma_start3A_23 = arith.constant 0 : i32
      %dma_start3A_24 = tpu.memref_slice %arg5[%arg1, %dma_start3A_22, %dma_start3A_23] : memref<16x79x128xi32, #tpu.memory_space<hbm>> -> memref<1x79x128xi32, #tpu.memory_space<hbm>>
      %dma_start3A_25 = tpu.memref_squeeze %dma_start3A_24 : memref<1x79x128xi32, #tpu.memory_space<hbm>> -> memref<79x128xi32, #tpu.memory_space<hbm>>
      tpu.enqueue_dma source(%dma_start3A_25 : memref<79x128xi32, #tpu.memory_space<hbm>>) target(%arg10 : memref<79x128xi32, #tpu.memory_space<vmem>>) target_semaphore(%run_scoped3A : memref<!tpu.dma_semaphore, #tpu.memory_space<semaphore_mem>>)
      %dma_wait3A = arith.constant 0 : i32
      %dma_wait3A_26 = arith.constant 0 : i32
      %dma_wait3A_27 = tpu.memref_slice %arg5[%arg1, %dma_wait3A, %dma_wait3A_26] : memref<16x79x128xi32, #tpu.memory_space<hbm>> -> memref<1x79x128xi32, #tpu.memory_space<hbm>>
      %dma_wait3A_28 = tpu.memref_squeeze %dma_wait3A_27 : memref<1x79x128xi32, #tpu.memory_space<hbm>> -> memref<79x128xi32, #tpu.memory_space<hbm>>
      %dma_wait3A_29 = arith.constant 0 : i32
      %dma_wait3A_30 = arith.constant 0 : i32
      %dma_wait3A_31 = tpu.memref_slice %arg5[%arg1, %dma_wait3A_29, %dma_wait3A_30] : memref<16x79x128xi32, #tpu.memory_space<hbm>> -> memref<1x79x128xi32, #tpu.memory_space<hbm>>
      %dma_wait3A_32 = tpu.memref_squeeze %dma_wait3A_31 : memref<1x79x128xi32, #tpu.memory_space<hbm>> -> memref<79x128xi32, #tpu.memory_space<hbm>>
      tpu.wait_dma2 semaphore(%run_scoped3A : memref<!tpu.dma_semaphore, #tpu.memory_space<semaphore_mem>>) src(%dma_wait3A_32 : memref<79x128xi32, #tpu.memory_space<hbm>>) dst(%arg10 : memref<79x128xi32, #tpu.memory_space<vmem>>)
      tpu.yield
    }) : () -> ()
    %mul3A = arith.constant 632 : i32
    %mul3A_0 = arith.muli %arg1, %mul3A : i32
    "tpu.region"() ({
      %run_scoped3A = tpu.sem_alloc : memref<!tpu.dma_semaphore, #tpu.memory_space<semaphore_mem>>
      %dma_start3A = arith.constant 0 : i32
      %dma_start3A_19 = tpu.memref_slice %arg12[%mul3A_0, %dma_start3A] : memref<10112x128xi32, #tpu.memory_space<vmem_shared>> -> memref<632x128xi32, #tpu.memory_space<vmem_shared>>
      tpu.enqueue_dma source(%arg6 : memref<632x128xi32, #tpu.memory_space<hbm>>) target(%dma_start3A_19 : memref<632x128xi32, #tpu.memory_space<vmem_shared>>) target_semaphore(%run_scoped3A : memref<!tpu.dma_semaphore, #tpu.memory_space<semaphore_mem>>)
      %dma_wait3A = arith.constant 0 : i32
      %dma_wait3A_20 = tpu.memref_slice %arg12[%mul3A_0, %dma_wait3A] : memref<10112x128xi32, #tpu.memory_space<vmem_shared>> -> memref<632x128xi32, #tpu.memory_space<vmem_shared>>
      tpu.wait_dma2 semaphore(%run_scoped3A : memref<!tpu.dma_semaphore, #tpu.memory_space<semaphore_mem>>) src(%arg6 : memref<632x128xi32, #tpu.memory_space<hbm>>) dst(%dma_wait3A_20 : memref<632x128xi32, #tpu.memory_space<vmem_shared>>)
      tpu.yield
    }) : () -> ()
    %barrier3A = arith.constant 0 : index
    tpu.barrier barrier_id(%barrier3A)
    %eq3A = arith.constant 0 : i32
    %eq3A_1 = arith.cmpi eq, %arg0, %eq3A : i32
    %convert_element_type3A = arith.extui %eq3A_1 : i1 to i32
    %cond3A = arith.constant 0 : i32
    %cond3A_2 = arith.cmpi ne, %convert_element_type3A, %cond3A : i32
    scf.if %cond3A_2 {
      %scan3A = arith.constant 0 : i32
      %scan3A_19 = arith.constant 0 : i32
      %scan3A_20 = arith.constant 79 : i32
      %scan3A_21 = arith.addi %scan3A_19, %scan3A_20 : i32
      %scan3A_22 = arith.constant 1 : i32
      scf.for %scan3A_24 = %scan3A_19 to %scan3A_21 step %scan3A_22  : i32 {
        %dma_start3A = arith.constant 0 : i32
        %dma_start3A_25 = tpu.memref_slice %arg9[%scan3A_24, %dma_start3A] : memref<79x128xi32, #tpu.memory_space<vmem>> -> memref<1x128xi32, #tpu.memory_space<vmem>>
        %dma_start3A_26 = tpu.memref_squeeze %dma_start3A_25 : memref<1x128xi32, #tpu.memory_space<vmem>> -> memref<128xi32, #tpu.memory_space<vmem>>
        %dma_start3A_27 = arith.constant 0 : i32
        %dma_start3A_28 = arith.constant 0 : i32
        %dma_start3A_29 = tpu.memref_slice %arg2[%dma_start3A_27, %dma_start3A_28] : memref<10112x128xi32, #tpu.memory_space<hbm>> -> memref<10112x128xi32, #tpu.memory_space<hbm>>
        tpu.enqueue_indirect_dma source(%dma_start3A_29 : memref<10112x128xi32, #tpu.memory_space<hbm>>) target(%arg11 : memref<128x128xi32, #tpu.memory_space<vmem>>) offsets(%dma_start3A_26 : memref<128xi32, #tpu.memory_space<vmem>>) semaphore(%arg13 : memref<!tpu.dma_semaphore, #tpu.memory_space<semaphore_mem>>)
        %dma_wait3A = arith.constant 0 : i32
        %dma_wait3A_30 = tpu.memref_slice %arg9[%scan3A_24, %dma_wait3A] : memref<79x128xi32, #tpu.memory_space<vmem>> -> memref<1x128xi32, #tpu.memory_space<vmem>>
        %dma_wait3A_31 = tpu.memref_squeeze %dma_wait3A_30 : memref<1x128xi32, #tpu.memory_space<vmem>> -> memref<128xi32, #tpu.memory_space<vmem>>
        %dma_wait3A_32 = arith.constant 0 : i32
        %dma_wait3A_33 = arith.constant 0 : i32
        %dma_wait3A_34 = tpu.memref_slice %arg2[%dma_wait3A_32, %dma_wait3A_33] : memref<10112x128xi32, #tpu.memory_space<hbm>> -> memref<10112x128xi32, #tpu.memory_space<hbm>>
        tpu.wait_indirect_dma semaphore(%arg13 : memref<!tpu.dma_semaphore, #tpu.memory_space<semaphore_mem>>) src(%dma_wait3A_34 : memref<10112x128xi32, #tpu.memory_space<hbm>>) dst(%arg11 : memref<128x128xi32, #tpu.memory_space<vmem>>)
        "tpu.region"() ({
          %run_scoped3A = tpu.sem_alloc : memref<!tpu.dma_semaphore, #tpu.memory_space<semaphore_mem>>
          %dma_start3A_35 = arith.constant 0 : i32
          %dma_start3A_36 = tpu.memref_slice %arg10[%scan3A_24, %dma_start3A_35] : memref<79x128xi32, #tpu.memory_space<vmem>> -> memref<1x128xi32, #tpu.memory_space<vmem>>
          %dma_start3A_37 = tpu.memref_squeeze %dma_start3A_36 : memref<1x128xi32, #tpu.memory_space<vmem>> -> memref<128xi32, #tpu.memory_space<vmem>>
          %dma_start3A_38 = arith.constant 0 : i32
          %dma_start3A_39 = arith.constant 0 : i32
          %dma_start3A_40 = tpu.memref_slice %arg12[%dma_start3A_38, %dma_start3A_39] : memref<10112x128xi32, #tpu.memory_space<vmem_shared>> -> memref<10112x128xi32, #tpu.memory_space<vmem_shared>>
          tpu.enqueue_indirect_dma source(%arg11 : memref<128x128xi32, #tpu.memory_space<vmem>>) target(%dma_start3A_40 : memref<10112x128xi32, #tpu.memory_space<vmem_shared>>) offsets(%dma_start3A_37 : memref<128xi32, #tpu.memory_space<vmem>>) semaphore(%run_scoped3A : memref<!tpu.dma_semaphore, #tpu.memory_space<semaphore_mem>>) {add = true}
          %dma_wait3A_41 = arith.constant 0 : i32
          %dma_wait3A_42 = tpu.memref_slice %arg10[%scan3A_24, %dma_wait3A_41] : memref<79x128xi32, #tpu.memory_space<vmem>> -> memref<1x128xi32, #tpu.memory_space<vmem>>
          %dma_wait3A_43 = tpu.memref_squeeze %dma_wait3A_42 : memref<1x128xi32, #tpu.memory_space<vmem>> -> memref<128xi32, #tpu.memory_space<vmem>>
          %dma_wait3A_44 = arith.constant 0 : i32
          %dma_wait3A_45 = arith.constant 0 : i32
          %dma_wait3A_46 = tpu.memref_slice %arg12[%dma_wait3A_44, %dma_wait3A_45] : memref<10112x128xi32, #tpu.memory_space<vmem_shared>> -> memref<10112x128xi32, #tpu.memory_space<vmem_shared>>
          tpu.wait_indirect_dma semaphore(%run_scoped3A : memref<!tpu.dma_semaphore, #tpu.memory_space<semaphore_mem>>) src(%arg11 : memref<128x128xi32, #tpu.memory_space<vmem>>) dst(%dma_wait3A_46 : memref<10112x128xi32, #tpu.memory_space<vmem_shared>>)
          tpu.yield
        }) : () -> ()
      }
      %scan3A_23 = arith.constant 79 : i32
    } else {
    }
    %eq3A_3 = arith.constant 1 : i32
    %eq3A_4 = arith.cmpi eq, %arg0, %eq3A_3 : i32
    %convert_element_type3A_5 = arith.extui %eq3A_4 : i1 to i32
    %cond3A_6 = arith.constant 0 : i32
    %cond3A_7 = arith.cmpi ne, %convert_element_type3A_5, %cond3A_6 : i32
    scf.if %cond3A_7 {
      %scan3A = arith.constant 0 : i32
      %scan3A_19 = arith.constant 0 : i32
      %scan3A_20 = arith.constant 79 : i32
      %scan3A_21 = arith.addi %scan3A_19, %scan3A_20 : i32
      %scan3A_22 = arith.constant 1 : i32
      scf.for %scan3A_24 = %scan3A_19 to %scan3A_21 step %scan3A_22  : i32 {
        %dma_start3A = arith.constant 0 : i32
        %dma_start3A_25 = tpu.memref_slice %arg9[%scan3A_24, %dma_start3A] : memref<79x128xi32, #tpu.memory_space<vmem>> -> memref<1x128xi32, #tpu.memory_space<vmem>>
        %dma_start3A_26 = tpu.memref_squeeze %dma_start3A_25 : memref<1x128xi32, #tpu.memory_space<vmem>> -> memref<128xi32, #tpu.memory_space<vmem>>
        %dma_start3A_27 = arith.constant 0 : i32
        %dma_start3A_28 = arith.constant 0 : i32
        %dma_start3A_29 = tpu.memref_slice %arg3[%dma_start3A_27, %dma_start3A_28] : memref<10112x128xi32, #tpu.memory_space<hbm>> -> memref<10112x128xi32, #tpu.memory_space<hbm>>
        tpu.enqueue_indirect_dma source(%dma_start3A_29 : memref<10112x128xi32, #tpu.memory_space<hbm>>) target(%arg11 : memref<128x128xi32, #tpu.memory_space<vmem>>) offsets(%dma_start3A_26 : memref<128xi32, #tpu.memory_space<vmem>>) semaphore(%arg13 : memref<!tpu.dma_semaphore, #tpu.memory_space<semaphore_mem>>)
        %dma_wait3A = arith.constant 0 : i32
        %dma_wait3A_30 = tpu.memref_slice %arg9[%scan3A_24, %dma_wait3A] : memref<79x128xi32, #tpu.memory_space<vmem>> -> memref<1x128xi32, #tpu.memory_space<vmem>>
        %dma_wait3A_31 = tpu.memref_squeeze %dma_wait3A_30 : memref<1x128xi32, #tpu.memory_space<vmem>> -> memref<128xi32, #tpu.memory_space<vmem>>
        %dma_wait3A_32 = arith.constant 0 : i32
        %dma_wait3A_33 = arith.constant 0 : i32
        %dma_wait3A_34 = tpu.memref_slice %arg3[%dma_wait3A_32, %dma_wait3A_33] : memref<10112x128xi32, #tpu.memory_space<hbm>> -> memref<10112x128xi32, #tpu.memory_space<hbm>>
        tpu.wait_indirect_dma semaphore(%arg13 : memref<!tpu.dma_semaphore, #tpu.memory_space<semaphore_mem>>) src(%dma_wait3A_34 : memref<10112x128xi32, #tpu.memory_space<hbm>>) dst(%arg11 : memref<128x128xi32, #tpu.memory_space<vmem>>)
        "tpu.region"() ({
          %run_scoped3A = tpu.sem_alloc : memref<!tpu.dma_semaphore, #tpu.memory_space<semaphore_mem>>
          %dma_start3A_35 = arith.constant 0 : i32
          %dma_start3A_36 = tpu.memref_slice %arg10[%scan3A_24, %dma_start3A_35] : memref<79x128xi32, #tpu.memory_space<vmem>> -> memref<1x128xi32, #tpu.memory_space<vmem>>
          %dma_start3A_37 = tpu.memref_squeeze %dma_start3A_36 : memref<1x128xi32, #tpu.memory_space<vmem>> -> memref<128xi32, #tpu.memory_space<vmem>>
          %dma_start3A_38 = arith.constant 0 : i32
          %dma_start3A_39 = arith.constant 0 : i32
          %dma_start3A_40 = tpu.memref_slice %arg12[%dma_start3A_38, %dma_start3A_39] : memref<10112x128xi32, #tpu.memory_space<vmem_shared>> -> memref<10112x128xi32, #tpu.memory_space<vmem_shared>>
          tpu.enqueue_indirect_dma source(%arg11 : memref<128x128xi32, #tpu.memory_space<vmem>>) target(%dma_start3A_40 : memref<10112x128xi32, #tpu.memory_space<vmem_shared>>) offsets(%dma_start3A_37 : memref<128xi32, #tpu.memory_space<vmem>>) semaphore(%run_scoped3A : memref<!tpu.dma_semaphore, #tpu.memory_space<semaphore_mem>>) {add = true}
          %dma_wait3A_41 = arith.constant 0 : i32
          %dma_wait3A_42 = tpu.memref_slice %arg10[%scan3A_24, %dma_wait3A_41] : memref<79x128xi32, #tpu.memory_space<vmem>> -> memref<1x128xi32, #tpu.memory_space<vmem>>
          %dma_wait3A_43 = tpu.memref_squeeze %dma_wait3A_42 : memref<1x128xi32, #tpu.memory_space<vmem>> -> memref<128xi32, #tpu.memory_space<vmem>>
          %dma_wait3A_44 = arith.constant 0 : i32
          %dma_wait3A_45 = arith.constant 0 : i32
          %dma_wait3A_46 = tpu.memref_slice %arg12[%dma_wait3A_44, %dma_wait3A_45] : memref<10112x128xi32, #tpu.memory_space<vmem_shared>> -> memref<10112x128xi32, #tpu.memory_space<vmem_shared>>
          tpu.wait_indirect_dma semaphore(%run_scoped3A : memref<!tpu.dma_semaphore, #tpu.memory_space<semaphore_mem>>) src(%arg11 : memref<128x128xi32, #tpu.memory_space<vmem>>) dst(%dma_wait3A_46 : memref<10112x128xi32, #tpu.memory_space<vmem_shared>>)
          tpu.yield
        }) : () -> ()
      }
      %scan3A_23 = arith.constant 79 : i32
    } else {
    }
    %barrier3A_8 = arith.constant 0 : index
    tpu.barrier barrier_id(%barrier3A_8)
    %eq3A_9 = arith.constant 0 : i32
    %eq3A_10 = arith.cmpi eq, %arg0, %eq3A_9 : i32
    %convert_element_type3A_11 = arith.extui %eq3A_10 : i1 to i32
    %cond3A_12 = arith.constant 0 : i32
    %cond3A_13 = arith.cmpi ne, %convert_element_type3A_11, %cond3A_12 : i32
    scf.if %cond3A_13 {
      %mul3A_19 = arith.constant 632 : i32
      %mul3A_20 = arith.muli %arg1, %mul3A_19 : i32
      %mul3A_21 = arith.constant 632 : i32
      %mul3A_22 = arith.muli %arg1, %mul3A_21 : i32
      "tpu.region"() ({
        %run_scoped3A = tpu.sem_alloc : memref<!tpu.dma_semaphore, #tpu.memory_space<semaphore_mem>>
        %dma_start3A = arith.constant 0 : i32
        %dma_start3A_23 = tpu.memref_slice %arg7[%mul3A_22, %dma_start3A] : memref<10112x128xi32, #tpu.memory_space<hbm>> -> memref<632x128xi32, #tpu.memory_space<hbm>>
        %dma_start3A_24 = arith.constant 0 : i32
        %dma_start3A_25 = tpu.memref_slice %arg12[%mul3A_20, %dma_start3A_24] : memref<10112x128xi32, #tpu.memory_space<vmem_shared>> -> memref<632x128xi32, #tpu.memory_space<vmem_shared>>
        tpu.enqueue_dma source(%dma_start3A_25 : memref<632x128xi32, #tpu.memory_space<vmem_shared>>) target(%dma_start3A_23 : memref<632x128xi32, #tpu.memory_space<hbm>>) target_semaphore(%run_scoped3A : memref<!tpu.dma_semaphore, #tpu.memory_space<semaphore_mem>>)
        %dma_wait3A = arith.constant 0 : i32
        %dma_wait3A_26 = tpu.memref_slice %arg7[%mul3A_22, %dma_wait3A] : memref<10112x128xi32, #tpu.memory_space<hbm>> -> memref<632x128xi32, #tpu.memory_space<hbm>>
        %dma_wait3A_27 = arith.constant 0 : i32
        %dma_wait3A_28 = tpu.memref_slice %arg12[%mul3A_20, %dma_wait3A_27] : memref<10112x128xi32, #tpu.memory_space<vmem_shared>> -> memref<632x128xi32, #tpu.memory_space<vmem_shared>>
        tpu.wait_dma2 semaphore(%run_scoped3A : memref<!tpu.dma_semaphore, #tpu.memory_space<semaphore_mem>>) src(%dma_wait3A_28 : memref<632x128xi32, #tpu.memory_space<vmem_shared>>) dst(%dma_wait3A_26 : memref<632x128xi32, #tpu.memory_space<hbm>>)
        tpu.yield
      }) : () -> ()
    } else {
    }
    %eq3A_14 = arith.constant 1 : i32
    %eq3A_15 = arith.cmpi eq, %arg0, %eq3A_14 : i32
    %convert_element_type3A_16 = arith.extui %eq3A_15 : i1 to i32
    %cond3A_17 = arith.constant 0 : i32
    %cond3A_18 = arith.cmpi ne, %convert_element_type3A_16, %cond3A_17 : i32
    scf.if %cond3A_18 {
      %mul3A_19 = arith.constant 632 : i32
      %mul3A_20 = arith.muli %arg1, %mul3A_19 : i32
      %mul3A_21 = arith.constant 632 : i32
      %mul3A_22 = arith.muli %arg1, %mul3A_21 : i32
      "tpu.region"() ({
        %run_scoped3A = tpu.sem_alloc : memref<!tpu.dma_semaphore, #tpu.memory_space<semaphore_mem>>
        %dma_start3A = arith.constant 0 : i32
        %dma_start3A_23 = tpu.memref_slice %arg8[%mul3A_22, %dma_start3A] : memref<10112x128xi32, #tpu.memory_space<hbm>> -> memref<632x128xi32, #tpu.memory_space<hbm>>
        %dma_start3A_24 = arith.constant 0 : i32
        %dma_start3A_25 = tpu.memref_slice %arg12[%mul3A_20, %dma_start3A_24] : memref<10112x128xi32, #tpu.memory_space<vmem_shared>> -> memref<632x128xi32, #tpu.memory_space<vmem_shared>>
        tpu.enqueue_dma source(%dma_start3A_25 : memref<632x128xi32, #tpu.memory_space<vmem_shared>>) target(%dma_start3A_23 : memref<632x128xi32, #tpu.memory_space<hbm>>) target_semaphore(%run_scoped3A : memref<!tpu.dma_semaphore, #tpu.memory_space<semaphore_mem>>)
        %dma_wait3A = arith.constant 0 : i32
        %dma_wait3A_26 = tpu.memref_slice %arg8[%mul3A_22, %dma_wait3A] : memref<10112x128xi32, #tpu.memory_space<hbm>> -> memref<632x128xi32, #tpu.memory_space<hbm>>
        %dma_wait3A_27 = arith.constant 0 : i32
        %dma_wait3A_28 = tpu.memref_slice %arg12[%mul3A_20, %dma_wait3A_27] : memref<10112x128xi32, #tpu.memory_space<vmem_shared>> -> memref<632x128xi32, #tpu.memory_space<vmem_shared>>
        tpu.wait_dma2 semaphore(%run_scoped3A : memref<!tpu.dma_semaphore, #tpu.memory_space<semaphore_mem>>) src(%dma_wait3A_28 : memref<632x128xi32, #tpu.memory_space<vmem_shared>>) dst(%dma_wait3A_26 : memref<632x128xi32, #tpu.memory_space<hbm>>)
        tpu.yield
      }) : () -> ()
    } else {
    }
    return
  }
}

#map = affine_map<(d0, d1) -> (0, 0)>
#map1 = affine_map<(d0, d1) -> (0, 0, 0)>
module attributes {stable_mosaic.version = 14 : i64} {
  func.func @_sc_agg1_body(%arg0: i32, %arg1: i32, %arg2: memref<10112x32xi32, #tpu.memory_space<hbm>>, %arg3: memref<32x40x128xi32, #tpu.memory_space<hbm>>, %arg4: memref<32x40x128xi32, #tpu.memory_space<hbm>>, %arg5: memref<632x32xi32, #tpu.memory_space<hbm>>, %arg6: memref<10112x32xi32, #tpu.memory_space<hbm>>, %arg7: memref<10112x32xi32, #tpu.memory_space<hbm>>, %arg8: memref<40x128xi32, #tpu.memory_space<vmem>>, %arg9: memref<40x128xi32, #tpu.memory_space<vmem>>, %arg10: memref<128x32xi32, #tpu.memory_space<vmem>>, %arg11: memref<10112x32xi32, #tpu.memory_space<vmem_shared>>, %arg12: memref<!tpu.dma_semaphore, #tpu.memory_space<semaphore_mem>>) attributes {dimension_semantics = [#tpu.dimension_semantics<core_parallel>, #tpu.dimension_semantics<subcore_parallel>], iteration_bounds = array<i64: 2, 16>, scalar_prefetch = 0 : i64, scratch_operands = 5 : i64, tpu.core_type = #tpu.core_type<sc_vector_subcore>, window_params = [{transform_indices = #map}, {transform_indices = #map1}, {transform_indices = #map1}, {transform_indices = #map}, {transform_indices = #map}, {transform_indices = #map}]} {
    %mul3A = arith.constant 2 : i32
    %mul3A_0 = arith.muli %arg1, %mul3A : i32
    %add3A = arith.addi %mul3A_0, %arg0 : i32
    "tpu.region"() ({
      %run_scoped3A = tpu.sem_alloc : memref<!tpu.dma_semaphore, #tpu.memory_space<semaphore_mem>>
      %dma_start3A = arith.constant 0 : i32
      %dma_start3A_16 = arith.constant 0 : i32
      %dma_start3A_17 = tpu.memref_slice %arg3[%add3A, %dma_start3A, %dma_start3A_16] : memref<32x40x128xi32, #tpu.memory_space<hbm>> -> memref<1x40x128xi32, #tpu.memory_space<hbm>>
      %dma_start3A_18 = tpu.memref_squeeze %dma_start3A_17 : memref<1x40x128xi32, #tpu.memory_space<hbm>> -> memref<40x128xi32, #tpu.memory_space<hbm>>
      %dma_start3A_19 = arith.constant 0 : i32
      %dma_start3A_20 = arith.constant 0 : i32
      %dma_start3A_21 = tpu.memref_slice %arg3[%add3A, %dma_start3A_19, %dma_start3A_20] : memref<32x40x128xi32, #tpu.memory_space<hbm>> -> memref<1x40x128xi32, #tpu.memory_space<hbm>>
      %dma_start3A_22 = tpu.memref_squeeze %dma_start3A_21 : memref<1x40x128xi32, #tpu.memory_space<hbm>> -> memref<40x128xi32, #tpu.memory_space<hbm>>
      tpu.enqueue_dma source(%dma_start3A_22 : memref<40x128xi32, #tpu.memory_space<hbm>>) target(%arg8 : memref<40x128xi32, #tpu.memory_space<vmem>>) target_semaphore(%run_scoped3A : memref<!tpu.dma_semaphore, #tpu.memory_space<semaphore_mem>>)
      %dma_wait3A = arith.constant 0 : i32
      %dma_wait3A_23 = arith.constant 0 : i32
      %dma_wait3A_24 = tpu.memref_slice %arg3[%add3A, %dma_wait3A, %dma_wait3A_23] : memref<32x40x128xi32, #tpu.memory_space<hbm>> -> memref<1x40x128xi32, #tpu.memory_space<hbm>>
      %dma_wait3A_25 = tpu.memref_squeeze %dma_wait3A_24 : memref<1x40x128xi32, #tpu.memory_space<hbm>> -> memref<40x128xi32, #tpu.memory_space<hbm>>
      %dma_wait3A_26 = arith.constant 0 : i32
      %dma_wait3A_27 = arith.constant 0 : i32
      %dma_wait3A_28 = tpu.memref_slice %arg3[%add3A, %dma_wait3A_26, %dma_wait3A_27] : memref<32x40x128xi32, #tpu.memory_space<hbm>> -> memref<1x40x128xi32, #tpu.memory_space<hbm>>
      %dma_wait3A_29 = tpu.memref_squeeze %dma_wait3A_28 : memref<1x40x128xi32, #tpu.memory_space<hbm>> -> memref<40x128xi32, #tpu.memory_space<hbm>>
      tpu.wait_dma2 semaphore(%run_scoped3A : memref<!tpu.dma_semaphore, #tpu.memory_space<semaphore_mem>>) src(%dma_wait3A_29 : memref<40x128xi32, #tpu.memory_space<hbm>>) dst(%arg8 : memref<40x128xi32, #tpu.memory_space<vmem>>)
      tpu.yield
    }) : () -> ()
    "tpu.region"() ({
      %run_scoped3A = tpu.sem_alloc : memref<!tpu.dma_semaphore, #tpu.memory_space<semaphore_mem>>
      %dma_start3A = arith.constant 0 : i32
      %dma_start3A_16 = arith.constant 0 : i32
      %dma_start3A_17 = tpu.memref_slice %arg4[%add3A, %dma_start3A, %dma_start3A_16] : memref<32x40x128xi32, #tpu.memory_space<hbm>> -> memref<1x40x128xi32, #tpu.memory_space<hbm>>
      %dma_start3A_18 = tpu.memref_squeeze %dma_start3A_17 : memref<1x40x128xi32, #tpu.memory_space<hbm>> -> memref<40x128xi32, #tpu.memory_space<hbm>>
      %dma_start3A_19 = arith.constant 0 : i32
      %dma_start3A_20 = arith.constant 0 : i32
      %dma_start3A_21 = tpu.memref_slice %arg4[%add3A, %dma_start3A_19, %dma_start3A_20] : memref<32x40x128xi32, #tpu.memory_space<hbm>> -> memref<1x40x128xi32, #tpu.memory_space<hbm>>
      %dma_start3A_22 = tpu.memref_squeeze %dma_start3A_21 : memref<1x40x128xi32, #tpu.memory_space<hbm>> -> memref<40x128xi32, #tpu.memory_space<hbm>>
      tpu.enqueue_dma source(%dma_start3A_22 : memref<40x128xi32, #tpu.memory_space<hbm>>) target(%arg9 : memref<40x128xi32, #tpu.memory_space<vmem>>) target_semaphore(%run_scoped3A : memref<!tpu.dma_semaphore, #tpu.memory_space<semaphore_mem>>)
      %dma_wait3A = arith.constant 0 : i32
      %dma_wait3A_23 = arith.constant 0 : i32
      %dma_wait3A_24 = tpu.memref_slice %arg4[%add3A, %dma_wait3A, %dma_wait3A_23] : memref<32x40x128xi32, #tpu.memory_space<hbm>> -> memref<1x40x128xi32, #tpu.memory_space<hbm>>
      %dma_wait3A_25 = tpu.memref_squeeze %dma_wait3A_24 : memref<1x40x128xi32, #tpu.memory_space<hbm>> -> memref<40x128xi32, #tpu.memory_space<hbm>>
      %dma_wait3A_26 = arith.constant 0 : i32
      %dma_wait3A_27 = arith.constant 0 : i32
      %dma_wait3A_28 = tpu.memref_slice %arg4[%add3A, %dma_wait3A_26, %dma_wait3A_27] : memref<32x40x128xi32, #tpu.memory_space<hbm>> -> memref<1x40x128xi32, #tpu.memory_space<hbm>>
      %dma_wait3A_29 = tpu.memref_squeeze %dma_wait3A_28 : memref<1x40x128xi32, #tpu.memory_space<hbm>> -> memref<40x128xi32, #tpu.memory_space<hbm>>
      tpu.wait_dma2 semaphore(%run_scoped3A : memref<!tpu.dma_semaphore, #tpu.memory_space<semaphore_mem>>) src(%dma_wait3A_29 : memref<40x128xi32, #tpu.memory_space<hbm>>) dst(%arg9 : memref<40x128xi32, #tpu.memory_space<vmem>>)
      tpu.yield
    }) : () -> ()
    %mul3A_1 = arith.constant 632 : i32
    %mul3A_2 = arith.muli %arg1, %mul3A_1 : i32
    "tpu.region"() ({
      %run_scoped3A = tpu.sem_alloc : memref<!tpu.dma_semaphore, #tpu.memory_space<semaphore_mem>>
      %dma_start3A = arith.constant 0 : i32
      %dma_start3A_16 = tpu.memref_slice %arg11[%mul3A_2, %dma_start3A] : memref<10112x32xi32, #tpu.memory_space<vmem_shared>> -> memref<632x32xi32, #tpu.memory_space<vmem_shared>>
      tpu.enqueue_dma source(%arg5 : memref<632x32xi32, #tpu.memory_space<hbm>>) target(%dma_start3A_16 : memref<632x32xi32, #tpu.memory_space<vmem_shared>>) target_semaphore(%run_scoped3A : memref<!tpu.dma_semaphore, #tpu.memory_space<semaphore_mem>>)
      %dma_wait3A = arith.constant 0 : i32
      %dma_wait3A_17 = tpu.memref_slice %arg11[%mul3A_2, %dma_wait3A] : memref<10112x32xi32, #tpu.memory_space<vmem_shared>> -> memref<632x32xi32, #tpu.memory_space<vmem_shared>>
      tpu.wait_dma2 semaphore(%run_scoped3A : memref<!tpu.dma_semaphore, #tpu.memory_space<semaphore_mem>>) src(%arg5 : memref<632x32xi32, #tpu.memory_space<hbm>>) dst(%dma_wait3A_17 : memref<632x32xi32, #tpu.memory_space<vmem_shared>>)
      tpu.yield
    }) : () -> ()
    %barrier3A = arith.constant 0 : index
    tpu.barrier barrier_id(%barrier3A)
    %scan3A = arith.constant 0 : i32
    %scan3A_3 = arith.constant 0 : i32
    %scan3A_4 = arith.constant 40 : i32
    %scan3A_5 = arith.addi %scan3A_3, %scan3A_4 : i32
    %scan3A_6 = arith.constant 1 : i32
    scf.for %scan3A_16 = %scan3A_3 to %scan3A_5 step %scan3A_6  : i32 {
      %dma_start3A = arith.constant 0 : i32
      %dma_start3A_17 = tpu.memref_slice %arg8[%scan3A_16, %dma_start3A] : memref<40x128xi32, #tpu.memory_space<vmem>> -> memref<1x128xi32, #tpu.memory_space<vmem>>
      %dma_start3A_18 = tpu.memref_squeeze %dma_start3A_17 : memref<1x128xi32, #tpu.memory_space<vmem>> -> memref<128xi32, #tpu.memory_space<vmem>>
      %dma_start3A_19 = arith.constant 0 : i32
      %dma_start3A_20 = arith.constant 0 : i32
      %dma_start3A_21 = tpu.memref_slice %arg2[%dma_start3A_19, %dma_start3A_20] : memref<10112x32xi32, #tpu.memory_space<hbm>> -> memref<10112x32xi32, #tpu.memory_space<hbm>>
      tpu.enqueue_indirect_dma source(%dma_start3A_21 : memref<10112x32xi32, #tpu.memory_space<hbm>>) target(%arg10 : memref<128x32xi32, #tpu.memory_space<vmem>>) offsets(%dma_start3A_18 : memref<128xi32, #tpu.memory_space<vmem>>) semaphore(%arg12 : memref<!tpu.dma_semaphore, #tpu.memory_space<semaphore_mem>>)
      %dma_wait3A = arith.constant 0 : i32
      %dma_wait3A_22 = tpu.memref_slice %arg8[%scan3A_16, %dma_wait3A] : memref<40x128xi32, #tpu.memory_space<vmem>> -> memref<1x128xi32, #tpu.memory_space<vmem>>
      %dma_wait3A_23 = tpu.memref_squeeze %dma_wait3A_22 : memref<1x128xi32, #tpu.memory_space<vmem>> -> memref<128xi32, #tpu.memory_space<vmem>>
      %dma_wait3A_24 = arith.constant 0 : i32
      %dma_wait3A_25 = arith.constant 0 : i32
      %dma_wait3A_26 = tpu.memref_slice %arg2[%dma_wait3A_24, %dma_wait3A_25] : memref<10112x32xi32, #tpu.memory_space<hbm>> -> memref<10112x32xi32, #tpu.memory_space<hbm>>
      tpu.wait_indirect_dma semaphore(%arg12 : memref<!tpu.dma_semaphore, #tpu.memory_space<semaphore_mem>>) src(%dma_wait3A_26 : memref<10112x32xi32, #tpu.memory_space<hbm>>) dst(%arg10 : memref<128x32xi32, #tpu.memory_space<vmem>>)
      "tpu.region"() ({
        %run_scoped3A = tpu.sem_alloc : memref<!tpu.dma_semaphore, #tpu.memory_space<semaphore_mem>>
        %dma_start3A_27 = arith.constant 0 : i32
        %dma_start3A_28 = tpu.memref_slice %arg9[%scan3A_16, %dma_start3A_27] : memref<40x128xi32, #tpu.memory_space<vmem>> -> memref<1x128xi32, #tpu.memory_space<vmem>>
        %dma_start3A_29 = tpu.memref_squeeze %dma_start3A_28 : memref<1x128xi32, #tpu.memory_space<vmem>> -> memref<128xi32, #tpu.memory_space<vmem>>
        %dma_start3A_30 = arith.constant 0 : i32
        %dma_start3A_31 = arith.constant 0 : i32
        %dma_start3A_32 = tpu.memref_slice %arg11[%dma_start3A_30, %dma_start3A_31] : memref<10112x32xi32, #tpu.memory_space<vmem_shared>> -> memref<10112x32xi32, #tpu.memory_space<vmem_shared>>
        tpu.enqueue_indirect_dma source(%arg10 : memref<128x32xi32, #tpu.memory_space<vmem>>) target(%dma_start3A_32 : memref<10112x32xi32, #tpu.memory_space<vmem_shared>>) offsets(%dma_start3A_29 : memref<128xi32, #tpu.memory_space<vmem>>) semaphore(%run_scoped3A : memref<!tpu.dma_semaphore, #tpu.memory_space<semaphore_mem>>) {add = true}
        %dma_wait3A_33 = arith.constant 0 : i32
        %dma_wait3A_34 = tpu.memref_slice %arg9[%scan3A_16, %dma_wait3A_33] : memref<40x128xi32, #tpu.memory_space<vmem>> -> memref<1x128xi32, #tpu.memory_space<vmem>>
        %dma_wait3A_35 = tpu.memref_squeeze %dma_wait3A_34 : memref<1x128xi32, #tpu.memory_space<vmem>> -> memref<128xi32, #tpu.memory_space<vmem>>
        %dma_wait3A_36 = arith.constant 0 : i32
        %dma_wait3A_37 = arith.constant 0 : i32
        %dma_wait3A_38 = tpu.memref_slice %arg11[%dma_wait3A_36, %dma_wait3A_37] : memref<10112x32xi32, #tpu.memory_space<vmem_shared>> -> memref<10112x32xi32, #tpu.memory_space<vmem_shared>>
        tpu.wait_indirect_dma semaphore(%run_scoped3A : memref<!tpu.dma_semaphore, #tpu.memory_space<semaphore_mem>>) src(%arg10 : memref<128x32xi32, #tpu.memory_space<vmem>>) dst(%dma_wait3A_38 : memref<10112x32xi32, #tpu.memory_space<vmem_shared>>)
        tpu.yield
      }) : () -> ()
    }
    %scan3A_7 = arith.constant 40 : i32
    %barrier3A_8 = arith.constant 0 : index
    tpu.barrier barrier_id(%barrier3A_8)
    %eq3A = arith.constant 0 : i32
    %eq3A_9 = arith.cmpi eq, %arg0, %eq3A : i32
    %convert_element_type3A = arith.extui %eq3A_9 : i1 to i32
    %cond3A = arith.constant 0 : i32
    %cond3A_10 = arith.cmpi ne, %convert_element_type3A, %cond3A : i32
    scf.if %cond3A_10 {
      %mul3A_16 = arith.constant 632 : i32
      %mul3A_17 = arith.muli %arg1, %mul3A_16 : i32
      %mul3A_18 = arith.constant 632 : i32
      %mul3A_19 = arith.muli %arg1, %mul3A_18 : i32
      "tpu.region"() ({
        %run_scoped3A = tpu.sem_alloc : memref<!tpu.dma_semaphore, #tpu.memory_space<semaphore_mem>>
        %dma_start3A = arith.constant 0 : i32
        %dma_start3A_20 = tpu.memref_slice %arg6[%mul3A_19, %dma_start3A] : memref<10112x32xi32, #tpu.memory_space<hbm>> -> memref<632x32xi32, #tpu.memory_space<hbm>>
        %dma_start3A_21 = arith.constant 0 : i32
        %dma_start3A_22 = tpu.memref_slice %arg11[%mul3A_17, %dma_start3A_21] : memref<10112x32xi32, #tpu.memory_space<vmem_shared>> -> memref<632x32xi32, #tpu.memory_space<vmem_shared>>
        tpu.enqueue_dma source(%dma_start3A_22 : memref<632x32xi32, #tpu.memory_space<vmem_shared>>) target(%dma_start3A_20 : memref<632x32xi32, #tpu.memory_space<hbm>>) target_semaphore(%run_scoped3A : memref<!tpu.dma_semaphore, #tpu.memory_space<semaphore_mem>>)
        %dma_wait3A = arith.constant 0 : i32
        %dma_wait3A_23 = tpu.memref_slice %arg6[%mul3A_19, %dma_wait3A] : memref<10112x32xi32, #tpu.memory_space<hbm>> -> memref<632x32xi32, #tpu.memory_space<hbm>>
        %dma_wait3A_24 = arith.constant 0 : i32
        %dma_wait3A_25 = tpu.memref_slice %arg11[%mul3A_17, %dma_wait3A_24] : memref<10112x32xi32, #tpu.memory_space<vmem_shared>> -> memref<632x32xi32, #tpu.memory_space<vmem_shared>>
        tpu.wait_dma2 semaphore(%run_scoped3A : memref<!tpu.dma_semaphore, #tpu.memory_space<semaphore_mem>>) src(%dma_wait3A_25 : memref<632x32xi32, #tpu.memory_space<vmem_shared>>) dst(%dma_wait3A_23 : memref<632x32xi32, #tpu.memory_space<hbm>>)
        tpu.yield
      }) : () -> ()
    } else {
    }
    %eq3A_11 = arith.constant 1 : i32
    %eq3A_12 = arith.cmpi eq, %arg0, %eq3A_11 : i32
    %convert_element_type3A_13 = arith.extui %eq3A_12 : i1 to i32
    %cond3A_14 = arith.constant 0 : i32
    %cond3A_15 = arith.cmpi ne, %convert_element_type3A_13, %cond3A_14 : i32
    scf.if %cond3A_15 {
      %mul3A_16 = arith.constant 632 : i32
      %mul3A_17 = arith.muli %arg1, %mul3A_16 : i32
      %mul3A_18 = arith.constant 632 : i32
      %mul3A_19 = arith.muli %arg1, %mul3A_18 : i32
      "tpu.region"() ({
        %run_scoped3A = tpu.sem_alloc : memref<!tpu.dma_semaphore, #tpu.memory_space<semaphore_mem>>
        %dma_start3A = arith.constant 0 : i32
        %dma_start3A_20 = tpu.memref_slice %arg7[%mul3A_19, %dma_start3A] : memref<10112x32xi32, #tpu.memory_space<hbm>> -> memref<632x32xi32, #tpu.memory_space<hbm>>
        %dma_start3A_21 = arith.constant 0 : i32
        %dma_start3A_22 = tpu.memref_slice %arg11[%mul3A_17, %dma_start3A_21] : memref<10112x32xi32, #tpu.memory_space<vmem_shared>> -> memref<632x32xi32, #tpu.memory_space<vmem_shared>>
        tpu.enqueue_dma source(%dma_start3A_22 : memref<632x32xi32, #tpu.memory_space<vmem_shared>>) target(%dma_start3A_20 : memref<632x32xi32, #tpu.memory_space<hbm>>) target_semaphore(%run_scoped3A : memref<!tpu.dma_semaphore, #tpu.memory_space<semaphore_mem>>)
        %dma_wait3A = arith.constant 0 : i32
        %dma_wait3A_23 = tpu.memref_slice %arg7[%mul3A_19, %dma_wait3A] : memref<10112x32xi32, #tpu.memory_space<hbm>> -> memref<632x32xi32, #tpu.memory_space<hbm>>
        %dma_wait3A_24 = arith.constant 0 : i32
        %dma_wait3A_25 = tpu.memref_slice %arg11[%mul3A_17, %dma_wait3A_24] : memref<10112x32xi32, #tpu.memory_space<vmem_shared>> -> memref<632x32xi32, #tpu.memory_space<vmem_shared>>
        tpu.wait_dma2 semaphore(%run_scoped3A : memref<!tpu.dma_semaphore, #tpu.memory_space<semaphore_mem>>) src(%dma_wait3A_25 : memref<632x32xi32, #tpu.memory_space<vmem_shared>>) dst(%dma_wait3A_23 : memref<632x32xi32, #tpu.memory_space<hbm>>)
        tpu.yield
      }) : () -> ()
    } else {
    }
    return
  }
}

#map = affine_map<(d0, d1) -> (0, 0)>
#map1 = affine_map<(d0, d1) -> (0, 0, 0)>
module attributes {stable_mosaic.version = 14 : i64} {
  func.func @_sc_agg_body(%arg0: i32, %arg1: i32, %arg2: memref<10112x128xi32, #tpu.memory_space<hbm>>, %arg3: memref<10112x128xi32, #tpu.memory_space<hbm>>, %arg4: memref<16x79x128xi32, #tpu.memory_space<hbm>>, %arg5: memref<16x79x128xi32, #tpu.memory_space<hbm>>, %arg6: memref<632x128xi32, #tpu.memory_space<hbm>>, %arg7: memref<10112x128xi32, #tpu.memory_space<hbm>>, %arg8: memref<10112x128xi32, #tpu.memory_space<hbm>>, %arg9: memref<79x128xi32, #tpu.memory_space<vmem>>, %arg10: memref<79x128xi32, #tpu.memory_space<vmem>>, %arg11: memref<128x128xi32, #tpu.memory_space<vmem>>, %arg12: memref<10112x128xi32, #tpu.memory_space<vmem_shared>>, %arg13: memref<!tpu.dma_semaphore, #tpu.memory_space<semaphore_mem>>) attributes {dimension_semantics = [#tpu.dimension_semantics<core_parallel>, #tpu.dimension_semantics<subcore_parallel>], iteration_bounds = array<i64: 2, 16>, scalar_prefetch = 0 : i64, scratch_operands = 5 : i64, tpu.core_type = #tpu.core_type<sc_vector_subcore>, window_params = [{transform_indices = #map}, {transform_indices = #map}, {transform_indices = #map1}, {transform_indices = #map1}, {transform_indices = #map}, {transform_indices = #map}, {transform_indices = #map}]} {
    "tpu.region"() ({
      %run_scoped3A = tpu.sem_alloc : memref<!tpu.dma_semaphore, #tpu.memory_space<semaphore_mem>>
      %dma_start3A = arith.constant 0 : i32
      %dma_start3A_19 = arith.constant 0 : i32
      %dma_start3A_20 = tpu.memref_slice %arg4[%arg1, %dma_start3A, %dma_start3A_19] : memref<16x79x128xi32, #tpu.memory_space<hbm>> -> memref<1x79x128xi32, #tpu.memory_space<hbm>>
      %dma_start3A_21 = tpu.memref_squeeze %dma_start3A_20 : memref<1x79x128xi32, #tpu.memory_space<hbm>> -> memref<79x128xi32, #tpu.memory_space<hbm>>
      %dma_start3A_22 = arith.constant 0 : i32
      %dma_start3A_23 = arith.constant 0 : i32
      %dma_start3A_24 = tpu.memref_slice %arg4[%arg1, %dma_start3A_22, %dma_start3A_23] : memref<16x79x128xi32, #tpu.memory_space<hbm>> -> memref<1x79x128xi32, #tpu.memory_space<hbm>>
      %dma_start3A_25 = tpu.memref_squeeze %dma_start3A_24 : memref<1x79x128xi32, #tpu.memory_space<hbm>> -> memref<79x128xi32, #tpu.memory_space<hbm>>
      tpu.enqueue_dma source(%dma_start3A_25 : memref<79x128xi32, #tpu.memory_space<hbm>>) target(%arg9 : memref<79x128xi32, #tpu.memory_space<vmem>>) target_semaphore(%run_scoped3A : memref<!tpu.dma_semaphore, #tpu.memory_space<semaphore_mem>>)
      %dma_wait3A = arith.constant 0 : i32
      %dma_wait3A_26 = arith.constant 0 : i32
      %dma_wait3A_27 = tpu.memref_slice %arg4[%arg1, %dma_wait3A, %dma_wait3A_26] : memref<16x79x128xi32, #tpu.memory_space<hbm>> -> memref<1x79x128xi32, #tpu.memory_space<hbm>>
      %dma_wait3A_28 = tpu.memref_squeeze %dma_wait3A_27 : memref<1x79x128xi32, #tpu.memory_space<hbm>> -> memref<79x128xi32, #tpu.memory_space<hbm>>
      %dma_wait3A_29 = arith.constant 0 : i32
      %dma_wait3A_30 = arith.constant 0 : i32
      %dma_wait3A_31 = tpu.memref_slice %arg4[%arg1, %dma_wait3A_29, %dma_wait3A_30] : memref<16x79x128xi32, #tpu.memory_space<hbm>> -> memref<1x79x128xi32, #tpu.memory_space<hbm>>
      %dma_wait3A_32 = tpu.memref_squeeze %dma_wait3A_31 : memref<1x79x128xi32, #tpu.memory_space<hbm>> -> memref<79x128xi32, #tpu.memory_space<hbm>>
      tpu.wait_dma2 semaphore(%run_scoped3A : memref<!tpu.dma_semaphore, #tpu.memory_space<semaphore_mem>>) src(%dma_wait3A_32 : memref<79x128xi32, #tpu.memory_space<hbm>>) dst(%arg9 : memref<79x128xi32, #tpu.memory_space<vmem>>)
      tpu.yield
    }) : () -> ()
    "tpu.region"() ({
      %run_scoped3A = tpu.sem_alloc : memref<!tpu.dma_semaphore, #tpu.memory_space<semaphore_mem>>
      %dma_start3A = arith.constant 0 : i32
      %dma_start3A_19 = arith.constant 0 : i32
      %dma_start3A_20 = tpu.memref_slice %arg5[%arg1, %dma_start3A, %dma_start3A_19] : memref<16x79x128xi32, #tpu.memory_space<hbm>> -> memref<1x79x128xi32, #tpu.memory_space<hbm>>
      %dma_start3A_21 = tpu.memref_squeeze %dma_start3A_20 : memref<1x79x128xi32, #tpu.memory_space<hbm>> -> memref<79x128xi32, #tpu.memory_space<hbm>>
      %dma_start3A_22 = arith.constant 0 : i32
      %dma_start3A_23 = arith.constant 0 : i32
      %dma_start3A_24 = tpu.memref_slice %arg5[%arg1, %dma_start3A_22, %dma_start3A_23] : memref<16x79x128xi32, #tpu.memory_space<hbm>> -> memref<1x79x128xi32, #tpu.memory_space<hbm>>
      %dma_start3A_25 = tpu.memref_squeeze %dma_start3A_24 : memref<1x79x128xi32, #tpu.memory_space<hbm>> -> memref<79x128xi32, #tpu.memory_space<hbm>>
      tpu.enqueue_dma source(%dma_start3A_25 : memref<79x128xi32, #tpu.memory_space<hbm>>) target(%arg10 : memref<79x128xi32, #tpu.memory_space<vmem>>) target_semaphore(%run_scoped3A : memref<!tpu.dma_semaphore, #tpu.memory_space<semaphore_mem>>)
      %dma_wait3A = arith.constant 0 : i32
      %dma_wait3A_26 = arith.constant 0 : i32
      %dma_wait3A_27 = tpu.memref_slice %arg5[%arg1, %dma_wait3A, %dma_wait3A_26] : memref<16x79x128xi32, #tpu.memory_space<hbm>> -> memref<1x79x128xi32, #tpu.memory_space<hbm>>
      %dma_wait3A_28 = tpu.memref_squeeze %dma_wait3A_27 : memref<1x79x128xi32, #tpu.memory_space<hbm>> -> memref<79x128xi32, #tpu.memory_space<hbm>>
      %dma_wait3A_29 = arith.constant 0 : i32
      %dma_wait3A_30 = arith.constant 0 : i32
      %dma_wait3A_31 = tpu.memref_slice %arg5[%arg1, %dma_wait3A_29, %dma_wait3A_30] : memref<16x79x128xi32, #tpu.memory_space<hbm>> -> memref<1x79x128xi32, #tpu.memory_space<hbm>>
      %dma_wait3A_32 = tpu.memref_squeeze %dma_wait3A_31 : memref<1x79x128xi32, #tpu.memory_space<hbm>> -> memref<79x128xi32, #tpu.memory_space<hbm>>
      tpu.wait_dma2 semaphore(%run_scoped3A : memref<!tpu.dma_semaphore, #tpu.memory_space<semaphore_mem>>) src(%dma_wait3A_32 : memref<79x128xi32, #tpu.memory_space<hbm>>) dst(%arg10 : memref<79x128xi32, #tpu.memory_space<vmem>>)
      tpu.yield
    }) : () -> ()
    %mul3A = arith.constant 632 : i32
    %mul3A_0 = arith.muli %arg1, %mul3A : i32
    "tpu.region"() ({
      %run_scoped3A = tpu.sem_alloc : memref<!tpu.dma_semaphore, #tpu.memory_space<semaphore_mem>>
      %dma_start3A = arith.constant 0 : i32
      %dma_start3A_19 = tpu.memref_slice %arg12[%mul3A_0, %dma_start3A] : memref<10112x128xi32, #tpu.memory_space<vmem_shared>> -> memref<632x128xi32, #tpu.memory_space<vmem_shared>>
      tpu.enqueue_dma source(%arg6 : memref<632x128xi32, #tpu.memory_space<hbm>>) target(%dma_start3A_19 : memref<632x128xi32, #tpu.memory_space<vmem_shared>>) target_semaphore(%run_scoped3A : memref<!tpu.dma_semaphore, #tpu.memory_space<semaphore_mem>>)
      %dma_wait3A = arith.constant 0 : i32
      %dma_wait3A_20 = tpu.memref_slice %arg12[%mul3A_0, %dma_wait3A] : memref<10112x128xi32, #tpu.memory_space<vmem_shared>> -> memref<632x128xi32, #tpu.memory_space<vmem_shared>>
      tpu.wait_dma2 semaphore(%run_scoped3A : memref<!tpu.dma_semaphore, #tpu.memory_space<semaphore_mem>>) src(%arg6 : memref<632x128xi32, #tpu.memory_space<hbm>>) dst(%dma_wait3A_20 : memref<632x128xi32, #tpu.memory_space<vmem_shared>>)
      tpu.yield
    }) : () -> ()
    %barrier3A = arith.constant 0 : index
    tpu.barrier barrier_id(%barrier3A)
    %eq3A = arith.constant 0 : i32
    %eq3A_1 = arith.cmpi eq, %arg0, %eq3A : i32
    %convert_element_type3A = arith.extui %eq3A_1 : i1 to i32
    %cond3A = arith.constant 0 : i32
    %cond3A_2 = arith.cmpi ne, %convert_element_type3A, %cond3A : i32
    scf.if %cond3A_2 {
      %scan3A = arith.constant 0 : i32
      %scan3A_19 = arith.constant 0 : i32
      %scan3A_20 = arith.constant 79 : i32
      %scan3A_21 = arith.addi %scan3A_19, %scan3A_20 : i32
      %scan3A_22 = arith.constant 1 : i32
      scf.for %scan3A_24 = %scan3A_19 to %scan3A_21 step %scan3A_22  : i32 {
        %dma_start3A = arith.constant 0 : i32
        %dma_start3A_25 = tpu.memref_slice %arg9[%scan3A_24, %dma_start3A] : memref<79x128xi32, #tpu.memory_space<vmem>> -> memref<1x128xi32, #tpu.memory_space<vmem>>
        %dma_start3A_26 = tpu.memref_squeeze %dma_start3A_25 : memref<1x128xi32, #tpu.memory_space<vmem>> -> memref<128xi32, #tpu.memory_space<vmem>>
        %dma_start3A_27 = arith.constant 0 : i32
        %dma_start3A_28 = arith.constant 0 : i32
        %dma_start3A_29 = tpu.memref_slice %arg2[%dma_start3A_27, %dma_start3A_28] : memref<10112x128xi32, #tpu.memory_space<hbm>> -> memref<10112x128xi32, #tpu.memory_space<hbm>>
        tpu.enqueue_indirect_dma source(%dma_start3A_29 : memref<10112x128xi32, #tpu.memory_space<hbm>>) target(%arg11 : memref<128x128xi32, #tpu.memory_space<vmem>>) offsets(%dma_start3A_26 : memref<128xi32, #tpu.memory_space<vmem>>) semaphore(%arg13 : memref<!tpu.dma_semaphore, #tpu.memory_space<semaphore_mem>>)
        %dma_wait3A = arith.constant 0 : i32
        %dma_wait3A_30 = tpu.memref_slice %arg9[%scan3A_24, %dma_wait3A] : memref<79x128xi32, #tpu.memory_space<vmem>> -> memref<1x128xi32, #tpu.memory_space<vmem>>
        %dma_wait3A_31 = tpu.memref_squeeze %dma_wait3A_30 : memref<1x128xi32, #tpu.memory_space<vmem>> -> memref<128xi32, #tpu.memory_space<vmem>>
        %dma_wait3A_32 = arith.constant 0 : i32
        %dma_wait3A_33 = arith.constant 0 : i32
        %dma_wait3A_34 = tpu.memref_slice %arg2[%dma_wait3A_32, %dma_wait3A_33] : memref<10112x128xi32, #tpu.memory_space<hbm>> -> memref<10112x128xi32, #tpu.memory_space<hbm>>
        tpu.wait_indirect_dma semaphore(%arg13 : memref<!tpu.dma_semaphore, #tpu.memory_space<semaphore_mem>>) src(%dma_wait3A_34 : memref<10112x128xi32, #tpu.memory_space<hbm>>) dst(%arg11 : memref<128x128xi32, #tpu.memory_space<vmem>>)
        "tpu.region"() ({
          %run_scoped3A = tpu.sem_alloc : memref<!tpu.dma_semaphore, #tpu.memory_space<semaphore_mem>>
          %dma_start3A_35 = arith.constant 0 : i32
          %dma_start3A_36 = tpu.memref_slice %arg10[%scan3A_24, %dma_start3A_35] : memref<79x128xi32, #tpu.memory_space<vmem>> -> memref<1x128xi32, #tpu.memory_space<vmem>>
          %dma_start3A_37 = tpu.memref_squeeze %dma_start3A_36 : memref<1x128xi32, #tpu.memory_space<vmem>> -> memref<128xi32, #tpu.memory_space<vmem>>
          %dma_start3A_38 = arith.constant 0 : i32
          %dma_start3A_39 = arith.constant 0 : i32
          %dma_start3A_40 = tpu.memref_slice %arg12[%dma_start3A_38, %dma_start3A_39] : memref<10112x128xi32, #tpu.memory_space<vmem_shared>> -> memref<10112x128xi32, #tpu.memory_space<vmem_shared>>
          tpu.enqueue_indirect_dma source(%arg11 : memref<128x128xi32, #tpu.memory_space<vmem>>) target(%dma_start3A_40 : memref<10112x128xi32, #tpu.memory_space<vmem_shared>>) offsets(%dma_start3A_37 : memref<128xi32, #tpu.memory_space<vmem>>) semaphore(%run_scoped3A : memref<!tpu.dma_semaphore, #tpu.memory_space<semaphore_mem>>) {add = true}
          %dma_wait3A_41 = arith.constant 0 : i32
          %dma_wait3A_42 = tpu.memref_slice %arg10[%scan3A_24, %dma_wait3A_41] : memref<79x128xi32, #tpu.memory_space<vmem>> -> memref<1x128xi32, #tpu.memory_space<vmem>>
          %dma_wait3A_43 = tpu.memref_squeeze %dma_wait3A_42 : memref<1x128xi32, #tpu.memory_space<vmem>> -> memref<128xi32, #tpu.memory_space<vmem>>
          %dma_wait3A_44 = arith.constant 0 : i32
          %dma_wait3A_45 = arith.constant 0 : i32
          %dma_wait3A_46 = tpu.memref_slice %arg12[%dma_wait3A_44, %dma_wait3A_45] : memref<10112x128xi32, #tpu.memory_space<vmem_shared>> -> memref<10112x128xi32, #tpu.memory_space<vmem_shared>>
          tpu.wait_indirect_dma semaphore(%run_scoped3A : memref<!tpu.dma_semaphore, #tpu.memory_space<semaphore_mem>>) src(%arg11 : memref<128x128xi32, #tpu.memory_space<vmem>>) dst(%dma_wait3A_46 : memref<10112x128xi32, #tpu.memory_space<vmem_shared>>)
          tpu.yield
        }) : () -> ()
      }
      %scan3A_23 = arith.constant 79 : i32
    } else {
    }
    %eq3A_3 = arith.constant 1 : i32
    %eq3A_4 = arith.cmpi eq, %arg0, %eq3A_3 : i32
    %convert_element_type3A_5 = arith.extui %eq3A_4 : i1 to i32
    %cond3A_6 = arith.constant 0 : i32
    %cond3A_7 = arith.cmpi ne, %convert_element_type3A_5, %cond3A_6 : i32
    scf.if %cond3A_7 {
      %scan3A = arith.constant 0 : i32
      %scan3A_19 = arith.constant 0 : i32
      %scan3A_20 = arith.constant 79 : i32
      %scan3A_21 = arith.addi %scan3A_19, %scan3A_20 : i32
      %scan3A_22 = arith.constant 1 : i32
      scf.for %scan3A_24 = %scan3A_19 to %scan3A_21 step %scan3A_22  : i32 {
        %dma_start3A = arith.constant 0 : i32
        %dma_start3A_25 = tpu.memref_slice %arg9[%scan3A_24, %dma_start3A] : memref<79x128xi32, #tpu.memory_space<vmem>> -> memref<1x128xi32, #tpu.memory_space<vmem>>
        %dma_start3A_26 = tpu.memref_squeeze %dma_start3A_25 : memref<1x128xi32, #tpu.memory_space<vmem>> -> memref<128xi32, #tpu.memory_space<vmem>>
        %dma_start3A_27 = arith.constant 0 : i32
        %dma_start3A_28 = arith.constant 0 : i32
        %dma_start3A_29 = tpu.memref_slice %arg3[%dma_start3A_27, %dma_start3A_28] : memref<10112x128xi32, #tpu.memory_space<hbm>> -> memref<10112x128xi32, #tpu.memory_space<hbm>>
        tpu.enqueue_indirect_dma source(%dma_start3A_29 : memref<10112x128xi32, #tpu.memory_space<hbm>>) target(%arg11 : memref<128x128xi32, #tpu.memory_space<vmem>>) offsets(%dma_start3A_26 : memref<128xi32, #tpu.memory_space<vmem>>) semaphore(%arg13 : memref<!tpu.dma_semaphore, #tpu.memory_space<semaphore_mem>>)
        %dma_wait3A = arith.constant 0 : i32
        %dma_wait3A_30 = tpu.memref_slice %arg9[%scan3A_24, %dma_wait3A] : memref<79x128xi32, #tpu.memory_space<vmem>> -> memref<1x128xi32, #tpu.memory_space<vmem>>
        %dma_wait3A_31 = tpu.memref_squeeze %dma_wait3A_30 : memref<1x128xi32, #tpu.memory_space<vmem>> -> memref<128xi32, #tpu.memory_space<vmem>>
        %dma_wait3A_32 = arith.constant 0 : i32
        %dma_wait3A_33 = arith.constant 0 : i32
        %dma_wait3A_34 = tpu.memref_slice %arg3[%dma_wait3A_32, %dma_wait3A_33] : memref<10112x128xi32, #tpu.memory_space<hbm>> -> memref<10112x128xi32, #tpu.memory_space<hbm>>
        tpu.wait_indirect_dma semaphore(%arg13 : memref<!tpu.dma_semaphore, #tpu.memory_space<semaphore_mem>>) src(%dma_wait3A_34 : memref<10112x128xi32, #tpu.memory_space<hbm>>) dst(%arg11 : memref<128x128xi32, #tpu.memory_space<vmem>>)
        "tpu.region"() ({
          %run_scoped3A = tpu.sem_alloc : memref<!tpu.dma_semaphore, #tpu.memory_space<semaphore_mem>>
          %dma_start3A_35 = arith.constant 0 : i32
          %dma_start3A_36 = tpu.memref_slice %arg10[%scan3A_24, %dma_start3A_35] : memref<79x128xi32, #tpu.memory_space<vmem>> -> memref<1x128xi32, #tpu.memory_space<vmem>>
          %dma_start3A_37 = tpu.memref_squeeze %dma_start3A_36 : memref<1x128xi32, #tpu.memory_space<vmem>> -> memref<128xi32, #tpu.memory_space<vmem>>
          %dma_start3A_38 = arith.constant 0 : i32
          %dma_start3A_39 = arith.constant 0 : i32
          %dma_start3A_40 = tpu.memref_slice %arg12[%dma_start3A_38, %dma_start3A_39] : memref<10112x128xi32, #tpu.memory_space<vmem_shared>> -> memref<10112x128xi32, #tpu.memory_space<vmem_shared>>
          tpu.enqueue_indirect_dma source(%arg11 : memref<128x128xi32, #tpu.memory_space<vmem>>) target(%dma_start3A_40 : memref<10112x128xi32, #tpu.memory_space<vmem_shared>>) offsets(%dma_start3A_37 : memref<128xi32, #tpu.memory_space<vmem>>) semaphore(%run_scoped3A : memref<!tpu.dma_semaphore, #tpu.memory_space<semaphore_mem>>) {add = true}
          %dma_wait3A_41 = arith.constant 0 : i32
          %dma_wait3A_42 = tpu.memref_slice %arg10[%scan3A_24, %dma_wait3A_41] : memref<79x128xi32, #tpu.memory_space<vmem>> -> memref<1x128xi32, #tpu.memory_space<vmem>>
          %dma_wait3A_43 = tpu.memref_squeeze %dma_wait3A_42 : memref<1x128xi32, #tpu.memory_space<vmem>> -> memref<128xi32, #tpu.memory_space<vmem>>
          %dma_wait3A_44 = arith.constant 0 : i32
          %dma_wait3A_45 = arith.constant 0 : i32
          %dma_wait3A_46 = tpu.memref_slice %arg12[%dma_wait3A_44, %dma_wait3A_45] : memref<10112x128xi32, #tpu.memory_space<vmem_shared>> -> memref<10112x128xi32, #tpu.memory_space<vmem_shared>>
          tpu.wait_indirect_dma semaphore(%run_scoped3A : memref<!tpu.dma_semaphore, #tpu.memory_space<semaphore_mem>>) src(%arg11 : memref<128x128xi32, #tpu.memory_space<vmem>>) dst(%dma_wait3A_46 : memref<10112x128xi32, #tpu.memory_space<vmem_shared>>)
          tpu.yield
        }) : () -> ()
      }
      %scan3A_23 = arith.constant 79 : i32
    } else {
    }
    %barrier3A_8 = arith.constant 0 : index
    tpu.barrier barrier_id(%barrier3A_8)
    %eq3A_9 = arith.constant 0 : i32
    %eq3A_10 = arith.cmpi eq, %arg0, %eq3A_9 : i32
    %convert_element_type3A_11 = arith.extui %eq3A_10 : i1 to i32
    %cond3A_12 = arith.constant 0 : i32
    %cond3A_13 = arith.cmpi ne, %convert_element_type3A_11, %cond3A_12 : i32
    scf.if %cond3A_13 {
      %mul3A_19 = arith.constant 632 : i32
      %mul3A_20 = arith.muli %arg1, %mul3A_19 : i32
      %mul3A_21 = arith.constant 632 : i32
      %mul3A_22 = arith.muli %arg1, %mul3A_21 : i32
      "tpu.region"() ({
        %run_scoped3A = tpu.sem_alloc : memref<!tpu.dma_semaphore, #tpu.memory_space<semaphore_mem>>
        %dma_start3A = arith.constant 0 : i32
        %dma_start3A_23 = tpu.memref_slice %arg7[%mul3A_22, %dma_start3A] : memref<10112x128xi32, #tpu.memory_space<hbm>> -> memref<632x128xi32, #tpu.memory_space<hbm>>
        %dma_start3A_24 = arith.constant 0 : i32
        %dma_start3A_25 = tpu.memref_slice %arg12[%mul3A_20, %dma_start3A_24] : memref<10112x128xi32, #tpu.memory_space<vmem_shared>> -> memref<632x128xi32, #tpu.memory_space<vmem_shared>>
        tpu.enqueue_dma source(%dma_start3A_25 : memref<632x128xi32, #tpu.memory_space<vmem_shared>>) target(%dma_start3A_23 : memref<632x128xi32, #tpu.memory_space<hbm>>) target_semaphore(%run_scoped3A : memref<!tpu.dma_semaphore, #tpu.memory_space<semaphore_mem>>)
        %dma_wait3A = arith.constant 0 : i32
        %dma_wait3A_26 = tpu.memref_slice %arg7[%mul3A_22, %dma_wait3A] : memref<10112x128xi32, #tpu.memory_space<hbm>> -> memref<632x128xi32, #tpu.memory_space<hbm>>
        %dma_wait3A_27 = arith.constant 0 : i32
        %dma_wait3A_28 = tpu.memref_slice %arg12[%mul3A_20, %dma_wait3A_27] : memref<10112x128xi32, #tpu.memory_space<vmem_shared>> -> memref<632x128xi32, #tpu.memory_space<vmem_shared>>
        tpu.wait_dma2 semaphore(%run_scoped3A : memref<!tpu.dma_semaphore, #tpu.memory_space<semaphore_mem>>) src(%dma_wait3A_28 : memref<632x128xi32, #tpu.memory_space<vmem_shared>>) dst(%dma_wait3A_26 : memref<632x128xi32, #tpu.memory_space<hbm>>)
        tpu.yield
      }) : () -> ()
    } else {
    }
    %eq3A_14 = arith.constant 1 : i32
    %eq3A_15 = arith.cmpi eq, %arg0, %eq3A_14 : i32
    %convert_element_type3A_16 = arith.extui %eq3A_15 : i1 to i32
    %cond3A_17 = arith.constant 0 : i32
    %cond3A_18 = arith.cmpi ne, %convert_element_type3A_16, %cond3A_17 : i32
    scf.if %cond3A_18 {
      %mul3A_19 = arith.constant 632 : i32
      %mul3A_20 = arith.muli %arg1, %mul3A_19 : i32
      %mul3A_21 = arith.constant 632 : i32
      %mul3A_22 = arith.muli %arg1, %mul3A_21 : i32
      "tpu.region"() ({
        %run_scoped3A = tpu.sem_alloc : memref<!tpu.dma_semaphore, #tpu.memory_space<semaphore_mem>>
        %dma_start3A = arith.constant 0 : i32
        %dma_start3A_23 = tpu.memref_slice %arg8[%mul3A_22, %dma_start3A] : memref<10112x128xi32, #tpu.memory_space<hbm>> -> memref<632x128xi32, #tpu.memory_space<hbm>>
        %dma_start3A_24 = arith.constant 0 : i32
        %dma_start3A_25 = tpu.memref_slice %arg12[%mul3A_20, %dma_start3A_24] : memref<10112x128xi32, #tpu.memory_space<vmem_shared>> -> memref<632x128xi32, #tpu.memory_space<vmem_shared>>
        tpu.enqueue_dma source(%dma_start3A_25 : memref<632x128xi32, #tpu.memory_space<vmem_shared>>) target(%dma_start3A_23 : memref<632x128xi32, #tpu.memory_space<hbm>>) target_semaphore(%run_scoped3A : memref<!tpu.dma_semaphore, #tpu.memory_space<semaphore_mem>>)
        %dma_wait3A = arith.constant 0 : i32
        %dma_wait3A_26 = tpu.memref_slice %arg8[%mul3A_22, %dma_wait3A] : memref<10112x128xi32, #tpu.memory_space<hbm>> -> memref<632x128xi32, #tpu.memory_space<hbm>>
        %dma_wait3A_27 = arith.constant 0 : i32
        %dma_wait3A_28 = tpu.memref_slice %arg12[%mul3A_20, %dma_wait3A_27] : memref<10112x128xi32, #tpu.memory_space<vmem_shared>> -> memref<632x128xi32, #tpu.memory_space<vmem_shared>>
        tpu.wait_dma2 semaphore(%run_scoped3A : memref<!tpu.dma_semaphore, #tpu.memory_space<semaphore_mem>>) src(%dma_wait3A_28 : memref<632x128xi32, #tpu.memory_space<vmem_shared>>) dst(%dma_wait3A_26 : memref<632x128xi32, #tpu.memory_space<hbm>>)
        tpu.yield
      }) : () -> ()
    } else {
    }
    return
  }
}

#map = affine_map<(d0, d1) -> (0, 0)>
#map1 = affine_map<(d0, d1) -> (0, 0, 0)>
module attributes {stable_mosaic.version = 14 : i64} {
  func.func @_sc_agg1_body(%arg0: i32, %arg1: i32, %arg2: memref<10112x32xi32, #tpu.memory_space<hbm>>, %arg3: memref<32x40x128xi32, #tpu.memory_space<hbm>>, %arg4: memref<32x40x128xi32, #tpu.memory_space<hbm>>, %arg5: memref<632x32xi32, #tpu.memory_space<hbm>>, %arg6: memref<10112x32xi32, #tpu.memory_space<hbm>>, %arg7: memref<10112x32xi32, #tpu.memory_space<hbm>>, %arg8: memref<40x128xi32, #tpu.memory_space<vmem>>, %arg9: memref<40x128xi32, #tpu.memory_space<vmem>>, %arg10: memref<128x32xi32, #tpu.memory_space<vmem>>, %arg11: memref<10112x32xi32, #tpu.memory_space<vmem_shared>>, %arg12: memref<!tpu.dma_semaphore, #tpu.memory_space<semaphore_mem>>) attributes {dimension_semantics = [#tpu.dimension_semantics<core_parallel>, #tpu.dimension_semantics<subcore_parallel>], iteration_bounds = array<i64: 2, 16>, scalar_prefetch = 0 : i64, scratch_operands = 5 : i64, tpu.core_type = #tpu.core_type<sc_vector_subcore>, window_params = [{transform_indices = #map}, {transform_indices = #map1}, {transform_indices = #map1}, {transform_indices = #map}, {transform_indices = #map}, {transform_indices = #map}]} {
    %mul3A = arith.constant 2 : i32
    %mul3A_0 = arith.muli %arg1, %mul3A : i32
    %add3A = arith.addi %mul3A_0, %arg0 : i32
    "tpu.region"() ({
      %run_scoped3A = tpu.sem_alloc : memref<!tpu.dma_semaphore, #tpu.memory_space<semaphore_mem>>
      %dma_start3A = arith.constant 0 : i32
      %dma_start3A_16 = arith.constant 0 : i32
      %dma_start3A_17 = tpu.memref_slice %arg3[%add3A, %dma_start3A, %dma_start3A_16] : memref<32x40x128xi32, #tpu.memory_space<hbm>> -> memref<1x40x128xi32, #tpu.memory_space<hbm>>
      %dma_start3A_18 = tpu.memref_squeeze %dma_start3A_17 : memref<1x40x128xi32, #tpu.memory_space<hbm>> -> memref<40x128xi32, #tpu.memory_space<hbm>>
      %dma_start3A_19 = arith.constant 0 : i32
      %dma_start3A_20 = arith.constant 0 : i32
      %dma_start3A_21 = tpu.memref_slice %arg3[%add3A, %dma_start3A_19, %dma_start3A_20] : memref<32x40x128xi32, #tpu.memory_space<hbm>> -> memref<1x40x128xi32, #tpu.memory_space<hbm>>
      %dma_start3A_22 = tpu.memref_squeeze %dma_start3A_21 : memref<1x40x128xi32, #tpu.memory_space<hbm>> -> memref<40x128xi32, #tpu.memory_space<hbm>>
      tpu.enqueue_dma source(%dma_start3A_22 : memref<40x128xi32, #tpu.memory_space<hbm>>) target(%arg8 : memref<40x128xi32, #tpu.memory_space<vmem>>) target_semaphore(%run_scoped3A : memref<!tpu.dma_semaphore, #tpu.memory_space<semaphore_mem>>)
      %dma_wait3A = arith.constant 0 : i32
      %dma_wait3A_23 = arith.constant 0 : i32
      %dma_wait3A_24 = tpu.memref_slice %arg3[%add3A, %dma_wait3A, %dma_wait3A_23] : memref<32x40x128xi32, #tpu.memory_space<hbm>> -> memref<1x40x128xi32, #tpu.memory_space<hbm>>
      %dma_wait3A_25 = tpu.memref_squeeze %dma_wait3A_24 : memref<1x40x128xi32, #tpu.memory_space<hbm>> -> memref<40x128xi32, #tpu.memory_space<hbm>>
      %dma_wait3A_26 = arith.constant 0 : i32
      %dma_wait3A_27 = arith.constant 0 : i32
      %dma_wait3A_28 = tpu.memref_slice %arg3[%add3A, %dma_wait3A_26, %dma_wait3A_27] : memref<32x40x128xi32, #tpu.memory_space<hbm>> -> memref<1x40x128xi32, #tpu.memory_space<hbm>>
      %dma_wait3A_29 = tpu.memref_squeeze %dma_wait3A_28 : memref<1x40x128xi32, #tpu.memory_space<hbm>> -> memref<40x128xi32, #tpu.memory_space<hbm>>
      tpu.wait_dma2 semaphore(%run_scoped3A : memref<!tpu.dma_semaphore, #tpu.memory_space<semaphore_mem>>) src(%dma_wait3A_29 : memref<40x128xi32, #tpu.memory_space<hbm>>) dst(%arg8 : memref<40x128xi32, #tpu.memory_space<vmem>>)
      tpu.yield
    }) : () -> ()
    "tpu.region"() ({
      %run_scoped3A = tpu.sem_alloc : memref<!tpu.dma_semaphore, #tpu.memory_space<semaphore_mem>>
      %dma_start3A = arith.constant 0 : i32
      %dma_start3A_16 = arith.constant 0 : i32
      %dma_start3A_17 = tpu.memref_slice %arg4[%add3A, %dma_start3A, %dma_start3A_16] : memref<32x40x128xi32, #tpu.memory_space<hbm>> -> memref<1x40x128xi32, #tpu.memory_space<hbm>>
      %dma_start3A_18 = tpu.memref_squeeze %dma_start3A_17 : memref<1x40x128xi32, #tpu.memory_space<hbm>> -> memref<40x128xi32, #tpu.memory_space<hbm>>
      %dma_start3A_19 = arith.constant 0 : i32
      %dma_start3A_20 = arith.constant 0 : i32
      %dma_start3A_21 = tpu.memref_slice %arg4[%add3A, %dma_start3A_19, %dma_start3A_20] : memref<32x40x128xi32, #tpu.memory_space<hbm>> -> memref<1x40x128xi32, #tpu.memory_space<hbm>>
      %dma_start3A_22 = tpu.memref_squeeze %dma_start3A_21 : memref<1x40x128xi32, #tpu.memory_space<hbm>> -> memref<40x128xi32, #tpu.memory_space<hbm>>
      tpu.enqueue_dma source(%dma_start3A_22 : memref<40x128xi32, #tpu.memory_space<hbm>>) target(%arg9 : memref<40x128xi32, #tpu.memory_space<vmem>>) target_semaphore(%run_scoped3A : memref<!tpu.dma_semaphore, #tpu.memory_space<semaphore_mem>>)
      %dma_wait3A = arith.constant 0 : i32
      %dma_wait3A_23 = arith.constant 0 : i32
      %dma_wait3A_24 = tpu.memref_slice %arg4[%add3A, %dma_wait3A, %dma_wait3A_23] : memref<32x40x128xi32, #tpu.memory_space<hbm>> -> memref<1x40x128xi32, #tpu.memory_space<hbm>>
      %dma_wait3A_25 = tpu.memref_squeeze %dma_wait3A_24 : memref<1x40x128xi32, #tpu.memory_space<hbm>> -> memref<40x128xi32, #tpu.memory_space<hbm>>
      %dma_wait3A_26 = arith.constant 0 : i32
      %dma_wait3A_27 = arith.constant 0 : i32
      %dma_wait3A_28 = tpu.memref_slice %arg4[%add3A, %dma_wait3A_26, %dma_wait3A_27] : memref<32x40x128xi32, #tpu.memory_space<hbm>> -> memref<1x40x128xi32, #tpu.memory_space<hbm>>
      %dma_wait3A_29 = tpu.memref_squeeze %dma_wait3A_28 : memref<1x40x128xi32, #tpu.memory_space<hbm>> -> memref<40x128xi32, #tpu.memory_space<hbm>>
      tpu.wait_dma2 semaphore(%run_scoped3A : memref<!tpu.dma_semaphore, #tpu.memory_space<semaphore_mem>>) src(%dma_wait3A_29 : memref<40x128xi32, #tpu.memory_space<hbm>>) dst(%arg9 : memref<40x128xi32, #tpu.memory_space<vmem>>)
      tpu.yield
    }) : () -> ()
    %mul3A_1 = arith.constant 632 : i32
    %mul3A_2 = arith.muli %arg1, %mul3A_1 : i32
    "tpu.region"() ({
      %run_scoped3A = tpu.sem_alloc : memref<!tpu.dma_semaphore, #tpu.memory_space<semaphore_mem>>
      %dma_start3A = arith.constant 0 : i32
      %dma_start3A_16 = tpu.memref_slice %arg11[%mul3A_2, %dma_start3A] : memref<10112x32xi32, #tpu.memory_space<vmem_shared>> -> memref<632x32xi32, #tpu.memory_space<vmem_shared>>
      tpu.enqueue_dma source(%arg5 : memref<632x32xi32, #tpu.memory_space<hbm>>) target(%dma_start3A_16 : memref<632x32xi32, #tpu.memory_space<vmem_shared>>) target_semaphore(%run_scoped3A : memref<!tpu.dma_semaphore, #tpu.memory_space<semaphore_mem>>)
      %dma_wait3A = arith.constant 0 : i32
      %dma_wait3A_17 = tpu.memref_slice %arg11[%mul3A_2, %dma_wait3A] : memref<10112x32xi32, #tpu.memory_space<vmem_shared>> -> memref<632x32xi32, #tpu.memory_space<vmem_shared>>
      tpu.wait_dma2 semaphore(%run_scoped3A : memref<!tpu.dma_semaphore, #tpu.memory_space<semaphore_mem>>) src(%arg5 : memref<632x32xi32, #tpu.memory_space<hbm>>) dst(%dma_wait3A_17 : memref<632x32xi32, #tpu.memory_space<vmem_shared>>)
      tpu.yield
    }) : () -> ()
    %barrier3A = arith.constant 0 : index
    tpu.barrier barrier_id(%barrier3A)
    %scan3A = arith.constant 0 : i32
    %scan3A_3 = arith.constant 0 : i32
    %scan3A_4 = arith.constant 40 : i32
    %scan3A_5 = arith.addi %scan3A_3, %scan3A_4 : i32
    %scan3A_6 = arith.constant 1 : i32
    scf.for %scan3A_16 = %scan3A_3 to %scan3A_5 step %scan3A_6  : i32 {
      %dma_start3A = arith.constant 0 : i32
      %dma_start3A_17 = tpu.memref_slice %arg8[%scan3A_16, %dma_start3A] : memref<40x128xi32, #tpu.memory_space<vmem>> -> memref<1x128xi32, #tpu.memory_space<vmem>>
      %dma_start3A_18 = tpu.memref_squeeze %dma_start3A_17 : memref<1x128xi32, #tpu.memory_space<vmem>> -> memref<128xi32, #tpu.memory_space<vmem>>
      %dma_start3A_19 = arith.constant 0 : i32
      %dma_start3A_20 = arith.constant 0 : i32
      %dma_start3A_21 = tpu.memref_slice %arg2[%dma_start3A_19, %dma_start3A_20] : memref<10112x32xi32, #tpu.memory_space<hbm>> -> memref<10112x32xi32, #tpu.memory_space<hbm>>
      tpu.enqueue_indirect_dma source(%dma_start3A_21 : memref<10112x32xi32, #tpu.memory_space<hbm>>) target(%arg10 : memref<128x32xi32, #tpu.memory_space<vmem>>) offsets(%dma_start3A_18 : memref<128xi32, #tpu.memory_space<vmem>>) semaphore(%arg12 : memref<!tpu.dma_semaphore, #tpu.memory_space<semaphore_mem>>)
      %dma_wait3A = arith.constant 0 : i32
      %dma_wait3A_22 = tpu.memref_slice %arg8[%scan3A_16, %dma_wait3A] : memref<40x128xi32, #tpu.memory_space<vmem>> -> memref<1x128xi32, #tpu.memory_space<vmem>>
      %dma_wait3A_23 = tpu.memref_squeeze %dma_wait3A_22 : memref<1x128xi32, #tpu.memory_space<vmem>> -> memref<128xi32, #tpu.memory_space<vmem>>
      %dma_wait3A_24 = arith.constant 0 : i32
      %dma_wait3A_25 = arith.constant 0 : i32
      %dma_wait3A_26 = tpu.memref_slice %arg2[%dma_wait3A_24, %dma_wait3A_25] : memref<10112x32xi32, #tpu.memory_space<hbm>> -> memref<10112x32xi32, #tpu.memory_space<hbm>>
      tpu.wait_indirect_dma semaphore(%arg12 : memref<!tpu.dma_semaphore, #tpu.memory_space<semaphore_mem>>) src(%dma_wait3A_26 : memref<10112x32xi32, #tpu.memory_space<hbm>>) dst(%arg10 : memref<128x32xi32, #tpu.memory_space<vmem>>)
      "tpu.region"() ({
        %run_scoped3A = tpu.sem_alloc : memref<!tpu.dma_semaphore, #tpu.memory_space<semaphore_mem>>
        %dma_start3A_27 = arith.constant 0 : i32
        %dma_start3A_28 = tpu.memref_slice %arg9[%scan3A_16, %dma_start3A_27] : memref<40x128xi32, #tpu.memory_space<vmem>> -> memref<1x128xi32, #tpu.memory_space<vmem>>
        %dma_start3A_29 = tpu.memref_squeeze %dma_start3A_28 : memref<1x128xi32, #tpu.memory_space<vmem>> -> memref<128xi32, #tpu.memory_space<vmem>>
        %dma_start3A_30 = arith.constant 0 : i32
        %dma_start3A_31 = arith.constant 0 : i32
        %dma_start3A_32 = tpu.memref_slice %arg11[%dma_start3A_30, %dma_start3A_31] : memref<10112x32xi32, #tpu.memory_space<vmem_shared>> -> memref<10112x32xi32, #tpu.memory_space<vmem_shared>>
        tpu.enqueue_indirect_dma source(%arg10 : memref<128x32xi32, #tpu.memory_space<vmem>>) target(%dma_start3A_32 : memref<10112x32xi32, #tpu.memory_space<vmem_shared>>) offsets(%dma_start3A_29 : memref<128xi32, #tpu.memory_space<vmem>>) semaphore(%run_scoped3A : memref<!tpu.dma_semaphore, #tpu.memory_space<semaphore_mem>>) {add = true}
        %dma_wait3A_33 = arith.constant 0 : i32
        %dma_wait3A_34 = tpu.memref_slice %arg9[%scan3A_16, %dma_wait3A_33] : memref<40x128xi32, #tpu.memory_space<vmem>> -> memref<1x128xi32, #tpu.memory_space<vmem>>
        %dma_wait3A_35 = tpu.memref_squeeze %dma_wait3A_34 : memref<1x128xi32, #tpu.memory_space<vmem>> -> memref<128xi32, #tpu.memory_space<vmem>>
        %dma_wait3A_36 = arith.constant 0 : i32
        %dma_wait3A_37 = arith.constant 0 : i32
        %dma_wait3A_38 = tpu.memref_slice %arg11[%dma_wait3A_36, %dma_wait3A_37] : memref<10112x32xi32, #tpu.memory_space<vmem_shared>> -> memref<10112x32xi32, #tpu.memory_space<vmem_shared>>
        tpu.wait_indirect_dma semaphore(%run_scoped3A : memref<!tpu.dma_semaphore, #tpu.memory_space<semaphore_mem>>) src(%arg10 : memref<128x32xi32, #tpu.memory_space<vmem>>) dst(%dma_wait3A_38 : memref<10112x32xi32, #tpu.memory_space<vmem_shared>>)
        tpu.yield
      }) : () -> ()
    }
    %scan3A_7 = arith.constant 40 : i32
    %barrier3A_8 = arith.constant 0 : index
    tpu.barrier barrier_id(%barrier3A_8)
    %eq3A = arith.constant 0 : i32
    %eq3A_9 = arith.cmpi eq, %arg0, %eq3A : i32
    %convert_element_type3A = arith.extui %eq3A_9 : i1 to i32
    %cond3A = arith.constant 0 : i32
    %cond3A_10 = arith.cmpi ne, %convert_element_type3A, %cond3A : i32
    scf.if %cond3A_10 {
      %mul3A_16 = arith.constant 632 : i32
      %mul3A_17 = arith.muli %arg1, %mul3A_16 : i32
      %mul3A_18 = arith.constant 632 : i32
      %mul3A_19 = arith.muli %arg1, %mul3A_18 : i32
      "tpu.region"() ({
        %run_scoped3A = tpu.sem_alloc : memref<!tpu.dma_semaphore, #tpu.memory_space<semaphore_mem>>
        %dma_start3A = arith.constant 0 : i32
        %dma_start3A_20 = tpu.memref_slice %arg6[%mul3A_19, %dma_start3A] : memref<10112x32xi32, #tpu.memory_space<hbm>> -> memref<632x32xi32, #tpu.memory_space<hbm>>
        %dma_start3A_21 = arith.constant 0 : i32
        %dma_start3A_22 = tpu.memref_slice %arg11[%mul3A_17, %dma_start3A_21] : memref<10112x32xi32, #tpu.memory_space<vmem_shared>> -> memref<632x32xi32, #tpu.memory_space<vmem_shared>>
        tpu.enqueue_dma source(%dma_start3A_22 : memref<632x32xi32, #tpu.memory_space<vmem_shared>>) target(%dma_start3A_20 : memref<632x32xi32, #tpu.memory_space<hbm>>) target_semaphore(%run_scoped3A : memref<!tpu.dma_semaphore, #tpu.memory_space<semaphore_mem>>)
        %dma_wait3A = arith.constant 0 : i32
        %dma_wait3A_23 = tpu.memref_slice %arg6[%mul3A_19, %dma_wait3A] : memref<10112x32xi32, #tpu.memory_space<hbm>> -> memref<632x32xi32, #tpu.memory_space<hbm>>
        %dma_wait3A_24 = arith.constant 0 : i32
        %dma_wait3A_25 = tpu.memref_slice %arg11[%mul3A_17, %dma_wait3A_24] : memref<10112x32xi32, #tpu.memory_space<vmem_shared>> -> memref<632x32xi32, #tpu.memory_space<vmem_shared>>
        tpu.wait_dma2 semaphore(%run_scoped3A : memref<!tpu.dma_semaphore, #tpu.memory_space<semaphore_mem>>) src(%dma_wait3A_25 : memref<632x32xi32, #tpu.memory_space<vmem_shared>>) dst(%dma_wait3A_23 : memref<632x32xi32, #tpu.memory_space<hbm>>)
        tpu.yield
      }) : () -> ()
    } else {
    }
    %eq3A_11 = arith.constant 1 : i32
    %eq3A_12 = arith.cmpi eq, %arg0, %eq3A_11 : i32
    %convert_element_type3A_13 = arith.extui %eq3A_12 : i1 to i32
    %cond3A_14 = arith.constant 0 : i32
    %cond3A_15 = arith.cmpi ne, %convert_element_type3A_13, %cond3A_14 : i32
    scf.if %cond3A_15 {
      %mul3A_16 = arith.constant 632 : i32
      %mul3A_17 = arith.muli %arg1, %mul3A_16 : i32
      %mul3A_18 = arith.constant 632 : i32
      %mul3A_19 = arith.muli %arg1, %mul3A_18 : i32
      "tpu.region"() ({
        %run_scoped3A = tpu.sem_alloc : memref<!tpu.dma_semaphore, #tpu.memory_space<semaphore_mem>>
        %dma_start3A = arith.constant 0 : i32
        %dma_start3A_20 = tpu.memref_slice %arg7[%mul3A_19, %dma_start3A] : memref<10112x32xi32, #tpu.memory_space<hbm>> -> memref<632x32xi32, #tpu.memory_space<hbm>>
        %dma_start3A_21 = arith.constant 0 : i32
        %dma_start3A_22 = tpu.memref_slice %arg11[%mul3A_17, %dma_start3A_21] : memref<10112x32xi32, #tpu.memory_space<vmem_shared>> -> memref<632x32xi32, #tpu.memory_space<vmem_shared>>
        tpu.enqueue_dma source(%dma_start3A_22 : memref<632x32xi32, #tpu.memory_space<vmem_shared>>) target(%dma_start3A_20 : memref<632x32xi32, #tpu.memory_space<hbm>>) target_semaphore(%run_scoped3A : memref<!tpu.dma_semaphore, #tpu.memory_space<semaphore_mem>>)
        %dma_wait3A = arith.constant 0 : i32
        %dma_wait3A_23 = tpu.memref_slice %arg7[%mul3A_19, %dma_wait3A] : memref<10112x32xi32, #tpu.memory_space<hbm>> -> memref<632x32xi32, #tpu.memory_space<hbm>>
        %dma_wait3A_24 = arith.constant 0 : i32
        %dma_wait3A_25 = tpu.memref_slice %arg11[%mul3A_17, %dma_wait3A_24] : memref<10112x32xi32, #tpu.memory_space<vmem_shared>> -> memref<632x32xi32, #tpu.memory_space<vmem_shared>>
        tpu.wait_dma2 semaphore(%run_scoped3A : memref<!tpu.dma_semaphore, #tpu.memory_space<semaphore_mem>>) src(%dma_wait3A_25 : memref<632x32xi32, #tpu.memory_space<vmem_shared>>) dst(%dma_wait3A_23 : memref<632x32xi32, #tpu.memory_space<hbm>>)
        tpu.yield
      }) : () -> ()
    } else {
    }
    return
  }
}

#map = affine_map<(d0, d1) -> (0, 0)>
#map1 = affine_map<(d0, d1) -> (0, 0, 0)>
module attributes {stable_mosaic.version = 14 : i64} {
  func.func @_sc_agg_body(%arg0: i32, %arg1: i32, %arg2: memref<10112x128xi32, #tpu.memory_space<hbm>>, %arg3: memref<10112x128xi32, #tpu.memory_space<hbm>>, %arg4: memref<16x79x128xi32, #tpu.memory_space<hbm>>, %arg5: memref<16x79x128xi32, #tpu.memory_space<hbm>>, %arg6: memref<632x128xi32, #tpu.memory_space<hbm>>, %arg7: memref<10112x128xi32, #tpu.memory_space<hbm>>, %arg8: memref<10112x128xi32, #tpu.memory_space<hbm>>, %arg9: memref<79x128xi32, #tpu.memory_space<vmem>>, %arg10: memref<79x128xi32, #tpu.memory_space<vmem>>, %arg11: memref<128x128xi32, #tpu.memory_space<vmem>>, %arg12: memref<10112x128xi32, #tpu.memory_space<vmem_shared>>, %arg13: memref<!tpu.dma_semaphore, #tpu.memory_space<semaphore_mem>>) attributes {dimension_semantics = [#tpu.dimension_semantics<core_parallel>, #tpu.dimension_semantics<subcore_parallel>], iteration_bounds = array<i64: 2, 16>, scalar_prefetch = 0 : i64, scratch_operands = 5 : i64, tpu.core_type = #tpu.core_type<sc_vector_subcore>, window_params = [{transform_indices = #map}, {transform_indices = #map}, {transform_indices = #map1}, {transform_indices = #map1}, {transform_indices = #map}, {transform_indices = #map}, {transform_indices = #map}]} {
    "tpu.region"() ({
      %run_scoped3A = tpu.sem_alloc : memref<!tpu.dma_semaphore, #tpu.memory_space<semaphore_mem>>
      %dma_start3A = arith.constant 0 : i32
      %dma_start3A_19 = arith.constant 0 : i32
      %dma_start3A_20 = tpu.memref_slice %arg4[%arg1, %dma_start3A, %dma_start3A_19] : memref<16x79x128xi32, #tpu.memory_space<hbm>> -> memref<1x79x128xi32, #tpu.memory_space<hbm>>
      %dma_start3A_21 = tpu.memref_squeeze %dma_start3A_20 : memref<1x79x128xi32, #tpu.memory_space<hbm>> -> memref<79x128xi32, #tpu.memory_space<hbm>>
      %dma_start3A_22 = arith.constant 0 : i32
      %dma_start3A_23 = arith.constant 0 : i32
      %dma_start3A_24 = tpu.memref_slice %arg4[%arg1, %dma_start3A_22, %dma_start3A_23] : memref<16x79x128xi32, #tpu.memory_space<hbm>> -> memref<1x79x128xi32, #tpu.memory_space<hbm>>
      %dma_start3A_25 = tpu.memref_squeeze %dma_start3A_24 : memref<1x79x128xi32, #tpu.memory_space<hbm>> -> memref<79x128xi32, #tpu.memory_space<hbm>>
      tpu.enqueue_dma source(%dma_start3A_25 : memref<79x128xi32, #tpu.memory_space<hbm>>) target(%arg9 : memref<79x128xi32, #tpu.memory_space<vmem>>) target_semaphore(%run_scoped3A : memref<!tpu.dma_semaphore, #tpu.memory_space<semaphore_mem>>)
      %dma_wait3A = arith.constant 0 : i32
      %dma_wait3A_26 = arith.constant 0 : i32
      %dma_wait3A_27 = tpu.memref_slice %arg4[%arg1, %dma_wait3A, %dma_wait3A_26] : memref<16x79x128xi32, #tpu.memory_space<hbm>> -> memref<1x79x128xi32, #tpu.memory_space<hbm>>
      %dma_wait3A_28 = tpu.memref_squeeze %dma_wait3A_27 : memref<1x79x128xi32, #tpu.memory_space<hbm>> -> memref<79x128xi32, #tpu.memory_space<hbm>>
      %dma_wait3A_29 = arith.constant 0 : i32
      %dma_wait3A_30 = arith.constant 0 : i32
      %dma_wait3A_31 = tpu.memref_slice %arg4[%arg1, %dma_wait3A_29, %dma_wait3A_30] : memref<16x79x128xi32, #tpu.memory_space<hbm>> -> memref<1x79x128xi32, #tpu.memory_space<hbm>>
      %dma_wait3A_32 = tpu.memref_squeeze %dma_wait3A_31 : memref<1x79x128xi32, #tpu.memory_space<hbm>> -> memref<79x128xi32, #tpu.memory_space<hbm>>
      tpu.wait_dma2 semaphore(%run_scoped3A : memref<!tpu.dma_semaphore, #tpu.memory_space<semaphore_mem>>) src(%dma_wait3A_32 : memref<79x128xi32, #tpu.memory_space<hbm>>) dst(%arg9 : memref<79x128xi32, #tpu.memory_space<vmem>>)
      tpu.yield
    }) : () -> ()
    "tpu.region"() ({
      %run_scoped3A = tpu.sem_alloc : memref<!tpu.dma_semaphore, #tpu.memory_space<semaphore_mem>>
      %dma_start3A = arith.constant 0 : i32
      %dma_start3A_19 = arith.constant 0 : i32
      %dma_start3A_20 = tpu.memref_slice %arg5[%arg1, %dma_start3A, %dma_start3A_19] : memref<16x79x128xi32, #tpu.memory_space<hbm>> -> memref<1x79x128xi32, #tpu.memory_space<hbm>>
      %dma_start3A_21 = tpu.memref_squeeze %dma_start3A_20 : memref<1x79x128xi32, #tpu.memory_space<hbm>> -> memref<79x128xi32, #tpu.memory_space<hbm>>
      %dma_start3A_22 = arith.constant 0 : i32
      %dma_start3A_23 = arith.constant 0 : i32
      %dma_start3A_24 = tpu.memref_slice %arg5[%arg1, %dma_start3A_22, %dma_start3A_23] : memref<16x79x128xi32, #tpu.memory_space<hbm>> -> memref<1x79x128xi32, #tpu.memory_space<hbm>>
      %dma_start3A_25 = tpu.memref_squeeze %dma_start3A_24 : memref<1x79x128xi32, #tpu.memory_space<hbm>> -> memref<79x128xi32, #tpu.memory_space<hbm>>
      tpu.enqueue_dma source(%dma_start3A_25 : memref<79x128xi32, #tpu.memory_space<hbm>>) target(%arg10 : memref<79x128xi32, #tpu.memory_space<vmem>>) target_semaphore(%run_scoped3A : memref<!tpu.dma_semaphore, #tpu.memory_space<semaphore_mem>>)
      %dma_wait3A = arith.constant 0 : i32
      %dma_wait3A_26 = arith.constant 0 : i32
      %dma_wait3A_27 = tpu.memref_slice %arg5[%arg1, %dma_wait3A, %dma_wait3A_26] : memref<16x79x128xi32, #tpu.memory_space<hbm>> -> memref<1x79x128xi32, #tpu.memory_space<hbm>>
      %dma_wait3A_28 = tpu.memref_squeeze %dma_wait3A_27 : memref<1x79x128xi32, #tpu.memory_space<hbm>> -> memref<79x128xi32, #tpu.memory_space<hbm>>
      %dma_wait3A_29 = arith.constant 0 : i32
      %dma_wait3A_30 = arith.constant 0 : i32
      %dma_wait3A_31 = tpu.memref_slice %arg5[%arg1, %dma_wait3A_29, %dma_wait3A_30] : memref<16x79x128xi32, #tpu.memory_space<hbm>> -> memref<1x79x128xi32, #tpu.memory_space<hbm>>
      %dma_wait3A_32 = tpu.memref_squeeze %dma_wait3A_31 : memref<1x79x128xi32, #tpu.memory_space<hbm>> -> memref<79x128xi32, #tpu.memory_space<hbm>>
      tpu.wait_dma2 semaphore(%run_scoped3A : memref<!tpu.dma_semaphore, #tpu.memory_space<semaphore_mem>>) src(%dma_wait3A_32 : memref<79x128xi32, #tpu.memory_space<hbm>>) dst(%arg10 : memref<79x128xi32, #tpu.memory_space<vmem>>)
      tpu.yield
    }) : () -> ()
    %mul3A = arith.constant 632 : i32
    %mul3A_0 = arith.muli %arg1, %mul3A : i32
    "tpu.region"() ({
      %run_scoped3A = tpu.sem_alloc : memref<!tpu.dma_semaphore, #tpu.memory_space<semaphore_mem>>
      %dma_start3A = arith.constant 0 : i32
      %dma_start3A_19 = tpu.memref_slice %arg12[%mul3A_0, %dma_start3A] : memref<10112x128xi32, #tpu.memory_space<vmem_shared>> -> memref<632x128xi32, #tpu.memory_space<vmem_shared>>
      tpu.enqueue_dma source(%arg6 : memref<632x128xi32, #tpu.memory_space<hbm>>) target(%dma_start3A_19 : memref<632x128xi32, #tpu.memory_space<vmem_shared>>) target_semaphore(%run_scoped3A : memref<!tpu.dma_semaphore, #tpu.memory_space<semaphore_mem>>)
      %dma_wait3A = arith.constant 0 : i32
      %dma_wait3A_20 = tpu.memref_slice %arg12[%mul3A_0, %dma_wait3A] : memref<10112x128xi32, #tpu.memory_space<vmem_shared>> -> memref<632x128xi32, #tpu.memory_space<vmem_shared>>
      tpu.wait_dma2 semaphore(%run_scoped3A : memref<!tpu.dma_semaphore, #tpu.memory_space<semaphore_mem>>) src(%arg6 : memref<632x128xi32, #tpu.memory_space<hbm>>) dst(%dma_wait3A_20 : memref<632x128xi32, #tpu.memory_space<vmem_shared>>)
      tpu.yield
    }) : () -> ()
    %barrier3A = arith.constant 0 : index
    tpu.barrier barrier_id(%barrier3A)
    %eq3A = arith.constant 0 : i32
    %eq3A_1 = arith.cmpi eq, %arg0, %eq3A : i32
    %convert_element_type3A = arith.extui %eq3A_1 : i1 to i32
    %cond3A = arith.constant 0 : i32
    %cond3A_2 = arith.cmpi ne, %convert_element_type3A, %cond3A : i32
    scf.if %cond3A_2 {
      %scan3A = arith.constant 0 : i32
      %scan3A_19 = arith.constant 0 : i32
      %scan3A_20 = arith.constant 79 : i32
      %scan3A_21 = arith.addi %scan3A_19, %scan3A_20 : i32
      %scan3A_22 = arith.constant 1 : i32
      scf.for %scan3A_24 = %scan3A_19 to %scan3A_21 step %scan3A_22  : i32 {
        %dma_start3A = arith.constant 0 : i32
        %dma_start3A_25 = tpu.memref_slice %arg9[%scan3A_24, %dma_start3A] : memref<79x128xi32, #tpu.memory_space<vmem>> -> memref<1x128xi32, #tpu.memory_space<vmem>>
        %dma_start3A_26 = tpu.memref_squeeze %dma_start3A_25 : memref<1x128xi32, #tpu.memory_space<vmem>> -> memref<128xi32, #tpu.memory_space<vmem>>
        %dma_start3A_27 = arith.constant 0 : i32
        %dma_start3A_28 = arith.constant 0 : i32
        %dma_start3A_29 = tpu.memref_slice %arg2[%dma_start3A_27, %dma_start3A_28] : memref<10112x128xi32, #tpu.memory_space<hbm>> -> memref<10112x128xi32, #tpu.memory_space<hbm>>
        tpu.enqueue_indirect_dma source(%dma_start3A_29 : memref<10112x128xi32, #tpu.memory_space<hbm>>) target(%arg11 : memref<128x128xi32, #tpu.memory_space<vmem>>) offsets(%dma_start3A_26 : memref<128xi32, #tpu.memory_space<vmem>>) semaphore(%arg13 : memref<!tpu.dma_semaphore, #tpu.memory_space<semaphore_mem>>)
        %dma_wait3A = arith.constant 0 : i32
        %dma_wait3A_30 = tpu.memref_slice %arg9[%scan3A_24, %dma_wait3A] : memref<79x128xi32, #tpu.memory_space<vmem>> -> memref<1x128xi32, #tpu.memory_space<vmem>>
        %dma_wait3A_31 = tpu.memref_squeeze %dma_wait3A_30 : memref<1x128xi32, #tpu.memory_space<vmem>> -> memref<128xi32, #tpu.memory_space<vmem>>
        %dma_wait3A_32 = arith.constant 0 : i32
        %dma_wait3A_33 = arith.constant 0 : i32
        %dma_wait3A_34 = tpu.memref_slice %arg2[%dma_wait3A_32, %dma_wait3A_33] : memref<10112x128xi32, #tpu.memory_space<hbm>> -> memref<10112x128xi32, #tpu.memory_space<hbm>>
        tpu.wait_indirect_dma semaphore(%arg13 : memref<!tpu.dma_semaphore, #tpu.memory_space<semaphore_mem>>) src(%dma_wait3A_34 : memref<10112x128xi32, #tpu.memory_space<hbm>>) dst(%arg11 : memref<128x128xi32, #tpu.memory_space<vmem>>)
        "tpu.region"() ({
          %run_scoped3A = tpu.sem_alloc : memref<!tpu.dma_semaphore, #tpu.memory_space<semaphore_mem>>
          %dma_start3A_35 = arith.constant 0 : i32
          %dma_start3A_36 = tpu.memref_slice %arg10[%scan3A_24, %dma_start3A_35] : memref<79x128xi32, #tpu.memory_space<vmem>> -> memref<1x128xi32, #tpu.memory_space<vmem>>
          %dma_start3A_37 = tpu.memref_squeeze %dma_start3A_36 : memref<1x128xi32, #tpu.memory_space<vmem>> -> memref<128xi32, #tpu.memory_space<vmem>>
          %dma_start3A_38 = arith.constant 0 : i32
          %dma_start3A_39 = arith.constant 0 : i32
          %dma_start3A_40 = tpu.memref_slice %arg12[%dma_start3A_38, %dma_start3A_39] : memref<10112x128xi32, #tpu.memory_space<vmem_shared>> -> memref<10112x128xi32, #tpu.memory_space<vmem_shared>>
          tpu.enqueue_indirect_dma source(%arg11 : memref<128x128xi32, #tpu.memory_space<vmem>>) target(%dma_start3A_40 : memref<10112x128xi32, #tpu.memory_space<vmem_shared>>) offsets(%dma_start3A_37 : memref<128xi32, #tpu.memory_space<vmem>>) semaphore(%run_scoped3A : memref<!tpu.dma_semaphore, #tpu.memory_space<semaphore_mem>>) {add = true}
          %dma_wait3A_41 = arith.constant 0 : i32
          %dma_wait3A_42 = tpu.memref_slice %arg10[%scan3A_24, %dma_wait3A_41] : memref<79x128xi32, #tpu.memory_space<vmem>> -> memref<1x128xi32, #tpu.memory_space<vmem>>
          %dma_wait3A_43 = tpu.memref_squeeze %dma_wait3A_42 : memref<1x128xi32, #tpu.memory_space<vmem>> -> memref<128xi32, #tpu.memory_space<vmem>>
          %dma_wait3A_44 = arith.constant 0 : i32
          %dma_wait3A_45 = arith.constant 0 : i32
          %dma_wait3A_46 = tpu.memref_slice %arg12[%dma_wait3A_44, %dma_wait3A_45] : memref<10112x128xi32, #tpu.memory_space<vmem_shared>> -> memref<10112x128xi32, #tpu.memory_space<vmem_shared>>
          tpu.wait_indirect_dma semaphore(%run_scoped3A : memref<!tpu.dma_semaphore, #tpu.memory_space<semaphore_mem>>) src(%arg11 : memref<128x128xi32, #tpu.memory_space<vmem>>) dst(%dma_wait3A_46 : memref<10112x128xi32, #tpu.memory_space<vmem_shared>>)
          tpu.yield
        }) : () -> ()
      }
      %scan3A_23 = arith.constant 79 : i32
    } else {
    }
    %eq3A_3 = arith.constant 1 : i32
    %eq3A_4 = arith.cmpi eq, %arg0, %eq3A_3 : i32
    %convert_element_type3A_5 = arith.extui %eq3A_4 : i1 to i32
    %cond3A_6 = arith.constant 0 : i32
    %cond3A_7 = arith.cmpi ne, %convert_element_type3A_5, %cond3A_6 : i32
    scf.if %cond3A_7 {
      %scan3A = arith.constant 0 : i32
      %scan3A_19 = arith.constant 0 : i32
      %scan3A_20 = arith.constant 79 : i32
      %scan3A_21 = arith.addi %scan3A_19, %scan3A_20 : i32
      %scan3A_22 = arith.constant 1 : i32
      scf.for %scan3A_24 = %scan3A_19 to %scan3A_21 step %scan3A_22  : i32 {
        %dma_start3A = arith.constant 0 : i32
        %dma_start3A_25 = tpu.memref_slice %arg9[%scan3A_24, %dma_start3A] : memref<79x128xi32, #tpu.memory_space<vmem>> -> memref<1x128xi32, #tpu.memory_space<vmem>>
        %dma_start3A_26 = tpu.memref_squeeze %dma_start3A_25 : memref<1x128xi32, #tpu.memory_space<vmem>> -> memref<128xi32, #tpu.memory_space<vmem>>
        %dma_start3A_27 = arith.constant 0 : i32
        %dma_start3A_28 = arith.constant 0 : i32
        %dma_start3A_29 = tpu.memref_slice %arg3[%dma_start3A_27, %dma_start3A_28] : memref<10112x128xi32, #tpu.memory_space<hbm>> -> memref<10112x128xi32, #tpu.memory_space<hbm>>
        tpu.enqueue_indirect_dma source(%dma_start3A_29 : memref<10112x128xi32, #tpu.memory_space<hbm>>) target(%arg11 : memref<128x128xi32, #tpu.memory_space<vmem>>) offsets(%dma_start3A_26 : memref<128xi32, #tpu.memory_space<vmem>>) semaphore(%arg13 : memref<!tpu.dma_semaphore, #tpu.memory_space<semaphore_mem>>)
        %dma_wait3A = arith.constant 0 : i32
        %dma_wait3A_30 = tpu.memref_slice %arg9[%scan3A_24, %dma_wait3A] : memref<79x128xi32, #tpu.memory_space<vmem>> -> memref<1x128xi32, #tpu.memory_space<vmem>>
        %dma_wait3A_31 = tpu.memref_squeeze %dma_wait3A_30 : memref<1x128xi32, #tpu.memory_space<vmem>> -> memref<128xi32, #tpu.memory_space<vmem>>
        %dma_wait3A_32 = arith.constant 0 : i32
        %dma_wait3A_33 = arith.constant 0 : i32
        %dma_wait3A_34 = tpu.memref_slice %arg3[%dma_wait3A_32, %dma_wait3A_33] : memref<10112x128xi32, #tpu.memory_space<hbm>> -> memref<10112x128xi32, #tpu.memory_space<hbm>>
        tpu.wait_indirect_dma semaphore(%arg13 : memref<!tpu.dma_semaphore, #tpu.memory_space<semaphore_mem>>) src(%dma_wait3A_34 : memref<10112x128xi32, #tpu.memory_space<hbm>>) dst(%arg11 : memref<128x128xi32, #tpu.memory_space<vmem>>)
        "tpu.region"() ({
          %run_scoped3A = tpu.sem_alloc : memref<!tpu.dma_semaphore, #tpu.memory_space<semaphore_mem>>
          %dma_start3A_35 = arith.constant 0 : i32
          %dma_start3A_36 = tpu.memref_slice %arg10[%scan3A_24, %dma_start3A_35] : memref<79x128xi32, #tpu.memory_space<vmem>> -> memref<1x128xi32, #tpu.memory_space<vmem>>
          %dma_start3A_37 = tpu.memref_squeeze %dma_start3A_36 : memref<1x128xi32, #tpu.memory_space<vmem>> -> memref<128xi32, #tpu.memory_space<vmem>>
          %dma_start3A_38 = arith.constant 0 : i32
          %dma_start3A_39 = arith.constant 0 : i32
          %dma_start3A_40 = tpu.memref_slice %arg12[%dma_start3A_38, %dma_start3A_39] : memref<10112x128xi32, #tpu.memory_space<vmem_shared>> -> memref<10112x128xi32, #tpu.memory_space<vmem_shared>>
          tpu.enqueue_indirect_dma source(%arg11 : memref<128x128xi32, #tpu.memory_space<vmem>>) target(%dma_start3A_40 : memref<10112x128xi32, #tpu.memory_space<vmem_shared>>) offsets(%dma_start3A_37 : memref<128xi32, #tpu.memory_space<vmem>>) semaphore(%run_scoped3A : memref<!tpu.dma_semaphore, #tpu.memory_space<semaphore_mem>>) {add = true}
          %dma_wait3A_41 = arith.constant 0 : i32
          %dma_wait3A_42 = tpu.memref_slice %arg10[%scan3A_24, %dma_wait3A_41] : memref<79x128xi32, #tpu.memory_space<vmem>> -> memref<1x128xi32, #tpu.memory_space<vmem>>
          %dma_wait3A_43 = tpu.memref_squeeze %dma_wait3A_42 : memref<1x128xi32, #tpu.memory_space<vmem>> -> memref<128xi32, #tpu.memory_space<vmem>>
          %dma_wait3A_44 = arith.constant 0 : i32
          %dma_wait3A_45 = arith.constant 0 : i32
          %dma_wait3A_46 = tpu.memref_slice %arg12[%dma_wait3A_44, %dma_wait3A_45] : memref<10112x128xi32, #tpu.memory_space<vmem_shared>> -> memref<10112x128xi32, #tpu.memory_space<vmem_shared>>
          tpu.wait_indirect_dma semaphore(%run_scoped3A : memref<!tpu.dma_semaphore, #tpu.memory_space<semaphore_mem>>) src(%arg11 : memref<128x128xi32, #tpu.memory_space<vmem>>) dst(%dma_wait3A_46 : memref<10112x128xi32, #tpu.memory_space<vmem_shared>>)
          tpu.yield
        }) : () -> ()
      }
      %scan3A_23 = arith.constant 79 : i32
    } else {
    }
    %barrier3A_8 = arith.constant 0 : index
    tpu.barrier barrier_id(%barrier3A_8)
    %eq3A_9 = arith.constant 0 : i32
    %eq3A_10 = arith.cmpi eq, %arg0, %eq3A_9 : i32
    %convert_element_type3A_11 = arith.extui %eq3A_10 : i1 to i32
    %cond3A_12 = arith.constant 0 : i32
    %cond3A_13 = arith.cmpi ne, %convert_element_type3A_11, %cond3A_12 : i32
    scf.if %cond3A_13 {
      %mul3A_19 = arith.constant 632 : i32
      %mul3A_20 = arith.muli %arg1, %mul3A_19 : i32
      %mul3A_21 = arith.constant 632 : i32
      %mul3A_22 = arith.muli %arg1, %mul3A_21 : i32
      "tpu.region"() ({
        %run_scoped3A = tpu.sem_alloc : memref<!tpu.dma_semaphore, #tpu.memory_space<semaphore_mem>>
        %dma_start3A = arith.constant 0 : i32
        %dma_start3A_23 = tpu.memref_slice %arg7[%mul3A_22, %dma_start3A] : memref<10112x128xi32, #tpu.memory_space<hbm>> -> memref<632x128xi32, #tpu.memory_space<hbm>>
        %dma_start3A_24 = arith.constant 0 : i32
        %dma_start3A_25 = tpu.memref_slice %arg12[%mul3A_20, %dma_start3A_24] : memref<10112x128xi32, #tpu.memory_space<vmem_shared>> -> memref<632x128xi32, #tpu.memory_space<vmem_shared>>
        tpu.enqueue_dma source(%dma_start3A_25 : memref<632x128xi32, #tpu.memory_space<vmem_shared>>) target(%dma_start3A_23 : memref<632x128xi32, #tpu.memory_space<hbm>>) target_semaphore(%run_scoped3A : memref<!tpu.dma_semaphore, #tpu.memory_space<semaphore_mem>>)
        %dma_wait3A = arith.constant 0 : i32
        %dma_wait3A_26 = tpu.memref_slice %arg7[%mul3A_22, %dma_wait3A] : memref<10112x128xi32, #tpu.memory_space<hbm>> -> memref<632x128xi32, #tpu.memory_space<hbm>>
        %dma_wait3A_27 = arith.constant 0 : i32
        %dma_wait3A_28 = tpu.memref_slice %arg12[%mul3A_20, %dma_wait3A_27] : memref<10112x128xi32, #tpu.memory_space<vmem_shared>> -> memref<632x128xi32, #tpu.memory_space<vmem_shared>>
        tpu.wait_dma2 semaphore(%run_scoped3A : memref<!tpu.dma_semaphore, #tpu.memory_space<semaphore_mem>>) src(%dma_wait3A_28 : memref<632x128xi32, #tpu.memory_space<vmem_shared>>) dst(%dma_wait3A_26 : memref<632x128xi32, #tpu.memory_space<hbm>>)
        tpu.yield
      }) : () -> ()
    } else {
    }
    %eq3A_14 = arith.constant 1 : i32
    %eq3A_15 = arith.cmpi eq, %arg0, %eq3A_14 : i32
    %convert_element_type3A_16 = arith.extui %eq3A_15 : i1 to i32
    %cond3A_17 = arith.constant 0 : i32
    %cond3A_18 = arith.cmpi ne, %convert_element_type3A_16, %cond3A_17 : i32
    scf.if %cond3A_18 {
      %mul3A_19 = arith.constant 632 : i32
      %mul3A_20 = arith.muli %arg1, %mul3A_19 : i32
      %mul3A_21 = arith.constant 632 : i32
      %mul3A_22 = arith.muli %arg1, %mul3A_21 : i32
      "tpu.region"() ({
        %run_scoped3A = tpu.sem_alloc : memref<!tpu.dma_semaphore, #tpu.memory_space<semaphore_mem>>
        %dma_start3A = arith.constant 0 : i32
        %dma_start3A_23 = tpu.memref_slice %arg8[%mul3A_22, %dma_start3A] : memref<10112x128xi32, #tpu.memory_space<hbm>> -> memref<632x128xi32, #tpu.memory_space<hbm>>
        %dma_start3A_24 = arith.constant 0 : i32
        %dma_start3A_25 = tpu.memref_slice %arg12[%mul3A_20, %dma_start3A_24] : memref<10112x128xi32, #tpu.memory_space<vmem_shared>> -> memref<632x128xi32, #tpu.memory_space<vmem_shared>>
        tpu.enqueue_dma source(%dma_start3A_25 : memref<632x128xi32, #tpu.memory_space<vmem_shared>>) target(%dma_start3A_23 : memref<632x128xi32, #tpu.memory_space<hbm>>) target_semaphore(%run_scoped3A : memref<!tpu.dma_semaphore, #tpu.memory_space<semaphore_mem>>)
        %dma_wait3A = arith.constant 0 : i32
        %dma_wait3A_26 = tpu.memref_slice %arg8[%mul3A_22, %dma_wait3A] : memref<10112x128xi32, #tpu.memory_space<hbm>> -> memref<632x128xi32, #tpu.memory_space<hbm>>
        %dma_wait3A_27 = arith.constant 0 : i32
        %dma_wait3A_28 = tpu.memref_slice %arg12[%mul3A_20, %dma_wait3A_27] : memref<10112x128xi32, #tpu.memory_space<vmem_shared>> -> memref<632x128xi32, #tpu.memory_space<vmem_shared>>
        tpu.wait_dma2 semaphore(%run_scoped3A : memref<!tpu.dma_semaphore, #tpu.memory_space<semaphore_mem>>) src(%dma_wait3A_28 : memref<632x128xi32, #tpu.memory_space<vmem_shared>>) dst(%dma_wait3A_26 : memref<632x128xi32, #tpu.memory_space<hbm>>)
        tpu.yield
      }) : () -> ()
    } else {
    }
    return
  }
}

module attributes {stable_mosaic.version = 14 : i64} {
  func.func @_split1_body(%arg0: i32, %arg1: memref<632x32xf32, #tpu.memory_space<vmem>>, %arg2: memref<632x32xi32, #tpu.memory_space<vmem>>, %arg3: memref<632x32xi32, #tpu.memory_space<vmem>>, %arg4: memref<632x32xi32, #tpu.memory_space<vmem>>, %arg5: memref<2xf32, #tpu.memory_space<smem>>, %arg6: memref<1x1xf32, #tpu.memory_space<smem>>, %arg7: memref<1x1xf32, #tpu.memory_space<smem>>) attributes {dimension_semantics = [#tpu.dimension_semantics<arbitrary>], iteration_bounds = array<i64: 32>, scalar_prefetch = 0 : i64, scratch_operands = 2 : i64, tpu.core_type = #tpu.core_type<tc>, window_params = [{transform_indices = @transform_0, window_bounds = array<i64: 632, 32>}, {transform_indices = @transform_1, window_bounds = array<i64: 632, 32>}, {transform_indices = @transform_2, window_bounds = array<i64: 632, 32>}, {transform_indices = @transform_3, window_bounds = array<i64: 632, 32>}, {transform_indices = @transform_4, window_bounds = array<i64: 2>}]} {
    %eq3A = arith.constant 0 : i32
    %eq3A_0 = arith.cmpi eq, %arg0, %eq3A : i32
    %convert_element_type3A = arith.extui %eq3A_0 : i1 to i32
    %cond3A = arith.constant 0 : i32
    %cond3A_1 = arith.cmpi ne, %convert_element_type3A, %cond3A : i32
    scf.if %cond3A_1 {
      %swap3A = arith.constant 0.000000e+00 : f32
      %swap3A_15 = arith.constant 0 : index
      %swap3A_16 = arith.constant 0 : index
      %swap3A_17 = memref.load %arg6[%swap3A_15, %swap3A_16] : memref<1x1xf32, #tpu.memory_space<smem>>
      memref.store %swap3A, %arg6[%swap3A_15, %swap3A_16] : memref<1x1xf32, #tpu.memory_space<smem>>
      %swap3A_18 = arith.constant 0.000000e+00 : f32
      %swap3A_19 = arith.constant 0 : index
      %swap3A_20 = arith.constant 0 : index
      %swap3A_21 = memref.load %arg7[%swap3A_19, %swap3A_20] : memref<1x1xf32, #tpu.memory_space<smem>>
      memref.store %swap3A_18, %arg7[%swap3A_19, %swap3A_20] : memref<1x1xf32, #tpu.memory_space<smem>>
    } else {
    }
    %lt3A = arith.constant 16 : i32
    %lt3A_2 = arith.cmpi slt, %arg0, %lt3A : i32
    %convert_element_type3A_3 = arith.extui %lt3A_2 : i1 to i32
    %cond3A_4 = arith.constant 0 : i32
    %cond3A_5 = arith.cmpi ne, %convert_element_type3A_3, %cond3A_4 : i32
    scf.if %cond3A_5 {
      %get3A = arith.constant 0 : index
      %get3A_15 = arith.constant 0 : index
      %get3A_16 = memref.load %arg6[%get3A, %get3A_15] : memref<1x1xf32, #tpu.memory_space<smem>>
      %get3A_17 = arith.constant 0 : index
      %get3A_18 = arith.constant 0 : index
      %get3A_19 = vector.load %arg1[%get3A_17, %get3A_18] : memref<632x32xf32, #tpu.memory_space<vmem>>, vector<632x32xf32>
      %abs3A = math.absf %get3A_19 : vector<632x32xf32>
      %reduce_max3A = vector.shape_cast %abs3A : vector<632x32xf32> to vector<1x632x32xf32>
      %reduce_max3A_20 = arith.constant dense<0xFF800000> : vector<1xf32>
      %reduce_max3A_21 = vector.multi_reduction <maximumf>, %reduce_max3A, %reduce_max3A_20 [1, 2] : vector<1x632x32xf32> to vector<1xf32>
      %reduce_max3A_22 = vector.shape_cast %reduce_max3A_21 : vector<1xf32> to vector<1x1x1xf32>
      %reduce_max3A_23 = vector.extract %reduce_max3A_22[0, 0, 0] : f32 from vector<1x1x1xf32>
      %max3A = arith.maximumf %get3A_16, %reduce_max3A_23 : f32
      %swap3A = arith.constant 0 : index
      %swap3A_24 = arith.constant 0 : index
      %swap3A_25 = memref.load %arg6[%swap3A, %swap3A_24] : memref<1x1xf32, #tpu.memory_space<smem>>
      memref.store %max3A, %arg6[%swap3A, %swap3A_24] : memref<1x1xf32, #tpu.memory_space<smem>>
      %get3A_26 = arith.constant 0 : index
      %get3A_27 = arith.constant 0 : index
      %get3A_28 = vector.load %arg2[%get3A_26, %get3A_27] : memref<632x32xi32, #tpu.memory_space<vmem>>, vector<632x1xi32>
      %get3A_29 = arith.constant 0 : index
      %get3A_30 = arith.constant 0 : index
      %get3A_31 = vector.load %arg3[%get3A_29, %get3A_30] : memref<632x32xi32, #tpu.memory_space<vmem>>, vector<632x1xi32>
      %add3A = arith.addi %get3A_28, %get3A_31 : vector<632x1xi32>
      %convert_element_type3A_32 = arith.sitofp %add3A : vector<632x1xi32> to vector<632x1xf32>
      %get3A_33 = arith.constant 0 : index
      %get3A_34 = arith.constant 0 : index
      %get3A_35 = memref.load %arg7[%get3A_33, %get3A_34] : memref<1x1xf32, #tpu.memory_space<smem>>
      %reduce_max3A_36 = vector.shape_cast %convert_element_type3A_32 : vector<632x1xf32> to vector<1x632x1xf32>
      %reduce_max3A_37 = arith.constant dense<0xFF800000> : vector<1xf32>
      %reduce_max3A_38 = vector.multi_reduction <maximumf>, %reduce_max3A_36, %reduce_max3A_37 [1, 2] : vector<1x632x1xf32> to vector<1xf32>
      %reduce_max3A_39 = vector.shape_cast %reduce_max3A_38 : vector<1xf32> to vector<1x1x1xf32>
      %reduce_max3A_40 = vector.extract %reduce_max3A_39[0, 0, 0] : f32 from vector<1x1x1xf32>
      %max3A_41 = arith.maximumf %get3A_35, %reduce_max3A_40 : f32
      %swap3A_42 = arith.constant 0 : index
      %swap3A_43 = arith.constant 0 : index
      %swap3A_44 = memref.load %arg7[%swap3A_42, %swap3A_43] : memref<1x1xf32, #tpu.memory_space<smem>>
      memref.store %max3A_41, %arg7[%swap3A_42, %swap3A_43] : memref<1x1xf32, #tpu.memory_space<smem>>
    } else {
    }
    %eq3A_6 = arith.constant 15 : i32
    %eq3A_7 = arith.cmpi eq, %arg0, %eq3A_6 : i32
    %convert_element_type3A_8 = arith.extui %eq3A_7 : i1 to i32
    %cond3A_9 = arith.constant 0 : i32
    %cond3A_10 = arith.cmpi ne, %convert_element_type3A_8, %cond3A_9 : i32
    scf.if %cond3A_10 {
      %get3A = arith.constant 0 : index
      %get3A_15 = arith.constant 0 : index
      %get3A_16 = memref.load %arg6[%get3A, %get3A_15] : memref<1x1xf32, #tpu.memory_space<smem>>
      %get3A_17 = arith.constant 0 : index
      %get3A_18 = arith.constant 0 : index
      %get3A_19 = memref.load %arg7[%get3A_17, %get3A_18] : memref<1x1xf32, #tpu.memory_space<smem>>
      %max3A = arith.constant 1.000000e-30 : f32
      %max3A_20 = arith.maximumf %get3A_16, %max3A : f32
      %max3A_21 = arith.constant 1.000000e+00 : f32
      %max3A_22 = arith.maximumf %get3A_19, %max3A_21 : f32
      %mul3A = arith.mulf %max3A_20, %max3A_22 : f32
      %log3A = math.log %mul3A : f32
      %log3A_23 = arith.constant 2.000000e+00 : f32
      %log3A_24 = math.log %log3A_23 : f32
      %div3A = arith.divf %log3A, %log3A_24 : f32
      %sub3A = arith.constant 2.990000e+01 : f32
      %sub3A_25 = arith.subf %sub3A, %div3A : f32
      %floor3A = math.floor %sub3A_25 : f32
      %min3A = arith.constant 2.400000e+01 : f32
      %min3A_26 = arith.minimumf %floor3A, %min3A : f32
      %exp23A = math.exp2 %min3A_26 : f32
      %swap3A = arith.constant 0 : index
      %swap3A_27 = memref.load %arg5[%swap3A] : memref<2xf32, #tpu.memory_space<smem>>
      memref.store %exp23A, %arg5[%swap3A] : memref<2xf32, #tpu.memory_space<smem>>
      %get3A_28 = arith.constant 0 : index
      %get3A_29 = arith.constant 0 : index
      %get3A_30 = memref.load %arg7[%get3A_28, %get3A_29] : memref<1x1xf32, #tpu.memory_space<smem>>
      %swap3A_31 = arith.constant 1 : index
      %swap3A_32 = memref.load %arg5[%swap3A_31] : memref<2xf32, #tpu.memory_space<smem>>
      memref.store %get3A_30, %arg5[%swap3A_31] : memref<2xf32, #tpu.memory_space<smem>>
    } else {
    }
    %ge3A = arith.constant 16 : i32
    %ge3A_11 = arith.cmpi sge, %arg0, %ge3A : i32
    %convert_element_type3A_12 = arith.extui %ge3A_11 : i1 to i32
    %cond3A_13 = arith.constant 0 : i32
    %cond3A_14 = arith.cmpi ne, %convert_element_type3A_12, %cond3A_13 : i32
    scf.if %cond3A_14 {
      %get3A = arith.constant 0 : index
      %get3A_15 = arith.constant 0 : index
      %get3A_16 = memref.load %arg6[%get3A, %get3A_15] : memref<1x1xf32, #tpu.memory_space<smem>>
      %get3A_17 = arith.constant 0 : index
      %get3A_18 = arith.constant 0 : index
      %get3A_19 = memref.load %arg7[%get3A_17, %get3A_18] : memref<1x1xf32, #tpu.memory_space<smem>>
      %max3A = arith.constant 1.000000e-30 : f32
      %max3A_20 = arith.maximumf %get3A_16, %max3A : f32
      %max3A_21 = arith.constant 1.000000e+00 : f32
      %max3A_22 = arith.maximumf %get3A_19, %max3A_21 : f32
      %mul3A = arith.mulf %max3A_20, %max3A_22 : f32
      %log3A = math.log %mul3A : f32
      %log3A_23 = arith.constant 2.000000e+00 : f32
      %log3A_24 = math.log %log3A_23 : f32
      %div3A = arith.divf %log3A, %log3A_24 : f32
      %sub3A = arith.constant 2.990000e+01 : f32
      %sub3A_25 = arith.subf %sub3A, %div3A : f32
      %floor3A = math.floor %sub3A_25 : f32
      %min3A = arith.constant 2.400000e+01 : f32
      %min3A_26 = arith.minimumf %floor3A, %min3A : f32
      %exp23A = math.exp2 %min3A_26 : f32
      %get3A_27 = arith.constant 0 : index
      %get3A_28 = arith.constant 0 : index
      %get3A_29 = vector.load %arg1[%get3A_27, %get3A_28] : memref<632x32xf32, #tpu.memory_space<vmem>>, vector<632x32xf32>
      %mul3A_30 = vector.broadcast %exp23A : f32 to vector<632x32xf32>
      %mul3A_31 = arith.mulf %get3A_29, %mul3A_30 : vector<632x32xf32>
      %round3A = math.roundeven %mul3A_31 : vector<632x32xf32>
      %convert_element_type3A_32 = arith.fptosi %round3A : vector<632x32xf32> to vector<632x32xi32>
      %swap3A = arith.constant 0 : index
      %swap3A_33 = arith.constant 0 : index
      %swap3A_34 = vector.load %arg4[%swap3A, %swap3A_33] : memref<632x32xi32, #tpu.memory_space<vmem>>, vector<632x32xi32>
      tpu.vector_store %arg4[%swap3A, %swap3A_33], %convert_element_type3A_32 {strides = array<i32>} : memref<632x32xi32, #tpu.memory_space<vmem>>, vector<632x32xi32>,
    } else {
    }
    return
  }
  func.func @transform_0(%arg0: i32) -> (i32, i32) {
    %jit3A = arith.constant 16 : i32
    %eq3A = arith.constant 0 : i32
    %eq3A_0 = arith.cmpi eq, %jit3A, %eq3A : i32
    %jit3A_1 = arith.constant 1 : i32
    %select_n3A = arith.select %eq3A_0, %jit3A_1, %jit3A : i32
    %rem3A = arith.remsi %arg0, %select_n3A : i32
    %ne3A = arith.constant 0 : i32
    %ne3A_2 = arith.cmpi ne, %rem3A, %ne3A : i32
    %lt3A = arith.constant 0 : i32
    %lt3A_3 = arith.cmpi slt, %rem3A, %lt3A : i32
    %lt3A_4 = arith.constant 0 : i32
    %lt3A_5 = arith.cmpi slt, %select_n3A, %lt3A_4 : i32
    %ne3A_6 = arith.xori %lt3A_3, %lt3A_5 : i1
    %and3A = arith.andi %ne3A_6, %ne3A_2 : i1
    %add3A = arith.addi %rem3A, %select_n3A : i32
    %select_n3A_7 = arith.select %and3A, %add3A, %rem3A : i32
    %c0_i32 = arith.constant 0 : i32
    %c0_i32_8 = arith.constant 0 : i32
    return %select_n3A_7, %c0_i32 : i32, i32
  }
  func.func @transform_1(%arg0: i32) -> (i32, i32) {
    %jit3A = arith.constant 16 : i32
    %eq3A = arith.constant 0 : i32
    %eq3A_0 = arith.cmpi eq, %jit3A, %eq3A : i32
    %jit3A_1 = arith.constant 1 : i32
    %select_n3A = arith.select %eq3A_0, %jit3A_1, %jit3A : i32
    %rem3A = arith.remsi %arg0, %select_n3A : i32
    %ne3A = arith.constant 0 : i32
    %ne3A_2 = arith.cmpi ne, %rem3A, %ne3A : i32
    %lt3A = arith.constant 0 : i32
    %lt3A_3 = arith.cmpi slt, %rem3A, %lt3A : i32
    %lt3A_4 = arith.constant 0 : i32
    %lt3A_5 = arith.cmpi slt, %select_n3A, %lt3A_4 : i32
    %ne3A_6 = arith.xori %lt3A_3, %lt3A_5 : i1
    %and3A = arith.andi %ne3A_6, %ne3A_2 : i1
    %add3A = arith.addi %rem3A, %select_n3A : i32
    %select_n3A_7 = arith.select %and3A, %add3A, %rem3A : i32
    %c0_i32 = arith.constant 0 : i32
    %c0_i32_8 = arith.constant 0 : i32
    return %select_n3A_7, %c0_i32 : i32, i32
  }
  func.func @transform_2(%arg0: i32) -> (i32, i32) {
    %jit3A = arith.constant 16 : i32
    %eq3A = arith.constant 0 : i32
    %eq3A_0 = arith.cmpi eq, %jit3A, %eq3A : i32
    %jit3A_1 = arith.constant 1 : i32
    %select_n3A = arith.select %eq3A_0, %jit3A_1, %jit3A : i32
    %rem3A = arith.remsi %arg0, %select_n3A : i32
    %ne3A = arith.constant 0 : i32
    %ne3A_2 = arith.cmpi ne, %rem3A, %ne3A : i32
    %lt3A = arith.constant 0 : i32
    %lt3A_3 = arith.cmpi slt, %rem3A, %lt3A : i32
    %lt3A_4 = arith.constant 0 : i32
    %lt3A_5 = arith.cmpi slt, %select_n3A, %lt3A_4 : i32
    %ne3A_6 = arith.xori %lt3A_3, %lt3A_5 : i1
    %and3A = arith.andi %ne3A_6, %ne3A_2 : i1
    %add3A = arith.addi %rem3A, %select_n3A : i32
    %select_n3A_7 = arith.select %and3A, %add3A, %rem3A : i32
    %c0_i32 = arith.constant 0 : i32
    %c0_i32_8 = arith.constant 0 : i32
    return %select_n3A_7, %c0_i32 : i32, i32
  }
  func.func @transform_3(%arg0: i32) -> (i32, i32) {
    %jit3A = arith.constant 16 : i32
    %eq3A = arith.constant 0 : i32
    %eq3A_0 = arith.cmpi eq, %jit3A, %eq3A : i32
    %jit3A_1 = arith.constant 1 : i32
    %select_n3A = arith.select %eq3A_0, %jit3A_1, %jit3A : i32
    %rem3A = arith.remsi %arg0, %select_n3A : i32
    %ne3A = arith.constant 0 : i32
    %ne3A_2 = arith.cmpi ne, %rem3A, %ne3A : i32
    %lt3A = arith.constant 0 : i32
    %lt3A_3 = arith.cmpi slt, %rem3A, %lt3A : i32
    %lt3A_4 = arith.constant 0 : i32
    %lt3A_5 = arith.cmpi slt, %select_n3A, %lt3A_4 : i32
    %ne3A_6 = arith.xori %lt3A_3, %lt3A_5 : i1
    %and3A = arith.andi %ne3A_6, %ne3A_2 : i1
    %add3A = arith.addi %rem3A, %select_n3A : i32
    %select_n3A_7 = arith.select %and3A, %add3A, %rem3A : i32
    %c0_i32 = arith.constant 0 : i32
    %c0_i32_8 = arith.constant 0 : i32
    return %select_n3A_7, %c0_i32 : i32, i32
  }
  func.func @transform_4(%arg0: i32) -> i32 {
    %c0_i32 = arith.constant 0 : i32
    %c0_i32_0 = arith.constant 0 : i32
    return %c0_i32 : i32
  }
}

module attributes {stable_mosaic.version = 14 : i64} {
  func.func @_tc1_body(%arg0: i32, %arg1: memref<632x32xi32, #tpu.memory_space<vmem>>, %arg2: memref<632x32xi32, #tpu.memory_space<vmem>>, %arg3: memref<2xf32, #tpu.memory_space<smem>>, %arg4: memref<632x32xf32, #tpu.memory_space<vmem>>, %arg5: memref<32x256xf32, #tpu.memory_space<vmem>>, %arg6: memref<32x256xf32, #tpu.memory_space<vmem>>, %arg7: memref<1x256xf32, #tpu.memory_space<vmem>>, %arg8: memref<632x128xf32, #tpu.memory_space<vmem>>, %arg9: memref<632x128xf32, #tpu.memory_space<vmem>>) attributes {dimension_semantics = [#tpu.dimension_semantics<arbitrary>], iteration_bounds = array<i64: 16>, scalar_prefetch = 0 : i64, scratch_operands = 0 : i64, tpu.core_type = #tpu.core_type<tc>, window_params = [{transform_indices = @transform_0, window_bounds = array<i64: 632, 32>}, {transform_indices = @transform_1, window_bounds = array<i64: 632, 32>}, {transform_indices = @transform_2, window_bounds = array<i64: 2>}, {transform_indices = @transform_3, window_bounds = array<i64: 632, 32>}, {pipeline_mode = #tpu.pipeline_mode<synchronous>, transform_indices = @transform_4, window_bounds = array<i64: 32, 256>}, {pipeline_mode = #tpu.pipeline_mode<synchronous>, transform_indices = @transform_5, window_bounds = array<i64: 32, 256>}, {pipeline_mode = #tpu.pipeline_mode<synchronous>, transform_indices = @transform_6, window_bounds = array<i64: 1, 256>}, {transform_indices = @transform_7, window_bounds = array<i64: 632, 128>}, {transform_indices = @transform_8, window_bounds = array<i64: 632, 128>}]} {
    %get3A = arith.constant 0 : index
    %get3A_0 = arith.constant 0 : index
    %get3A_1 = vector.load %arg1[%get3A, %get3A_0] : memref<632x32xi32, #tpu.memory_space<vmem>>, vector<632x32xi32>
    %get3A_2 = arith.constant 0 : index
    %get3A_3 = arith.constant 0 : index
    %get3A_4 = vector.load %arg2[%get3A_2, %get3A_3] : memref<632x32xi32, #tpu.memory_space<vmem>>, vector<632x32xi32>
    %add3A = arith.addi %get3A_1, %get3A_4 : vector<632x32xi32>
    %convert_element_type3A = arith.sitofp %add3A : vector<632x32xi32> to vector<632x32xf32>
    %get3A_5 = arith.constant 0 : index
    %get3A_6 = memref.load %arg3[%get3A_5] : memref<2xf32, #tpu.memory_space<smem>>
    %div3A = arith.constant 1.000000e+00 : f32
    %div3A_7 = arith.divf %div3A, %get3A_6 : f32
    %mul3A = vector.broadcast %div3A_7 : f32 to vector<632x32xf32>
    %mul3A_8 = arith.mulf %convert_element_type3A, %mul3A : vector<632x32xf32>
    %get3A_9 = arith.constant 0 : index
    %get3A_10 = arith.constant 0 : index
    %get3A_11 = vector.load %arg5[%get3A_9, %get3A_10] : memref<32x256xf32, #tpu.memory_space<vmem>>, vector<32x256xf32>
    %dot_general3A = arith.constant dense<0.000000e+00> : vector<632x256xf32>
    %dot_general3A_12 = tpu.matmul %mul3A_8, %get3A_11, %dot_general3A {dimension_numbers = #tpu.dot_dimension_numbers<[1], [0], [0], [1], [0, 0, 1, 1], [], []>, transpose_lhs_hint = false} : vector<632x32xf32>, vector<32x256xf32>, vector<632x256xf32> -> vector<632x256xf32>
    %get3A_13 = arith.constant 0 : index
    %get3A_14 = arith.constant 0 : index
    %get3A_15 = vector.load %arg4[%get3A_13, %get3A_14] : memref<632x32xf32, #tpu.memory_space<vmem>>, vector<632x32xf32>
    %get3A_16 = arith.constant 0 : index
    %get3A_17 = arith.constant 0 : index
    %get3A_18 = vector.load %arg6[%get3A_16, %get3A_17] : memref<32x256xf32, #tpu.memory_space<vmem>>, vector<32x256xf32>
    %dot_general3A_19 = arith.constant dense<0.000000e+00> : vector<632x256xf32>
    %dot_general3A_20 = tpu.matmul %get3A_15, %get3A_18, %dot_general3A_19 {dimension_numbers = #tpu.dot_dimension_numbers<[1], [0], [0], [1], [0, 0, 1, 1], [], []>, transpose_lhs_hint = false} : vector<632x32xf32>, vector<32x256xf32>, vector<632x256xf32> -> vector<632x256xf32>
    %add3A_21 = arith.addf %dot_general3A_12, %dot_general3A_20 : vector<632x256xf32>
    %get3A_22 = arith.constant 0 : index
    %get3A_23 = arith.constant 0 : index
    %get3A_24 = vector.load %arg7[%get3A_22, %get3A_23] : memref<1x256xf32, #tpu.memory_space<vmem>>, vector<1x256xf32>
    %add3A_25 = vector.broadcast %get3A_24 : vector<1x256xf32> to vector<632x256xf32>
    %add3A_26 = arith.addf %add3A_21, %add3A_25 : vector<632x256xf32>
    %max3A = arith.constant 0.000000e+00 : f32
    %max3A_27 = vector.broadcast %max3A : f32 to vector<632x256xf32>
    %max3A_28 = arith.maximumf %add3A_26, %max3A_27 : vector<632x256xf32>
    %mul3A_29 = arith.constant 632 : i32
    %mul3A_30 = arith.muli %arg0, %mul3A_29 : i32
    %iota3A = tpu.iota {dimensions = array<i32: 0>} : vector<632x1xi32>
    %add3A_31 = vector.broadcast %mul3A_30 : i32 to vector<632x1xi32>
    %add3A_32 = arith.addi %add3A_31, %iota3A : vector<632x1xi32>
    %lt3A = arith.constant 10000 : i32
    %lt3A_33 = vector.broadcast %lt3A : i32 to vector<632x1xi32>
    %lt3A_34 = arith.cmpi slt, %add3A_32, %lt3A_33 : vector<632x1xi32>
    %jit3A = arith.constant 0.000000e+00 : f32
    %broadcast_in_dim3A = vector.shape_cast %lt3A_34 : vector<632x1xi1> to vector<632x1xi1>
    %broadcast_in_dim3A_35 = vector.broadcast %broadcast_in_dim3A : vector<632x1xi1> to vector<632x256xi1>
    %broadcast_in_dim3A_36 = vector.broadcast %jit3A : f32 to vector<632x256xf32>
    %select_n3A = arith.select %broadcast_in_dim3A_35, %max3A_28, %broadcast_in_dim3A_36 : vector<632x256xi1>, vector<632x256xf32>
    %slice3A = vector.extract_strided_slice %select_n3A {offsets = [0, 0], sizes = [632, 128], strides = [1, 1]} : vector<632x256xf32> to vector<632x128xf32>
    %swap3A = arith.constant 0 : index
    %swap3A_37 = arith.constant 0 : index
    %swap3A_38 = vector.load %arg8[%swap3A, %swap3A_37] : memref<632x128xf32, #tpu.memory_space<vmem>>, vector<632x128xf32>
    tpu.vector_store %arg8[%swap3A, %swap3A_37], %slice3A {strides = array<i32>} : memref<632x128xf32, #tpu.memory_space<vmem>>, vector<632x128xf32>,
    %slice3A_39 = vector.extract_strided_slice %select_n3A {offsets = [0, 128], sizes = [632, 128], strides = [1, 1]} : vector<632x256xf32> to vector<632x128xf32>
    %swap3A_40 = arith.constant 0 : index
    %swap3A_41 = arith.constant 0 : index
    %swap3A_42 = vector.load %arg9[%swap3A_40, %swap3A_41] : memref<632x128xf32, #tpu.memory_space<vmem>>, vector<632x128xf32>
    tpu.vector_store %arg9[%swap3A_40, %swap3A_41], %slice3A_39 {strides = array<i32>} : memref<632x128xf32, #tpu.memory_space<vmem>>, vector<632x128xf32>,
    return
  }
  func.func @transform_0(%arg0: i32) -> (i32, i32) {
    %c0_i32 = arith.constant 0 : i32
    %c0_i32_0 = arith.constant 0 : i32
    return %arg0, %c0_i32 : i32, i32
  }
  func.func @transform_1(%arg0: i32) -> (i32, i32) {
    %c0_i32 = arith.constant 0 : i32
    %c0_i32_0 = arith.constant 0 : i32
    return %arg0, %c0_i32 : i32, i32
  }
  func.func @transform_2(%arg0: i32) -> i32 {
    %c0_i32 = arith.constant 0 : i32
    %c0_i32_0 = arith.constant 0 : i32
    return %c0_i32 : i32
  }
  func.func @transform_3(%arg0: i32) -> (i32, i32) {
    %c0_i32 = arith.constant 0 : i32
    %c0_i32_0 = arith.constant 0 : i32
    return %arg0, %c0_i32 : i32, i32
  }
  func.func @transform_4(%arg0: i32) -> (i32, i32) {
    %c0_i32 = arith.constant 0 : i32
    %c0_i32_0 = arith.constant 0 : i32
    %c0_i32_1 = arith.constant 0 : i32
    return %c0_i32, %c0_i32_0 : i32, i32
  }
  func.func @transform_5(%arg0: i32) -> (i32, i32) {
    %c0_i32 = arith.constant 0 : i32
    %c0_i32_0 = arith.constant 0 : i32
    %c0_i32_1 = arith.constant 0 : i32
    return %c0_i32, %c0_i32_0 : i32, i32
  }
  func.func @transform_6(%arg0: i32) -> (i32, i32) {
    %c0_i32 = arith.constant 0 : i32
    %c0_i32_0 = arith.constant 0 : i32
    %c0_i32_1 = arith.constant 0 : i32
    return %c0_i32, %c0_i32_0 : i32, i32
  }
  func.func @transform_7(%arg0: i32) -> (i32, i32) {
    %c0_i32 = arith.constant 0 : i32
    %c0_i32_0 = arith.constant 0 : i32
    return %arg0, %c0_i32 : i32, i32
  }
  func.func @transform_8(%arg0: i32) -> (i32, i32) {
    %c0_i32 = arith.constant 0 : i32
    %c0_i32_0 = arith.constant 0 : i32
    return %arg0, %c0_i32 : i32, i32
  }
}

module attributes {stable_mosaic.version = 14 : i64} {
  func.func @_split_body(%arg0: i32, %arg1: memref<632x128xf32, #tpu.memory_space<vmem>>, %arg2: memref<632x128xf32, #tpu.memory_space<vmem>>, %arg3: memref<2xf32, #tpu.memory_space<smem>>, %arg4: memref<632x128xi32, #tpu.memory_space<vmem>>, %arg5: memref<632x128xi32, #tpu.memory_space<vmem>>, %arg6: memref<2xf32, #tpu.memory_space<smem>>, %arg7: memref<1x1xf32, #tpu.memory_space<smem>>) attributes {dimension_semantics = [#tpu.dimension_semantics<arbitrary>], iteration_bounds = array<i64: 32>, scalar_prefetch = 0 : i64, scratch_operands = 1 : i64, tpu.core_type = #tpu.core_type<tc>, window_params = [{transform_indices = @transform_0, window_bounds = array<i64: 632, 128>}, {transform_indices = @transform_1, window_bounds = array<i64: 632, 128>}, {transform_indices = @transform_2, window_bounds = array<i64: 2>}, {transform_indices = @transform_3, window_bounds = array<i64: 632, 128>}, {transform_indices = @transform_4, window_bounds = array<i64: 632, 128>}, {transform_indices = @transform_5, window_bounds = array<i64: 2>}]} {
    %eq3A = arith.constant 0 : i32
    %eq3A_0 = arith.cmpi eq, %arg0, %eq3A : i32
    %convert_element_type3A = arith.extui %eq3A_0 : i1 to i32
    %cond3A = arith.constant 0 : i32
    %cond3A_1 = arith.cmpi ne, %convert_element_type3A, %cond3A : i32
    scf.if %cond3A_1 {
      %swap3A = arith.constant 0.000000e+00 : f32
      %swap3A_15 = arith.constant 0 : index
      %swap3A_16 = arith.constant 0 : index
      %swap3A_17 = memref.load %arg7[%swap3A_15, %swap3A_16] : memref<1x1xf32, #tpu.memory_space<smem>>
      memref.store %swap3A, %arg7[%swap3A_15, %swap3A_16] : memref<1x1xf32, #tpu.memory_space<smem>>
    } else {
    }
    %lt3A = arith.constant 16 : i32
    %lt3A_2 = arith.cmpi slt, %arg0, %lt3A : i32
    %convert_element_type3A_3 = arith.extui %lt3A_2 : i1 to i32
    %cond3A_4 = arith.constant 0 : i32
    %cond3A_5 = arith.cmpi ne, %convert_element_type3A_3, %cond3A_4 : i32
    scf.if %cond3A_5 {
      %get3A = arith.constant 0 : index
      %get3A_15 = arith.constant 0 : index
      %get3A_16 = vector.load %arg1[%get3A, %get3A_15] : memref<632x128xf32, #tpu.memory_space<vmem>>, vector<632x128xf32>
      %reduce_max3A = vector.shape_cast %get3A_16 : vector<632x128xf32> to vector<1x632x128xf32>
      %reduce_max3A_17 = arith.constant dense<0xFF800000> : vector<1xf32>
      %reduce_max3A_18 = vector.multi_reduction <maximumf>, %reduce_max3A, %reduce_max3A_17 [1, 2] : vector<1x632x128xf32> to vector<1xf32>
      %reduce_max3A_19 = vector.shape_cast %reduce_max3A_18 : vector<1xf32> to vector<1x1x1xf32>
      %reduce_max3A_20 = vector.extract %reduce_max3A_19[0, 0, 0] : f32 from vector<1x1x1xf32>
      %get3A_21 = arith.constant 0 : index
      %get3A_22 = arith.constant 0 : index
      %get3A_23 = vector.load %arg2[%get3A_21, %get3A_22] : memref<632x128xf32, #tpu.memory_space<vmem>>, vector<632x128xf32>
      %reduce_max3A_24 = vector.shape_cast %get3A_23 : vector<632x128xf32> to vector<1x632x128xf32>
      %reduce_max3A_25 = arith.constant dense<0xFF800000> : vector<1xf32>
      %reduce_max3A_26 = vector.multi_reduction <maximumf>, %reduce_max3A_24, %reduce_max3A_25 [1, 2] : vector<1x632x128xf32> to vector<1xf32>
      %reduce_max3A_27 = vector.shape_cast %reduce_max3A_26 : vector<1xf32> to vector<1x1x1xf32>
      %reduce_max3A_28 = vector.extract %reduce_max3A_27[0, 0, 0] : f32 from vector<1x1x1xf32>
      %max3A = arith.maximumf %reduce_max3A_20, %reduce_max3A_28 : f32
      %get3A_29 = arith.constant 0 : index
      %get3A_30 = arith.constant 0 : index
      %get3A_31 = memref.load %arg7[%get3A_29, %get3A_30] : memref<1x1xf32, #tpu.memory_space<smem>>
      %max3A_32 = arith.maximumf %get3A_31, %max3A : f32
      %swap3A = arith.constant 0 : index
      %swap3A_33 = arith.constant 0 : index
      %swap3A_34 = memref.load %arg7[%swap3A, %swap3A_33] : memref<1x1xf32, #tpu.memory_space<smem>>
      memref.store %max3A_32, %arg7[%swap3A, %swap3A_33] : memref<1x1xf32, #tpu.memory_space<smem>>
    } else {
    }
    %eq3A_6 = arith.constant 15 : i32
    %eq3A_7 = arith.cmpi eq, %arg0, %eq3A_6 : i32
    %convert_element_type3A_8 = arith.extui %eq3A_7 : i1 to i32
    %cond3A_9 = arith.constant 0 : i32
    %cond3A_10 = arith.cmpi ne, %convert_element_type3A_8, %cond3A_9 : i32
    scf.if %cond3A_10 {
      %get3A = arith.constant 0 : index
      %get3A_15 = arith.constant 0 : index
      %get3A_16 = memref.load %arg7[%get3A, %get3A_15] : memref<1x1xf32, #tpu.memory_space<smem>>
      %get3A_17 = arith.constant 1 : index
      %get3A_18 = memref.load %arg3[%get3A_17] : memref<2xf32, #tpu.memory_space<smem>>
      %max3A = arith.constant 1.000000e-30 : f32
      %max3A_19 = arith.maximumf %get3A_16, %max3A : f32
      %max3A_20 = arith.constant 1.000000e+00 : f32
      %max3A_21 = arith.maximumf %get3A_18, %max3A_20 : f32
      %mul3A = arith.mulf %max3A_19, %max3A_21 : f32
      %log3A = math.log %mul3A : f32
      %log3A_22 = arith.constant 2.000000e+00 : f32
      %log3A_23 = math.log %log3A_22 : f32
      %div3A = arith.divf %log3A, %log3A_23 : f32
      %sub3A = arith.constant 2.990000e+01 : f32
      %sub3A_24 = arith.subf %sub3A, %div3A : f32
      %floor3A = math.floor %sub3A_24 : f32
      %min3A = arith.constant 2.400000e+01 : f32
      %min3A_25 = arith.minimumf %floor3A, %min3A : f32
      %exp23A = math.exp2 %min3A_25 : f32
      %swap3A = arith.constant 0 : index
      %swap3A_26 = memref.load %arg6[%swap3A] : memref<2xf32, #tpu.memory_space<smem>>
      memref.store %exp23A, %arg6[%swap3A] : memref<2xf32, #tpu.memory_space<smem>>
      %get3A_27 = arith.constant 1 : index
      %get3A_28 = memref.load %arg3[%get3A_27] : memref<2xf32, #tpu.memory_space<smem>>
      %swap3A_29 = arith.constant 1 : index
      %swap3A_30 = memref.load %arg6[%swap3A_29] : memref<2xf32, #tpu.memory_space<smem>>
      memref.store %get3A_28, %arg6[%swap3A_29] : memref<2xf32, #tpu.memory_space<smem>>
    } else {
    }
    %ge3A = arith.constant 16 : i32
    %ge3A_11 = arith.cmpi sge, %arg0, %ge3A : i32
    %convert_element_type3A_12 = arith.extui %ge3A_11 : i1 to i32
    %cond3A_13 = arith.constant 0 : i32
    %cond3A_14 = arith.cmpi ne, %convert_element_type3A_12, %cond3A_13 : i32
    scf.if %cond3A_14 {
      %get3A = arith.constant 0 : index
      %get3A_15 = arith.constant 0 : index
      %get3A_16 = memref.load %arg7[%get3A, %get3A_15] : memref<1x1xf32, #tpu.memory_space<smem>>
      %get3A_17 = arith.constant 1 : index
      %get3A_18 = memref.load %arg3[%get3A_17] : memref<2xf32, #tpu.memory_space<smem>>
      %max3A = arith.constant 1.000000e-30 : f32
      %max3A_19 = arith.maximumf %get3A_16, %max3A : f32
      %max3A_20 = arith.constant 1.000000e+00 : f32
      %max3A_21 = arith.maximumf %get3A_18, %max3A_20 : f32
      %mul3A = arith.mulf %max3A_19, %max3A_21 : f32
      %log3A = math.log %mul3A : f32
      %log3A_22 = arith.constant 2.000000e+00 : f32
      %log3A_23 = math.log %log3A_22 : f32
      %div3A = arith.divf %log3A, %log3A_23 : f32
      %sub3A = arith.constant 2.990000e+01 : f32
      %sub3A_24 = arith.subf %sub3A, %div3A : f32
      %floor3A = math.floor %sub3A_24 : f32
      %min3A = arith.constant 2.400000e+01 : f32
      %min3A_25 = arith.minimumf %floor3A, %min3A : f32
      %exp23A = math.exp2 %min3A_25 : f32
      %get3A_26 = arith.constant 0 : index
      %get3A_27 = arith.constant 0 : index
      %get3A_28 = vector.load %arg1[%get3A_26, %get3A_27] : memref<632x128xf32, #tpu.memory_space<vmem>>, vector<632x128xf32>
      %mul3A_29 = vector.broadcast %exp23A : f32 to vector<632x128xf32>
      %mul3A_30 = arith.mulf %get3A_28, %mul3A_29 : vector<632x128xf32>
      %round3A = math.roundeven %mul3A_30 : vector<632x128xf32>
      %convert_element_type3A_31 = arith.fptosi %round3A : vector<632x128xf32> to vector<632x128xi32>
      %swap3A = arith.constant 0 : index
      %swap3A_32 = arith.constant 0 : index
      %swap3A_33 = vector.load %arg4[%swap3A, %swap3A_32] : memref<632x128xi32, #tpu.memory_space<vmem>>, vector<632x128xi32>
      tpu.vector_store %arg4[%swap3A, %swap3A_32], %convert_element_type3A_31 {strides = array<i32>} : memref<632x128xi32, #tpu.memory_space<vmem>>, vector<632x128xi32>,
      %get3A_34 = arith.constant 0 : index
      %get3A_35 = arith.constant 0 : index
      %get3A_36 = vector.load %arg2[%get3A_34, %get3A_35] : memref<632x128xf32, #tpu.memory_space<vmem>>, vector<632x128xf32>
      %mul3A_37 = vector.broadcast %exp23A : f32 to vector<632x128xf32>
      %mul3A_38 = arith.mulf %get3A_36, %mul3A_37 : vector<632x128xf32>
      %round3A_39 = math.roundeven %mul3A_38 : vector<632x128xf32>
      %convert_element_type3A_40 = arith.fptosi %round3A_39 : vector<632x128xf32> to vector<632x128xi32>
      %swap3A_41 = arith.constant 0 : index
      %swap3A_42 = arith.constant 0 : index
      %swap3A_43 = vector.load %arg5[%swap3A_41, %swap3A_42] : memref<632x128xi32, #tpu.memory_space<vmem>>, vector<632x128xi32>
      tpu.vector_store %arg5[%swap3A_41, %swap3A_42], %convert_element_type3A_40 {strides = array<i32>} : memref<632x128xi32, #tpu.memory_space<vmem>>, vector<632x128xi32>,
    } else {
    }
    return
  }
  func.func @transform_0(%arg0: i32) -> (i32, i32) {
    %jit3A = arith.constant 16 : i32
    %eq3A = arith.constant 0 : i32
    %eq3A_0 = arith.cmpi eq, %jit3A, %eq3A : i32
    %jit3A_1 = arith.constant 1 : i32
    %select_n3A = arith.select %eq3A_0, %jit3A_1, %jit3A : i32
    %rem3A = arith.remsi %arg0, %select_n3A : i32
    %ne3A = arith.constant 0 : i32
    %ne3A_2 = arith.cmpi ne, %rem3A, %ne3A : i32
    %lt3A = arith.constant 0 : i32
    %lt3A_3 = arith.cmpi slt, %rem3A, %lt3A : i32
    %lt3A_4 = arith.constant 0 : i32
    %lt3A_5 = arith.cmpi slt, %select_n3A, %lt3A_4 : i32
    %ne3A_6 = arith.xori %lt3A_3, %lt3A_5 : i1
    %and3A = arith.andi %ne3A_6, %ne3A_2 : i1
    %add3A = arith.addi %rem3A, %select_n3A : i32
    %select_n3A_7 = arith.select %and3A, %add3A, %rem3A : i32
    %c0_i32 = arith.constant 0 : i32
    %c0_i32_8 = arith.constant 0 : i32
    return %select_n3A_7, %c0_i32 : i32, i32
  }
  func.func @transform_1(%arg0: i32) -> (i32, i32) {
    %jit3A = arith.constant 16 : i32
    %eq3A = arith.constant 0 : i32
    %eq3A_0 = arith.cmpi eq, %jit3A, %eq3A : i32
    %jit3A_1 = arith.constant 1 : i32
    %select_n3A = arith.select %eq3A_0, %jit3A_1, %jit3A : i32
    %rem3A = arith.remsi %arg0, %select_n3A : i32
    %ne3A = arith.constant 0 : i32
    %ne3A_2 = arith.cmpi ne, %rem3A, %ne3A : i32
    %lt3A = arith.constant 0 : i32
    %lt3A_3 = arith.cmpi slt, %rem3A, %lt3A : i32
    %lt3A_4 = arith.constant 0 : i32
    %lt3A_5 = arith.cmpi slt, %select_n3A, %lt3A_4 : i32
    %ne3A_6 = arith.xori %lt3A_3, %lt3A_5 : i1
    %and3A = arith.andi %ne3A_6, %ne3A_2 : i1
    %add3A = arith.addi %rem3A, %select_n3A : i32
    %select_n3A_7 = arith.select %and3A, %add3A, %rem3A : i32
    %c0_i32 = arith.constant 0 : i32
    %c0_i32_8 = arith.constant 0 : i32
    return %select_n3A_7, %c0_i32 : i32, i32
  }
  func.func @transform_2(%arg0: i32) -> i32 {
    %c0_i32 = arith.constant 0 : i32
    %c0_i32_0 = arith.constant 0 : i32
    return %c0_i32 : i32
  }
  func.func @transform_3(%arg0: i32) -> (i32, i32) {
    %jit3A = arith.constant 16 : i32
    %eq3A = arith.constant 0 : i32
    %eq3A_0 = arith.cmpi eq, %jit3A, %eq3A : i32
    %jit3A_1 = arith.constant 1 : i32
    %select_n3A = arith.select %eq3A_0, %jit3A_1, %jit3A : i32
    %rem3A = arith.remsi %arg0, %select_n3A : i32
    %ne3A = arith.constant 0 : i32
    %ne3A_2 = arith.cmpi ne, %rem3A, %ne3A : i32
    %lt3A = arith.constant 0 : i32
    %lt3A_3 = arith.cmpi slt, %rem3A, %lt3A : i32
    %lt3A_4 = arith.constant 0 : i32
    %lt3A_5 = arith.cmpi slt, %select_n3A, %lt3A_4 : i32
    %ne3A_6 = arith.xori %lt3A_3, %lt3A_5 : i1
    %and3A = arith.andi %ne3A_6, %ne3A_2 : i1
    %add3A = arith.addi %rem3A, %select_n3A : i32
    %select_n3A_7 = arith.select %and3A, %add3A, %rem3A : i32
    %c0_i32 = arith.constant 0 : i32
    %c0_i32_8 = arith.constant 0 : i32
    return %select_n3A_7, %c0_i32 : i32, i32
  }
  func.func @transform_4(%arg0: i32) -> (i32, i32) {
    %jit3A = arith.constant 16 : i32
    %eq3A = arith.constant 0 : i32
    %eq3A_0 = arith.cmpi eq, %jit3A, %eq3A : i32
    %jit3A_1 = arith.constant 1 : i32
    %select_n3A = arith.select %eq3A_0, %jit3A_1, %jit3A : i32
    %rem3A = arith.remsi %arg0, %select_n3A : i32
    %ne3A = arith.constant 0 : i32
    %ne3A_2 = arith.cmpi ne, %rem3A, %ne3A : i32
    %lt3A = arith.constant 0 : i32
    %lt3A_3 = arith.cmpi slt, %rem3A, %lt3A : i32
    %lt3A_4 = arith.constant 0 : i32
    %lt3A_5 = arith.cmpi slt, %select_n3A, %lt3A_4 : i32
    %ne3A_6 = arith.xori %lt3A_3, %lt3A_5 : i1
    %and3A = arith.andi %ne3A_6, %ne3A_2 : i1
    %add3A = arith.addi %rem3A, %select_n3A : i32
    %select_n3A_7 = arith.select %and3A, %add3A, %rem3A : i32
    %c0_i32 = arith.constant 0 : i32
    %c0_i32_8 = arith.constant 0 : i32
    return %select_n3A_7, %c0_i32 : i32, i32
  }
  func.func @transform_5(%arg0: i32) -> i32 {
    %c0_i32 = arith.constant 0 : i32
    %c0_i32_0 = arith.constant 0 : i32
    return %c0_i32 : i32
  }
}

module attributes {stable_mosaic.version = 14 : i64} {
  func.func @_tc_layer_body(%arg0: i32, %arg1: memref<632x128xi32, #tpu.memory_space<vmem>>, %arg2: memref<632x128xi32, #tpu.memory_space<vmem>>, %arg3: memref<2xf32, #tpu.memory_space<smem>>, %arg4: memref<632x128xf32, #tpu.memory_space<vmem>>, %arg5: memref<632x128xf32, #tpu.memory_space<vmem>>, %arg6: memref<256x256xf32, #tpu.memory_space<vmem>>, %arg7: memref<256x256xf32, #tpu.memory_space<vmem>>, %arg8: memref<1x256xf32, #tpu.memory_space<vmem>>, %arg9: memref<632x128xf32, #tpu.memory_space<vmem>>, %arg10: memref<632x128xf32, #tpu.memory_space<vmem>>) attributes {dimension_semantics = [#tpu.dimension_semantics<arbitrary>], iteration_bounds = array<i64: 16>, scalar_prefetch = 0 : i64, scratch_operands = 0 : i64, tpu.core_type = #tpu.core_type<tc>, window_params = [{transform_indices = @transform_0, window_bounds = array<i64: 632, 128>}, {transform_indices = @transform_1, window_bounds = array<i64: 632, 128>}, {transform_indices = @transform_2, window_bounds = array<i64: 2>}, {transform_indices = @transform_3, window_bounds = array<i64: 632, 128>}, {transform_indices = @transform_4, window_bounds = array<i64: 632, 128>}, {pipeline_mode = #tpu.pipeline_mode<synchronous>, transform_indices = @transform_5, window_bounds = array<i64: 256, 256>}, {pipeline_mode = #tpu.pipeline_mode<synchronous>, transform_indices = @transform_6, window_bounds = array<i64: 256, 256>}, {pipeline_mode = #tpu.pipeline_mode<synchronous>, transform_indices = @transform_7, window_bounds = array<i64: 1, 256>}, {transform_indices = @transform_8, window_bounds = array<i64: 632, 128>}, {transform_indices = @transform_9, window_bounds = array<i64: 632, 128>}]} {
    %get3A = arith.constant 0 : index
    %get3A_0 = memref.load %arg3[%get3A] : memref<2xf32, #tpu.memory_space<smem>>
    %div3A = arith.constant 1.000000e+00 : f32
    %div3A_1 = arith.divf %div3A, %get3A_0 : f32
    %get3A_2 = arith.constant 0 : index
    %get3A_3 = arith.constant 0 : index
    %get3A_4 = vector.load %arg1[%get3A_2, %get3A_3] : memref<632x128xi32, #tpu.memory_space<vmem>>, vector<632x128xi32>
    %convert_element_type3A = arith.sitofp %get3A_4 : vector<632x128xi32> to vector<632x128xf32>
    %get3A_5 = arith.constant 0 : index
    %get3A_6 = arith.constant 0 : index
    %get3A_7 = vector.load %arg2[%get3A_5, %get3A_6] : memref<632x128xi32, #tpu.memory_space<vmem>>, vector<632x128xi32>
    %convert_element_type3A_8 = arith.sitofp %get3A_7 : vector<632x128xi32> to vector<632x128xf32>
    %concatenate3A = tpu.concatenate %convert_element_type3A, %convert_element_type3A_8 in 1 : vector<632x128xf32>, vector<632x128xf32> -> vector<632x256xf32>
    %mul3A = vector.broadcast %div3A_1 : f32 to vector<632x256xf32>
    %mul3A_9 = arith.mulf %concatenate3A, %mul3A : vector<632x256xf32>
    %get3A_10 = arith.constant 0 : index
    %get3A_11 = arith.constant 0 : index
    %get3A_12 = vector.load %arg4[%get3A_10, %get3A_11] : memref<632x128xf32, #tpu.memory_space<vmem>>, vector<632x128xf32>
    %get3A_13 = arith.constant 0 : index
    %get3A_14 = arith.constant 0 : index
    %get3A_15 = vector.load %arg5[%get3A_13, %get3A_14] : memref<632x128xf32, #tpu.memory_space<vmem>>, vector<632x128xf32>
    %concatenate3A_16 = tpu.concatenate %get3A_12, %get3A_15 in 1 : vector<632x128xf32>, vector<632x128xf32> -> vector<632x256xf32>
    %get3A_17 = arith.constant 0 : index
    %get3A_18 = arith.constant 0 : index
    %get3A_19 = vector.load %arg6[%get3A_17, %get3A_18] : memref<256x256xf32, #tpu.memory_space<vmem>>, vector<256x256xf32>
    %dot_general3A = arith.constant dense<0.000000e+00> : vector<632x256xf32>
    %dot_general3A_20 = tpu.matmul %mul3A_9, %get3A_19, %dot_general3A {dimension_numbers = #tpu.dot_dimension_numbers<[1], [0], [0], [1], [0, 0, 1, 1], [], []>, transpose_lhs_hint = false} : vector<632x256xf32>, vector<256x256xf32>, vector<632x256xf32> -> vector<632x256xf32>
    %get3A_21 = arith.constant 0 : index
    %get3A_22 = arith.constant 0 : index
    %get3A_23 = vector.load %arg7[%get3A_21, %get3A_22] : memref<256x256xf32, #tpu.memory_space<vmem>>, vector<256x256xf32>
    %dot_general3A_24 = arith.constant dense<0.000000e+00> : vector<632x256xf32>
    %dot_general3A_25 = tpu.matmul %concatenate3A_16, %get3A_23, %dot_general3A_24 {dimension_numbers = #tpu.dot_dimension_numbers<[1], [0], [0], [1], [0, 0, 1, 1], [], []>, transpose_lhs_hint = false} : vector<632x256xf32>, vector<256x256xf32>, vector<632x256xf32> -> vector<632x256xf32>
    %add3A = arith.addf %dot_general3A_20, %dot_general3A_25 : vector<632x256xf32>
    %get3A_26 = arith.constant 0 : index
    %get3A_27 = arith.constant 0 : index
    %get3A_28 = vector.load %arg8[%get3A_26, %get3A_27] : memref<1x256xf32, #tpu.memory_space<vmem>>, vector<1x256xf32>
    %add3A_29 = vector.broadcast %get3A_28 : vector<1x256xf32> to vector<632x256xf32>
    %add3A_30 = arith.addf %add3A, %add3A_29 : vector<632x256xf32>
    %max3A = arith.constant 0.000000e+00 : f32
    %max3A_31 = vector.broadcast %max3A : f32 to vector<632x256xf32>
    %max3A_32 = arith.maximumf %add3A_30, %max3A_31 : vector<632x256xf32>
    %mul3A_33 = arith.constant 632 : i32
    %mul3A_34 = arith.muli %arg0, %mul3A_33 : i32
    %iota3A = tpu.iota {dimensions = array<i32: 0>} : vector<632x1xi32>
    %add3A_35 = vector.broadcast %mul3A_34 : i32 to vector<632x1xi32>
    %add3A_36 = arith.addi %add3A_35, %iota3A : vector<632x1xi32>
    %lt3A = arith.constant 10000 : i32
    %lt3A_37 = vector.broadcast %lt3A : i32 to vector<632x1xi32>
    %lt3A_38 = arith.cmpi slt, %add3A_36, %lt3A_37 : vector<632x1xi32>
    %jit3A = arith.constant 0.000000e+00 : f32
    %broadcast_in_dim3A = vector.shape_cast %lt3A_38 : vector<632x1xi1> to vector<632x1xi1>
    %broadcast_in_dim3A_39 = vector.broadcast %broadcast_in_dim3A : vector<632x1xi1> to vector<632x256xi1>
    %broadcast_in_dim3A_40 = vector.broadcast %jit3A : f32 to vector<632x256xf32>
    %select_n3A = arith.select %broadcast_in_dim3A_39, %max3A_32, %broadcast_in_dim3A_40 : vector<632x256xi1>, vector<632x256xf32>
    %slice3A = vector.extract_strided_slice %select_n3A {offsets = [0, 0], sizes = [632, 128], strides = [1, 1]} : vector<632x256xf32> to vector<632x128xf32>
    %swap3A = arith.constant 0 : index
    %swap3A_41 = arith.constant 0 : index
    %swap3A_42 = vector.load %arg9[%swap3A, %swap3A_41] : memref<632x128xf32, #tpu.memory_space<vmem>>, vector<632x128xf32>
    tpu.vector_store %arg9[%swap3A, %swap3A_41], %slice3A {strides = array<i32>} : memref<632x128xf32, #tpu.memory_space<vmem>>, vector<632x128xf32>,
    %slice3A_43 = vector.extract_strided_slice %select_n3A {offsets = [0, 128], sizes = [632, 128], strides = [1, 1]} : vector<632x256xf32> to vector<632x128xf32>
    %swap3A_44 = arith.constant 0 : index
    %swap3A_45 = arith.constant 0 : index
    %swap3A_46 = vector.load %arg10[%swap3A_44, %swap3A_45] : memref<632x128xf32, #tpu.memory_space<vmem>>, vector<632x128xf32>
    tpu.vector_store %arg10[%swap3A_44, %swap3A_45], %slice3A_43 {strides = array<i32>} : memref<632x128xf32, #tpu.memory_space<vmem>>, vector<632x128xf32>,
    return
  }
  func.func @transform_0(%arg0: i32) -> (i32, i32) {
    %c0_i32 = arith.constant 0 : i32
    %c0_i32_0 = arith.constant 0 : i32
    return %arg0, %c0_i32 : i32, i32
  }
  func.func @transform_1(%arg0: i32) -> (i32, i32) {
    %c0_i32 = arith.constant 0 : i32
    %c0_i32_0 = arith.constant 0 : i32
    return %arg0, %c0_i32 : i32, i32
  }
  func.func @transform_2(%arg0: i32) -> i32 {
    %c0_i32 = arith.constant 0 : i32
    %c0_i32_0 = arith.constant 0 : i32
    return %c0_i32 : i32
  }
  func.func @transform_3(%arg0: i32) -> (i32, i32) {
    %c0_i32 = arith.constant 0 : i32
    %c0_i32_0 = arith.constant 0 : i32
    return %arg0, %c0_i32 : i32, i32
  }
  func.func @transform_4(%arg0: i32) -> (i32, i32) {
    %c0_i32 = arith.constant 0 : i32
    %c0_i32_0 = arith.constant 0 : i32
    return %arg0, %c0_i32 : i32, i32
  }
  func.func @transform_5(%arg0: i32) -> (i32, i32) {
    %c0_i32 = arith.constant 0 : i32
    %c0_i32_0 = arith.constant 0 : i32
    %c0_i32_1 = arith.constant 0 : i32
    return %c0_i32, %c0_i32_0 : i32, i32
  }
  func.func @transform_6(%arg0: i32) -> (i32, i32) {
    %c0_i32 = arith.constant 0 : i32
    %c0_i32_0 = arith.constant 0 : i32
    %c0_i32_1 = arith.constant 0 : i32
    return %c0_i32, %c0_i32_0 : i32, i32
  }
  func.func @transform_7(%arg0: i32) -> (i32, i32) {
    %c0_i32 = arith.constant 0 : i32
    %c0_i32_0 = arith.constant 0 : i32
    %c0_i32_1 = arith.constant 0 : i32
    return %c0_i32, %c0_i32_0 : i32, i32
  }
  func.func @transform_8(%arg0: i32) -> (i32, i32) {
    %c0_i32 = arith.constant 0 : i32
    %c0_i32_0 = arith.constant 0 : i32
    return %arg0, %c0_i32 : i32, i32
  }
  func.func @transform_9(%arg0: i32) -> (i32, i32) {
    %c0_i32 = arith.constant 0 : i32
    %c0_i32_0 = arith.constant 0 : i32
    return %arg0, %c0_i32 : i32, i32
  }
}

module attributes {stable_mosaic.version = 14 : i64} {
  func.func @_head_body(%arg0: i32, %arg1: memref<1x1x632xi32, #tpu.memory_space<vmem>>, %arg2: memref<632x128xi32, #tpu.memory_space<vmem>>, %arg3: memref<632x128xi32, #tpu.memory_space<vmem>>, %arg4: memref<2xf32, #tpu.memory_space<smem>>, %arg5: memref<632x128xf32, #tpu.memory_space<vmem>>, %arg6: memref<632x128xf32, #tpu.memory_space<vmem>>, %arg7: memref<632x128xf32, #tpu.memory_space<vmem>>, %arg8: memref<632x128xf32, #tpu.memory_space<vmem>>, %arg9: memref<632x128xf32, #tpu.memory_space<vmem>>, %arg10: memref<632x128xf32, #tpu.memory_space<vmem>>, %arg11: memref<256x256xf32, #tpu.memory_space<vmem>>, %arg12: memref<256x256xf32, #tpu.memory_space<vmem>>, %arg13: memref<1x256xf32, #tpu.memory_space<vmem>>, %arg14: memref<1024x256xf32, #tpu.memory_space<vmem>>, %arg15: memref<1x256xf32, #tpu.memory_space<vmem>>, %arg16: memref<256x256xf32, #tpu.memory_space<vmem>>, %arg17: memref<1x256xf32, #tpu.memory_space<vmem>>, %arg18: memref<256x256xf32, #tpu.memory_space<vmem>>, %arg19: memref<1x256xf32, #tpu.memory_space<vmem>>, %arg20: memref<256x1xf32, #tpu.memory_space<vmem>>, %arg21: memref<1x1xf32, #tpu.memory_space<vmem>>, %arg22: memref<64x1xf32, #tpu.memory_space<vmem>>, %arg23: memref<64x1024xf32, #tpu.memory_space<vmem>>, %arg24: memref<64x128xf32, #tpu.memory_space<vmem>>) attributes {dimension_semantics = [#tpu.dimension_semantics<arbitrary>], iteration_bounds = array<i64: 16>, scalar_prefetch = 0 : i64, scratch_operands = 2 : i64, tpu.core_type = #tpu.core_type<tc>, window_params = [{transform_indices = @transform_0, window_bounds = array<i64: 1, 1, 632>}, {transform_indices = @transform_1, window_bounds = array<i64: 632, 128>}, {transform_indices = @transform_2, window_bounds = array<i64: 632, 128>}, {transform_indices = @transform_3, window_bounds = array<i64: 2>}, {transform_indices = @transform_4, window_bounds = array<i64: 632, 128>}, {transform_indices = @transform_5, window_bounds = array<i64: 632, 128>}, {transform_indices = @transform_6, window_bounds = array<i64: 632, 128>}, {transform_indices = @transform_7, window_bounds = array<i64: 632, 128>}, {transform_indices = @transform_8, window_bounds = array<i64: 632, 128>}, {transform_indices = @transform_9, window_bounds = array<i64: 632, 128>}, {pipeline_mode = #tpu.pipeline_mode<synchronous>, transform_indices = @transform_10, window_bounds = array<i64: 256, 256>}, {pipeline_mode = #tpu.pipeline_mode<synchronous>, transform_indices = @transform_11, window_bounds = array<i64: 256, 256>}, {pipeline_mode = #tpu.pipeline_mode<synchronous>, transform_indices = @transform_12, window_bounds = array<i64: 1, 256>}, {pipeline_mode = #tpu.pipeline_mode<synchronous>, transform_indices = @transform_13, window_bounds = array<i64: 1024, 256>}, {pipeline_mode = #tpu.pipeline_mode<synchronous>, transform_indices = @transform_14, window_bounds = array<i64: 1, 256>}, {pipeline_mode = #tpu.pipeline_mode<synchronous>, transform_indices = @transform_15, window_bounds = array<i64: 256, 256>}, {pipeline_mode = #tpu.pipeline_mode<synchronous>, transform_indices = @transform_16, window_bounds = array<i64: 1, 256>}, {pipeline_mode = #tpu.pipeline_mode<synchronous>, transform_indices = @transform_17, window_bounds = array<i64: 256, 256>}, {pipeline_mode = #tpu.pipeline_mode<synchronous>, transform_indices = @transform_18, window_bounds = array<i64: 1, 256>}, {pipeline_mode = #tpu.pipeline_mode<synchronous>, transform_indices = @transform_19, window_bounds = array<i64: 256, 1>}, {pipeline_mode = #tpu.pipeline_mode<synchronous>, transform_indices = @transform_20, window_bounds = array<i64: 1, 1>}, {pipeline_mode = #tpu.pipeline_mode<synchronous>, transform_indices = @transform_21, window_bounds = array<i64: 64, 1>}]} {
    %eq3A = arith.constant 0 : i32
    %eq3A_0 = arith.cmpi eq, %arg0, %eq3A : i32
    %convert_element_type3A = arith.extui %eq3A_0 : i1 to i32
    %cond3A = arith.constant 0 : i32
    %cond3A_1 = arith.cmpi ne, %convert_element_type3A, %cond3A : i32
    scf.if %cond3A_1 {
      %broadcast_in_dim3A_151 = arith.constant 0.000000e+00 : f32
      %broadcast_in_dim3A_152 = vector.broadcast %broadcast_in_dim3A_151 : f32 to vector<64x1024xf32>
      %swap3A_153 = arith.constant 0 : index
      %swap3A_154 = arith.constant 0 : index
      %swap3A_155 = vector.load %arg23[%swap3A_153, %swap3A_154] : memref<64x1024xf32, #tpu.memory_space<vmem>>, vector<64x1024xf32>
      tpu.vector_store %arg23[%swap3A_153, %swap3A_154], %broadcast_in_dim3A_152 {strides = array<i32>} : memref<64x1024xf32, #tpu.memory_space<vmem>>, vector<64x1024xf32>,
      %broadcast_in_dim3A_156 = arith.constant 0.000000e+00 : f32
      %broadcast_in_dim3A_157 = vector.broadcast %broadcast_in_dim3A_156 : f32 to vector<64x128xf32>
      %swap3A_158 = arith.constant 0 : index
      %swap3A_159 = arith.constant 0 : index
      %swap3A_160 = vector.load %arg24[%swap3A_158, %swap3A_159] : memref<64x128xf32, #tpu.memory_space<vmem>>, vector<64x128xf32>
      tpu.vector_store %arg24[%swap3A_158, %swap3A_159], %broadcast_in_dim3A_157 {strides = array<i32>} : memref<64x128xf32, #tpu.memory_space<vmem>>, vector<64x128xf32>,
    } else {
    }
    %get3A = arith.constant 0 : index
    %get3A_2 = memref.load %arg4[%get3A] : memref<2xf32, #tpu.memory_space<smem>>
    %div3A = arith.constant 1.000000e+00 : f32
    %div3A_3 = arith.divf %div3A, %get3A_2 : f32
    %get3A_4 = arith.constant 0 : index
    %get3A_5 = arith.constant 0 : index
    %get3A_6 = vector.load %arg2[%get3A_4, %get3A_5] : memref<632x128xi32, #tpu.memory_space<vmem>>, vector<632x128xi32>
    %convert_element_type3A_7 = arith.sitofp %get3A_6 : vector<632x128xi32> to vector<632x128xf32>
    %get3A_8 = arith.constant 0 : index
    %get3A_9 = arith.constant 0 : index
    %get3A_10 = vector.load %arg3[%get3A_8, %get3A_9] : memref<632x128xi32, #tpu.memory_space<vmem>>, vector<632x128xi32>
    %convert_element_type3A_11 = arith.sitofp %get3A_10 : vector<632x128xi32> to vector<632x128xf32>
    %concatenate3A = tpu.concatenate %convert_element_type3A_7, %convert_element_type3A_11 in 1 : vector<632x128xf32>, vector<632x128xf32> -> vector<632x256xf32>
    %mul3A = vector.broadcast %div3A_3 : f32 to vector<632x256xf32>
    %mul3A_12 = arith.mulf %concatenate3A, %mul3A : vector<632x256xf32>
    %get3A_13 = arith.constant 0 : index
    %get3A_14 = arith.constant 0 : index
    %get3A_15 = vector.load %arg5[%get3A_13, %get3A_14] : memref<632x128xf32, #tpu.memory_space<vmem>>, vector<632x128xf32>
    %get3A_16 = arith.constant 0 : index
    %get3A_17 = arith.constant 0 : index
    %get3A_18 = vector.load %arg6[%get3A_16, %get3A_17] : memref<632x128xf32, #tpu.memory_space<vmem>>, vector<632x128xf32>
    %concatenate3A_19 = tpu.concatenate %get3A_15, %get3A_18 in 1 : vector<632x128xf32>, vector<632x128xf32> -> vector<632x256xf32>
    %get3A_20 = arith.constant 0 : index
    %get3A_21 = arith.constant 0 : index
    %get3A_22 = vector.load %arg11[%get3A_20, %get3A_21] : memref<256x256xf32, #tpu.memory_space<vmem>>, vector<256x256xf32>
    %dot_general3A = arith.constant dense<0.000000e+00> : vector<632x256xf32>
    %dot_general3A_23 = tpu.matmul %mul3A_12, %get3A_22, %dot_general3A {dimension_numbers = #tpu.dot_dimension_numbers<[1], [0], [0], [1], [0, 0, 1, 1], [], []>, transpose_lhs_hint = false} : vector<632x256xf32>, vector<256x256xf32>, vector<632x256xf32> -> vector<632x256xf32>
    %get3A_24 = arith.constant 0 : index
    %get3A_25 = arith.constant 0 : index
    %get3A_26 = vector.load %arg12[%get3A_24, %get3A_25] : memref<256x256xf32, #tpu.memory_space<vmem>>, vector<256x256xf32>
    %dot_general3A_27 = arith.constant dense<0.000000e+00> : vector<632x256xf32>
    %dot_general3A_28 = tpu.matmul %concatenate3A_19, %get3A_26, %dot_general3A_27 {dimension_numbers = #tpu.dot_dimension_numbers<[1], [0], [0], [1], [0, 0, 1, 1], [], []>, transpose_lhs_hint = false} : vector<632x256xf32>, vector<256x256xf32>, vector<632x256xf32> -> vector<632x256xf32>
    %add3A = arith.addf %dot_general3A_23, %dot_general3A_28 : vector<632x256xf32>
    %get3A_29 = arith.constant 0 : index
    %get3A_30 = arith.constant 0 : index
    %get3A_31 = vector.load %arg13[%get3A_29, %get3A_30] : memref<1x256xf32, #tpu.memory_space<vmem>>, vector<1x256xf32>
    %add3A_32 = vector.broadcast %get3A_31 : vector<1x256xf32> to vector<632x256xf32>
    %add3A_33 = arith.addf %add3A, %add3A_32 : vector<632x256xf32>
    %max3A = arith.constant 0.000000e+00 : f32
    %max3A_34 = vector.broadcast %max3A : f32 to vector<632x256xf32>
    %max3A_35 = arith.maximumf %add3A_33, %max3A_34 : vector<632x256xf32>
    %get3A_36 = arith.constant 0 : index
    %get3A_37 = arith.constant 0 : index
    %get3A_38 = arith.constant 0 : index
    %get3A_39 = vector.load %arg1[%get3A_36, %get3A_37, %get3A_38] : memref<1x1x632xi32, #tpu.memory_space<vmem>>, vector<1x1x632xi32>
    %get3A_40 = vector.shape_cast %get3A_39 : vector<1x1x632xi32> to vector<632xi32>
    %iota3A = tpu.iota {dimensions = array<i32: 0>} : vector<64x632xi32>
    %broadcast_in_dim3A = vector.shape_cast %get3A_40 : vector<632xi32> to vector<1x632xi32>
    %eq3A_41 = vector.broadcast %broadcast_in_dim3A : vector<1x632xi32> to vector<64x632xi32>
    %eq3A_42 = arith.cmpi eq, %iota3A, %eq3A_41 : vector<64x632xi32>
    %convert_element_type3A_43 = arith.extui %eq3A_42 : vector<64x632xi1> to vector<64x632xi32>
    %convert_element_type3A_44 = arith.sitofp %convert_element_type3A_43 : vector<64x632xi32> to vector<64x632xf32>
    %get3A_45 = arith.constant 0 : index
    %get3A_46 = arith.constant 0 : index
    %get3A_47 = vector.load %arg7[%get3A_45, %get3A_46] : memref<632x128xf32, #tpu.memory_space<vmem>>, vector<632x128xf32>
    %get3A_48 = arith.constant 0 : index
    %get3A_49 = arith.constant 0 : index
    %get3A_50 = vector.load %arg8[%get3A_48, %get3A_49] : memref<632x128xf32, #tpu.memory_space<vmem>>, vector<632x128xf32>
    %get3A_51 = arith.constant 0 : index
    %get3A_52 = arith.constant 0 : index
    %get3A_53 = vector.load %arg9[%get3A_51, %get3A_52] : memref<632x128xf32, #tpu.memory_space<vmem>>, vector<632x128xf32>
    %get3A_54 = arith.constant 0 : index
    %get3A_55 = arith.constant 0 : index
    %get3A_56 = vector.load %arg10[%get3A_54, %get3A_55] : memref<632x128xf32, #tpu.memory_space<vmem>>, vector<632x128xf32>
    %get3A_57 = arith.constant 0 : index
    %get3A_58 = arith.constant 0 : index
    %get3A_59 = vector.load %arg5[%get3A_57, %get3A_58] : memref<632x128xf32, #tpu.memory_space<vmem>>, vector<632x128xf32>
    %get3A_60 = arith.constant 0 : index
    %get3A_61 = arith.constant 0 : index
    %get3A_62 = vector.load %arg6[%get3A_60, %get3A_61] : memref<632x128xf32, #tpu.memory_space<vmem>>, vector<632x128xf32>
    %slice3A = vector.extract_strided_slice %max3A_35 {offsets = [0, 0], sizes = [632, 128], strides = [1, 1]} : vector<632x256xf32> to vector<632x128xf32>
    %slice3A_63 = vector.extract_strided_slice %max3A_35 {offsets = [0, 128], sizes = [632, 128], strides = [1, 1]} : vector<632x256xf32> to vector<632x128xf32>
    %get3A_64 = arith.constant 0 : index
    %get3A_65 = arith.constant 0 : index
    %get3A_66 = vector.load %arg23[%get3A_64, %get3A_65] : memref<64x1024xf32, #tpu.memory_space<vmem>>, vector<64x128xf32>
    %dot_general3A_67 = arith.constant dense<0.000000e+00> : vector<64x128xf32>
    %dot_general3A_68 = tpu.matmul %convert_element_type3A_44, %get3A_47, %dot_general3A_67 {dimension_numbers = #tpu.dot_dimension_numbers<[1], [0], [0], [1], [0, 0, 1, 1], [], []>, transpose_lhs_hint = false} : vector<64x632xf32>, vector<632x128xf32>, vector<64x128xf32> -> vector<64x128xf32>
    %add3A_69 = arith.addf %get3A_66, %dot_general3A_68 : vector<64x128xf32>
    %swap3A = arith.constant 0 : index
    %swap3A_70 = arith.constant 0 : index
    %swap3A_71 = vector.load %arg23[%swap3A, %swap3A_70] : memref<64x1024xf32, #tpu.memory_space<vmem>>, vector<64x128xf32>
    tpu.vector_store %arg23[%swap3A, %swap3A_70], %add3A_69 {strides = array<i32>} : memref<64x1024xf32, #tpu.memory_space<vmem>>, vector<64x128xf32>,
    %get3A_72 = arith.constant 0 : index
    %get3A_73 = arith.constant 128 : index
    %get3A_74 = vector.load %arg23[%get3A_72, %get3A_73] : memref<64x1024xf32, #tpu.memory_space<vmem>>, vector<64x128xf32>
    %dot_general3A_75 = arith.constant dense<0.000000e+00> : vector<64x128xf32>
    %dot_general3A_76 = tpu.matmul %convert_element_type3A_44, %get3A_50, %dot_general3A_75 {dimension_numbers = #tpu.dot_dimension_numbers<[1], [0], [0], [1], [0, 0, 1, 1], [], []>, transpose_lhs_hint = false} : vector<64x632xf32>, vector<632x128xf32>, vector<64x128xf32> -> vector<64x128xf32>
    %add3A_77 = arith.addf %get3A_74, %dot_general3A_76 : vector<64x128xf32>
    %swap3A_78 = arith.constant 0 : index
    %swap3A_79 = arith.constant 128 : index
    %swap3A_80 = vector.load %arg23[%swap3A_78, %swap3A_79] : memref<64x1024xf32, #tpu.memory_space<vmem>>, vector<64x128xf32>
    tpu.vector_store %arg23[%swap3A_78, %swap3A_79], %add3A_77 {strides = array<i32>} : memref<64x1024xf32, #tpu.memory_space<vmem>>, vector<64x128xf32>,
    %get3A_81 = arith.constant 0 : index
    %get3A_82 = arith.constant 256 : index
    %get3A_83 = vector.load %arg23[%get3A_81, %get3A_82] : memref<64x1024xf32, #tpu.memory_space<vmem>>, vector<64x128xf32>
    %dot_general3A_84 = arith.constant dense<0.000000e+00> : vector<64x128xf32>
    %dot_general3A_85 = tpu.matmul %convert_element_type3A_44, %get3A_53, %dot_general3A_84 {dimension_numbers = #tpu.dot_dimension_numbers<[1], [0], [0], [1], [0, 0, 1, 1], [], []>, transpose_lhs_hint = false} : vector<64x632xf32>, vector<632x128xf32>, vector<64x128xf32> -> vector<64x128xf32>
    %add3A_86 = arith.addf %get3A_83, %dot_general3A_85 : vector<64x128xf32>
    %swap3A_87 = arith.constant 0 : index
    %swap3A_88 = arith.constant 256 : index
    %swap3A_89 = vector.load %arg23[%swap3A_87, %swap3A_88] : memref<64x1024xf32, #tpu.memory_space<vmem>>, vector<64x128xf32>
    tpu.vector_store %arg23[%swap3A_87, %swap3A_88], %add3A_86 {strides = array<i32>} : memref<64x1024xf32, #tpu.memory_space<vmem>>, vector<64x128xf32>,
    %get3A_90 = arith.constant 0 : index
    %get3A_91 = arith.constant 384 : index
    %get3A_92 = vector.load %arg23[%get3A_90, %get3A_91] : memref<64x1024xf32, #tpu.memory_space<vmem>>, vector<64x128xf32>
    %dot_general3A_93 = arith.constant dense<0.000000e+00> : vector<64x128xf32>
    %dot_general3A_94 = tpu.matmul %convert_element_type3A_44, %get3A_56, %dot_general3A_93 {dimension_numbers = #tpu.dot_dimension_numbers<[1], [0], [0], [1], [0, 0, 1, 1], [], []>, transpose_lhs_hint = false} : vector<64x632xf32>, vector<632x128xf32>, vector<64x128xf32> -> vector<64x128xf32>
    %add3A_95 = arith.addf %get3A_92, %dot_general3A_94 : vector<64x128xf32>
    %swap3A_96 = arith.constant 0 : index
    %swap3A_97 = arith.constant 384 : index
    %swap3A_98 = vector.load %arg23[%swap3A_96, %swap3A_97] : memref<64x1024xf32, #tpu.memory_space<vmem>>, vector<64x128xf32>
    tpu.vector_store %arg23[%swap3A_96, %swap3A_97], %add3A_95 {strides = array<i32>} : memref<64x1024xf32, #tpu.memory_space<vmem>>, vector<64x128xf32>,
    %get3A_99 = arith.constant 0 : index
    %get3A_100 = arith.constant 512 : index
    %get3A_101 = vector.load %arg23[%get3A_99, %get3A_100] : memref<64x1024xf32, #tpu.memory_space<vmem>>, vector<64x128xf32>
    %dot_general3A_102 = arith.constant dense<0.000000e+00> : vector<64x128xf32>
    %dot_general3A_103 = tpu.matmul %convert_element_type3A_44, %get3A_59, %dot_general3A_102 {dimension_numbers = #tpu.dot_dimension_numbers<[1], [0], [0], [1], [0, 0, 1, 1], [], []>, transpose_lhs_hint = false} : vector<64x632xf32>, vector<632x128xf32>, vector<64x128xf32> -> vector<64x128xf32>
    %add3A_104 = arith.addf %get3A_101, %dot_general3A_103 : vector<64x128xf32>
    %swap3A_105 = arith.constant 0 : index
    %swap3A_106 = arith.constant 512 : index
    %swap3A_107 = vector.load %arg23[%swap3A_105, %swap3A_106] : memref<64x1024xf32, #tpu.memory_space<vmem>>, vector<64x128xf32>
    tpu.vector_store %arg23[%swap3A_105, %swap3A_106], %add3A_104 {strides = array<i32>} : memref<64x1024xf32, #tpu.memory_space<vmem>>, vector<64x128xf32>,
    %get3A_108 = arith.constant 0 : index
    %get3A_109 = arith.constant 640 : index
    %get3A_110 = vector.load %arg23[%get3A_108, %get3A_109] : memref<64x1024xf32, #tpu.memory_space<vmem>>, vector<64x128xf32>
    %dot_general3A_111 = arith.constant dense<0.000000e+00> : vector<64x128xf32>
    %dot_general3A_112 = tpu.matmul %convert_element_type3A_44, %get3A_62, %dot_general3A_111 {dimension_numbers = #tpu.dot_dimension_numbers<[1], [0], [0], [1], [0, 0, 1, 1], [], []>, transpose_lhs_hint = false} : vector<64x632xf32>, vector<632x128xf32>, vector<64x128xf32> -> vector<64x128xf32>
    %add3A_113 = arith.addf %get3A_110, %dot_general3A_112 : vector<64x128xf32>
    %swap3A_114 = arith.constant 0 : index
    %swap3A_115 = arith.constant 640 : index
    %swap3A_116 = vector.load %arg23[%swap3A_114, %swap3A_115] : memref<64x1024xf32, #tpu.memory_space<vmem>>, vector<64x128xf32>
    tpu.vector_store %arg23[%swap3A_114, %swap3A_115], %add3A_113 {strides = array<i32>} : memref<64x1024xf32, #tpu.memory_space<vmem>>, vector<64x128xf32>,
    %get3A_117 = arith.constant 0 : index
    %get3A_118 = arith.constant 768 : index
    %get3A_119 = vector.load %arg23[%get3A_117, %get3A_118] : memref<64x1024xf32, #tpu.memory_space<vmem>>, vector<64x128xf32>
    %dot_general3A_120 = arith.constant dense<0.000000e+00> : vector<64x128xf32>
    %dot_general3A_121 = tpu.matmul %convert_element_type3A_44, %slice3A, %dot_general3A_120 {dimension_numbers = #tpu.dot_dimension_numbers<[1], [0], [0], [1], [0, 0, 1, 1], [], []>, transpose_lhs_hint = false} : vector<64x632xf32>, vector<632x128xf32>, vector<64x128xf32> -> vector<64x128xf32>
    %add3A_122 = arith.addf %get3A_119, %dot_general3A_121 : vector<64x128xf32>
    %swap3A_123 = arith.constant 0 : index
    %swap3A_124 = arith.constant 768 : index
    %swap3A_125 = vector.load %arg23[%swap3A_123, %swap3A_124] : memref<64x1024xf32, #tpu.memory_space<vmem>>, vector<64x128xf32>
    tpu.vector_store %arg23[%swap3A_123, %swap3A_124], %add3A_122 {strides = array<i32>} : memref<64x1024xf32, #tpu.memory_space<vmem>>, vector<64x128xf32>,
    %get3A_126 = arith.constant 0 : index
    %get3A_127 = arith.constant 896 : index
    %get3A_128 = vector.load %arg23[%get3A_126, %get3A_127] : memref<64x1024xf32, #tpu.memory_space<vmem>>, vector<64x128xf32>
    %dot_general3A_129 = arith.constant dense<0.000000e+00> : vector<64x128xf32>
    %dot_general3A_130 = tpu.matmul %convert_element_type3A_44, %slice3A_63, %dot_general3A_129 {dimension_numbers = #tpu.dot_dimension_numbers<[1], [0], [0], [1], [0, 0, 1, 1], [], []>, transpose_lhs_hint = false} : vector<64x632xf32>, vector<632x128xf32>, vector<64x128xf32> -> vector<64x128xf32>
    %add3A_131 = arith.addf %get3A_128, %dot_general3A_130 : vector<64x128xf32>
    %swap3A_132 = arith.constant 0 : index
    %swap3A_133 = arith.constant 896 : index
    %swap3A_134 = vector.load %arg23[%swap3A_132, %swap3A_133] : memref<64x1024xf32, #tpu.memory_space<vmem>>, vector<64x128xf32>
    tpu.vector_store %arg23[%swap3A_132, %swap3A_133], %add3A_131 {strides = array<i32>} : memref<64x1024xf32, #tpu.memory_space<vmem>>, vector<64x128xf32>,
    %get3A_135 = arith.constant 0 : index
    %get3A_136 = arith.constant 0 : index
    %get3A_137 = vector.load %arg24[%get3A_135, %get3A_136] : memref<64x128xf32, #tpu.memory_space<vmem>>, vector<64x128xf32>
    %reduce_sum3A = arith.constant dense<0.000000e+00> : vector<64xf32>
    %reduce_sum3A_138 = vector.multi_reduction <add>, %convert_element_type3A_44, %reduce_sum3A [1] : vector<64x632xf32> to vector<64xf32>
    %broadcast_in_dim3A_139 = vector.shape_cast %reduce_sum3A_138 : vector<64xf32> to vector<64x1xf32>
    %broadcast_in_dim3A_140 = vector.shape_cast %broadcast_in_dim3A_139 : vector<64x1xf32> to vector<64x1xf32>
    %broadcast_in_dim3A_141 = vector.broadcast %broadcast_in_dim3A_140 : vector<64x1xf32> to vector<64x128xf32>
    %add3A_142 = arith.addf %get3A_137, %broadcast_in_dim3A_141 : vector<64x128xf32>
    %swap3A_143 = arith.constant 0 : index
    %swap3A_144 = arith.constant 0 : index
    %swap3A_145 = vector.load %arg24[%swap3A_143, %swap3A_144] : memref<64x128xf32, #tpu.memory_space<vmem>>, vector<64x128xf32>
    tpu.vector_store %arg24[%swap3A_143, %swap3A_144], %add3A_142 {strides = array<i32>} : memref<64x128xf32, #tpu.memory_space<vmem>>, vector<64x128xf32>,
    %eq3A_146 = arith.constant 15 : i32
    %eq3A_147 = arith.cmpi eq, %arg0, %eq3A_146 : i32
    %convert_element_type3A_148 = arith.extui %eq3A_147 : i1 to i32
    %cond3A_149 = arith.constant 0 : i32
    %cond3A_150 = arith.cmpi ne, %convert_element_type3A_148, %cond3A_149 : i32
    scf.if %cond3A_150 {
      %get3A_151 = arith.constant 0 : index
      %get3A_152 = arith.constant 0 : index
      %get3A_153 = vector.load %arg24[%get3A_151, %get3A_152] : memref<64x128xf32, #tpu.memory_space<vmem>>, vector<64x1xf32>
      %get3A_154 = arith.constant 0 : index
      %get3A_155 = arith.constant 0 : index
      %get3A_156 = vector.load %arg23[%get3A_154, %get3A_155] : memref<64x1024xf32, #tpu.memory_space<vmem>>, vector<64x1024xf32>
      %max3A_157 = arith.constant 1.000000e+00 : f32
      %max3A_158 = vector.broadcast %max3A_157 : f32 to vector<64x1xf32>
      %max3A_159 = arith.maximumf %get3A_153, %max3A_158 : vector<64x1xf32>
      %div3A_160 = vector.broadcast %max3A_159 : vector<64x1xf32> to vector<64x1024xf32>
      %div3A_161 = arith.divf %get3A_156, %div3A_160 : vector<64x1024xf32>
      %get3A_162 = arith.constant 0 : index
      %get3A_163 = arith.constant 0 : index
      %get3A_164 = vector.load %arg14[%get3A_162, %get3A_163] : memref<1024x256xf32, #tpu.memory_space<vmem>>, vector<1024x256xf32>
      %dot_general3A_165 = arith.constant dense<0.000000e+00> : vector<64x256xf32>
      %dot_general3A_166 = tpu.matmul %div3A_161, %get3A_164, %dot_general3A_165 {dimension_numbers = #tpu.dot_dimension_numbers<[1], [0], [0], [1], [0, 0, 1, 1], [], []>, transpose_lhs_hint = false} : vector<64x1024xf32>, vector<1024x256xf32>, vector<64x256xf32> -> vector<64x256xf32>
      %get3A_167 = arith.constant 0 : index
      %get3A_168 = arith.constant 0 : index
      %get3A_169 = vector.load %arg15[%get3A_167, %get3A_168] : memref<1x256xf32, #tpu.memory_space<vmem>>, vector<1x256xf32>
      %add3A_170 = vector.broadcast %get3A_169 : vector<1x256xf32> to vector<64x256xf32>
      %add3A_171 = arith.addf %dot_general3A_166, %add3A_170 : vector<64x256xf32>
      %max3A_172 = arith.constant 0.000000e+00 : f32
      %max3A_173 = vector.broadcast %max3A_172 : f32 to vector<64x256xf32>
      %max3A_174 = arith.maximumf %add3A_171, %max3A_173 : vector<64x256xf32>
      %get3A_175 = arith.constant 0 : index
      %get3A_176 = arith.constant 0 : index
      %get3A_177 = vector.load %arg16[%get3A_175, %get3A_176] : memref<256x256xf32, #tpu.memory_space<vmem>>, vector<256x256xf32>
      %dot_general3A_178 = arith.constant dense<0.000000e+00> : vector<64x256xf32>
      %dot_general3A_179 = tpu.matmul %max3A_174, %get3A_177, %dot_general3A_178 {dimension_numbers = #tpu.dot_dimension_numbers<[1], [0], [0], [1], [0, 0, 1, 1], [], []>, transpose_lhs_hint = false} : vector<64x256xf32>, vector<256x256xf32>, vector<64x256xf32> -> vector<64x256xf32>
      %get3A_180 = arith.constant 0 : index
      %get3A_181 = arith.constant 0 : index
      %get3A_182 = vector.load %arg17[%get3A_180, %get3A_181] : memref<1x256xf32, #tpu.memory_space<vmem>>, vector<1x256xf32>
      %add3A_183 = vector.broadcast %get3A_182 : vector<1x256xf32> to vector<64x256xf32>
      %add3A_184 = arith.addf %dot_general3A_179, %add3A_183 : vector<64x256xf32>
      %max3A_185 = arith.constant 0.000000e+00 : f32
      %max3A_186 = vector.broadcast %max3A_185 : f32 to vector<64x256xf32>
      %max3A_187 = arith.maximumf %add3A_184, %max3A_186 : vector<64x256xf32>
      %get3A_188 = arith.constant 0 : index
      %get3A_189 = arith.constant 0 : index
      %get3A_190 = vector.load %arg18[%get3A_188, %get3A_189] : memref<256x256xf32, #tpu.memory_space<vmem>>, vector<256x256xf32>
      %dot_general3A_191 = arith.constant dense<0.000000e+00> : vector<64x256xf32>
      %dot_general3A_192 = tpu.matmul %max3A_187, %get3A_190, %dot_general3A_191 {dimension_numbers = #tpu.dot_dimension_numbers<[1], [0], [0], [1], [0, 0, 1, 1], [], []>, transpose_lhs_hint = false} : vector<64x256xf32>, vector<256x256xf32>, vector<64x256xf32> -> vector<64x256xf32>
      %get3A_193 = arith.constant 0 : index
      %get3A_194 = arith.constant 0 : index
      %get3A_195 = vector.load %arg19[%get3A_193, %get3A_194] : memref<1x256xf32, #tpu.memory_space<vmem>>, vector<1x256xf32>
      %add3A_196 = vector.broadcast %get3A_195 : vector<1x256xf32> to vector<64x256xf32>
      %add3A_197 = arith.addf %dot_general3A_192, %add3A_196 : vector<64x256xf32>
      %max3A_198 = arith.constant 0.000000e+00 : f32
      %max3A_199 = vector.broadcast %max3A_198 : f32 to vector<64x256xf32>
      %max3A_200 = arith.maximumf %add3A_197, %max3A_199 : vector<64x256xf32>
      %get3A_201 = arith.constant 0 : index
      %get3A_202 = arith.constant 0 : index
      %get3A_203 = vector.load %arg20[%get3A_201, %get3A_202] : memref<256x1xf32, #tpu.memory_space<vmem>>, vector<256x1xf32>
      %dot_general3A_204 = arith.constant dense<0.000000e+00> : vector<64x1xf32>
      %dot_general3A_205 = tpu.matmul %max3A_200, %get3A_203, %dot_general3A_204 {dimension_numbers = #tpu.dot_dimension_numbers<[1], [0], [0], [1], [0, 0, 1, 1], [], []>, transpose_lhs_hint = false} : vector<64x256xf32>, vector<256x1xf32>, vector<64x1xf32> -> vector<64x1xf32>
      %get3A_206 = arith.constant 0 : index
      %get3A_207 = arith.constant 0 : index
      %get3A_208 = vector.load %arg21[%get3A_206, %get3A_207] : memref<1x1xf32, #tpu.memory_space<vmem>>, vector<1x1xf32>
      %add3A_209 = vector.broadcast %get3A_208 : vector<1x1xf32> to vector<64x1xf32>
      %add3A_210 = arith.addf %dot_general3A_205, %add3A_209 : vector<64x1xf32>
      %swap3A_211 = arith.constant 0 : index
      %swap3A_212 = arith.constant 0 : index
      %swap3A_213 = vector.load %arg22[%swap3A_211, %swap3A_212] : memref<64x1xf32, #tpu.memory_space<vmem>>, vector<64x1xf32>
      tpu.vector_store %arg22[%swap3A_211, %swap3A_212], %add3A_210 {strides = array<i32>} : memref<64x1xf32, #tpu.memory_space<vmem>>, vector<64x1xf32>,
    } else {
    }
    return
  }
  func.func @transform_0(%arg0: i32) -> (i32, i32, i32) {
    %c0_i32 = arith.constant 0 : i32
    %c0_i32_0 = arith.constant 0 : i32
    %c0_i32_1 = arith.constant 0 : i32
    return %arg0, %c0_i32, %c0_i32_0 : i32, i32, i32
  }
  func.func @transform_1(%arg0: i32) -> (i32, i32) {
    %c0_i32 = arith.constant 0 : i32
    %c0_i32_0 = arith.constant 0 : i32
    return %arg0, %c0_i32 : i32, i32
  }
  func.func @transform_2(%arg0: i32) -> (i32, i32) {
    %c0_i32 = arith.constant 0 : i32
    %c0_i32_0 = arith.constant 0 : i32
    return %arg0, %c0_i32 : i32, i32
  }
  func.func @transform_3(%arg0: i32) -> i32 {
    %c0_i32 = arith.constant 0 : i32
    %c0_i32_0 = arith.constant 0 : i32
    return %c0_i32 : i32
  }
  func.func @transform_4(%arg0: i32) -> (i32, i32) {
    %c0_i32 = arith.constant 0 : i32
    %c0_i32_0 = arith.constant 0 : i32
    return %arg0, %c0_i32 : i32, i32
  }
  func.func @transform_5(%arg0: i32) -> (i32, i32) {
    %c0_i32 = arith.constant 0 : i32
    %c0_i32_0 = arith.constant 0 : i32
    return %arg0, %c0_i32 : i32, i32
  }
  func.func @transform_6(%arg0: i32) -> (i32, i32) {
    %c0_i32 = arith.constant 0 : i32
    %c0_i32_0 = arith.constant 0 : i32
    return %arg0, %c0_i32 : i32, i32
  }
  func.func @transform_7(%arg0: i32) -> (i32, i32) {
    %c0_i32 = arith.constant 0 : i32
    %c0_i32_0 = arith.constant 0 : i32
    return %arg0, %c0_i32 : i32, i32
  }
  func.func @transform_8(%arg0: i32) -> (i32, i32) {
    %c0_i32 = arith.constant 0 : i32
    %c0_i32_0 = arith.constant 0 : i32
    return %arg0, %c0_i32 : i32, i32
  }
  func.func @transform_9(%arg0: i32) -> (i32, i32) {
    %c0_i32 = arith.constant 0 : i32
    %c0_i32_0 = arith.constant 0 : i32
    return %arg0, %c0_i32 : i32, i32
  }
  func.func @transform_10(%arg0: i32) -> (i32, i32) {
    %c0_i32 = arith.constant 0 : i32
    %c0_i32_0 = arith.constant 0 : i32
    %c0_i32_1 = arith.constant 0 : i32
    return %c0_i32, %c0_i32_0 : i32, i32
  }
  func.func @transform_11(%arg0: i32) -> (i32, i32) {
    %c0_i32 = arith.constant 0 : i32
    %c0_i32_0 = arith.constant 0 : i32
    %c0_i32_1 = arith.constant 0 : i32
    return %c0_i32, %c0_i32_0 : i32, i32
  }
  func.func @transform_12(%arg0: i32) -> (i32, i32) {
    %c0_i32 = arith.constant 0 : i32
    %c0_i32_0 = arith.constant 0 : i32
    %c0_i32_1 = arith.constant 0 : i32
    return %c0_i32, %c0_i32_0 : i32, i32
  }
  func.func @transform_13(%arg0: i32) -> (i32, i32) {
    %c0_i32 = arith.constant 0 : i32
    %c0_i32_0 = arith.constant 0 : i32
    %c0_i32_1 = arith.constant 0 : i32
    return %c0_i32, %c0_i32_0 : i32, i32
  }
  func.func @transform_14(%arg0: i32) -> (i32, i32) {
    %c0_i32 = arith.constant 0 : i32
    %c0_i32_0 = arith.constant 0 : i32
    %c0_i32_1 = arith.constant 0 : i32
    return %c0_i32, %c0_i32_0 : i32, i32
  }
  func.func @transform_15(%arg0: i32) -> (i32, i32) {
    %c0_i32 = arith.constant 0 : i32
    %c0_i32_0 = arith.constant 0 : i32
    %c0_i32_1 = arith.constant 0 : i32
    return %c0_i32, %c0_i32_0 : i32, i32
  }
  func.func @transform_16(%arg0: i32) -> (i32, i32) {
    %c0_i32 = arith.constant 0 : i32
    %c0_i32_0 = arith.constant 0 : i32
    %c0_i32_1 = arith.constant 0 : i32
    return %c0_i32, %c0_i32_0 : i32, i32
  }
  func.func @transform_17(%arg0: i32) -> (i32, i32) {
    %c0_i32 = arith.constant 0 : i32
    %c0_i32_0 = arith.constant 0 : i32
    %c0_i32_1 = arith.constant 0 : i32
    return %c0_i32, %c0_i32_0 : i32, i32
  }
  func.func @transform_18(%arg0: i32) -> (i32, i32) {
    %c0_i32 = arith.constant 0 : i32
    %c0_i32_0 = arith.constant 0 : i32
    %c0_i32_1 = arith.constant 0 : i32
    return %c0_i32, %c0_i32_0 : i32, i32
  }
  func.func @transform_19(%arg0: i32) -> (i32, i32) {
    %c0_i32 = arith.constant 0 : i32
    %c0_i32_0 = arith.constant 0 : i32
    %c0_i32_1 = arith.constant 0 : i32
    return %c0_i32, %c0_i32_0 : i32, i32
  }
  func.func @transform_20(%arg0: i32) -> (i32, i32) {
    %c0_i32 = arith.constant 0 : i32
    %c0_i32_0 = arith.constant 0 : i32
    %c0_i32_1 = arith.constant 0 : i32
    return %c0_i32, %c0_i32_0 : i32, i32
  }
  func.func @transform_21(%arg0: i32) -> (i32, i32) {
    %c0_i32 = arith.constant 0 : i32
    %c0_i32_0 = arith.constant 0 : i32
    %c0_i32_1 = arith.constant 0 : i32
    return %c0_i32, %c0_i32_0 : i32, i32
  }
}

</mosaic_0001>

<sc_bundles>
// kernel: kernel.15.cloned.1.call-start
scs
__scs_entry_jumppad:
0x0: {  	(pc) =	sbr.rel $0x88, $3  }
0x1: {  	(tag) =	ssettag $0x0;
	lr =	simm.s32 $0x1  }
0x2: {  	[smem:$0x3F8A] =	sst lr;
	_ =	strace $0xD0000000  }
0x3: {  	_ = 	snop  }
0x4: {  	_ = 	snop  }
0x5: {  	_ = 	snop  }
0x6: {  	_ = 	snop  }
0x7: {  	_ = 	snop  }
__scs_overlays_trampoline_lowered:
0x8: {  	[smem:$0x3F99] =	sst s0  }
0x9: {  	[smem:$0x3F9A] =	sst s1  }
0xa: {  	[smem:$0x3F9B] =	sst s2  }
0xb: {  	[smem:$0x3F9C] =	sst s3  }
0xc: {  	[smem:$0x3F9D] =	sst s4  }
0xd: {  	[smem:$0x3F9E] =	sst s5  }
0xe: {  	[smem:$0x3F9F] =	sst s6  }
0xf: {  	[smem:$0x3FA0] =	sst s7  }
0x10: {  	[smem:$0x3FA1] =	sst s8  }
0x11: {  	[smem:$0x3FA2] =	sst s9;
	s0 =	simm.s32 @!p0 $0x0  }
0x12: {  	s1 =	sld [smem:$0x3F88];
	s0 =	simm.s32 @p0 $0x1  }
0x13: {  	[smem:$0x3FA3] =	sst s0;
	s0 =	simm.s32 @!p1 $0x0  }
0x14: {  	s2 =	sld [smem:$0x3F87];
	s0 =	simm.s32 @p1 $0x1  }
0x15: {  	[smem:$0x3FA4] =	sst s0;
	s0 =	simm.s32 @!p2 $0x0  }
0x16: {  	s3 =	sld [smem:$0x3FDB];
	s0 =	simm.s32 @p2 $0x1  }
0x17: {  	s4 =	simm.s32 $0x1BF5;
	[smem:$0x3FA6] =	sst s0  }
0x18: {  	s0 =	sld [smem:$0x3F89];
	_ =	swait.ge [sflag:s4], $0x0  }
0x19: {  	s7 =	sld [smem:$0x3F8A]  }
0x1a: {  	s8 =	sadd.s32 $0xFFFFE003, lr  }
0x1b: {  	s9 =	sadd.s32 $0xFFFFFEF7, lr;
	s5 =	simm.s32 $0xFFFFFFFF;
	p2 =	slt.u32 s8, $0xFFFFF086  }
0x1c: {  	p1 =	slt.u32 s9, $0xF7A;
	s5 =	simm.s32 @!p2 $0x0  }
0x1d: {  	s5 =	simm.s32 @p1 $0x1;
	p0 =	seq.s32 s7, s2  }
0x1e: {  	s7 =	smul.u32 @!p0 $0xF7A, s2;
	p2 =	seq.s32 @!p0 s5, $0x0  }
0x1f: {  	s9 =	smul.u32 $0xF7A, s1;
	s8 =	simm.s32 @!p0 $0x1BF5;
	p2 =	por !p2, p0  }
0x20: {  	[sflag:s8] =	ssyncset.s32 @!p0 $0xFFFFF086;
	s6 =	sadd.s32 @!p0 s3, s7;
	s7 =	simm.s32 @!p0 $0x108  }
0x21: {  	s3 =	sadd.s32 s3, s9;
	s6 =	sadd.s32 @!p0 $0x88, s6;
	s7 =	simm.s32 @p2 $0x1082  }
0x22: {  	[simem:s7], [sflag:s8] =	dma.local @!p0 [hbm:s6], $0xF7A  }
0x23: {  	s9 =	sor.u32 $0xD0000000, s2;
	s6 =	simm.s32 $0x108;
	_ =	swait.ge @!p0 [sflag:s8], $0x0  }
0x24: {  	s3 =	sadd.s32 $0x88, s3;
	s6 =	simm.s32 @!p1 $0x1082;
	[sflag:s4] =	ssyncset.s32 $0xFFFFF086  }
0x25: {  	[simem:s6], [sflag:s4] =	dma.local [hbm:s3], $0xF7A  }
0x26: {  	[smem:$0x3F8A] =	sst s1;
	(tag) =	ssettag s2;
	_ =	strace s9  }
0x27: {  	s1 =	sld [smem:$0x3F9A]  }
0x28: {  	s2 =	sld [smem:$0x3F9B]  }
0x29: {  	s4 =	sld [smem:$0x3F9D]  }
0x2a: {  	p0 =	seq.s32 s5, $0x0;
	s5 =	sld [smem:$0x3F9E]  }
0x2b: {  	s6 =	sld [smem:$0x3F9F]  }
0x2c: {  	s7 =	sld [smem:$0x3FA0]  }
0x2d: {  	s3 =	simm.s32 $0x108;
	s8 =	sld [smem:$0x3FA1]  }
0x2e: {  	s3 =	simm.s32 @!p0 $0x1082;
	s9 =	sld [smem:$0x3FA2]  }
0x2f: {  	lr =	sadd.s32 s0, s3;
	s0 =	sld [smem:$0x3F99]  }
0x30: {  	s3 =	sld [smem:$0x3F9C]  }
0x31: {  	[smem:$0x3FA5] =	sst s10  }
0x32: {  	s10 =	sld [smem:$0x3FA3];
	_ =	sdelay $0x3  }
0x33: {  	p0 =	seq.s32 s10, $0x1;
	s10 =	sld [smem:$0x3FA5];
	_ =	sdelay $0x3  }
0x34: {  	[smem:$0x3FA5] =	sst s10  }
0x35: {  	s10 =	sld [smem:$0x3FA4];
	_ =	sdelay $0x3  }
0x36: {  	p1 =	seq.s32 s10, $0x1;
	s10 =	sld [smem:$0x3FA5];
	_ =	sdelay $0x3  }
0x37: {  	[smem:$0x3FA5] =	sst s10  }
0x38: {  	s10 =	sld [smem:$0x3FA6]  }
0x39: {  	_ = 	snop;
	(pc) =	sbr.ind lr, $3  }
0x3a: {  	_ = 	snop  }
0x3b: {  	_ = 	snop  }
0x3c: {  	p2 =	seq.s32 s10, $0x1;
	s10 =	sld [smem:$0x3FA5]  }
0x3d: {  	_ =	shalt  }
0x3e: {  	_ =	shalt  }
0x3f: {  	_ =	shalt  }
0x40: {  	_ =	shalt  }
0x41: {  	_ =	shalt  }
0x42: {  	_ =	shalt  }
0x43: {  	_ =	shalt  }
0x44: {  	_ =	shalt  }
0x45: {  	_ =	shalt  }
0x46: {  	_ =	shalt  }
0x47: {  	_ =	shalt  }
0x48: {  	_ =	shalt  }
0x49: {  	_ =	shalt  }
0x4a: {  	_ =	shalt  }
0x4b: {  	_ =	shalt  }
0x4c: {  	_ =	shalt  }
0x4d: {  	_ =	shalt  }
0x4e: {  	_ =	shalt  }
0x4f: {  	_ =	shalt  }
0x50: {  	_ =	shalt  }
0x51: {  	_ =	shalt  }
0x52: {  	_ =	shalt  }
0x53: {  	_ =	shalt  }
0x54: {  	_ =	shalt  }
0x55: {  	_ =	shalt  }
0x56: {  	_ =	shalt  }
0x57: {  	_ =	shalt  }
0x58: {  	_ =	shalt  }
0x59: {  	_ =	shalt  }
0x5a: {  	_ =	shalt  }
0x5b: {  	_ =	shalt  }
0x5c: {  	_ =	shalt  }
0x5d: {  	_ =	shalt  }
0x5e: {  	_ =	shalt  }
0x5f: {  	_ =	shalt  }
0x60: {  	_ =	shalt  }
0x61: {  	_ =	shalt  }
0x62: {  	_ =	shalt  }
0x63: {  	_ =	shalt  }
0x64: {  	_ =	shalt  }
0x65: {  	_ =	shalt  }
0x66: {  	_ =	shalt  }
0x67: {  	_ =	shalt  }
0x68: {  	_ =	shalt  }
0x69: {  	_ =	shalt  }
0x6a: {  	_ =	shalt  }
0x6b: {  	_ =	shalt  }
0x6c: {  	_ =	shalt  }
0x6d: {  	_ =	shalt  }
0x6e: {  	_ =	shalt  }
0x6f: {  	_ =	shalt  }
0x70: {  	_ =	shalt  }
0x71: {  	_ =	shalt  }
0x72: {  	_ =	shalt  }
0x73: {  	_ =	shalt  }
0x74: {  	_ =	shalt  }
0x75: {  	_ =	shalt  }
0x76: {  	_ =	shalt  }
0x77: {  	_ =	shalt  }
0x78: {  	_ =	shalt  }
0x79: {  	_ =	shalt  }
0x7a: {  	_ =	shalt  }
0x7b: {  	_ =	shalt  }
0x7c: {  	_ =	shalt  }
0x7d: {  	_ =	shalt  }
0x7e: {  	_ =	shalt  }
0x7f: {  	_ =	shalt  }
0x80: {  	_ =	shalt  }
0x81: {  	_ =	shalt  }
0x82: {  	_ =	shalt  }
0x83: {  	_ =	shalt  }
0x84: {  	_ =	shalt  }
0x85: {  	_ =	shalt  }
0x86: {  	_ =	shalt  }
0x87: {  	_ =	shalt  }
.Lfunc_end0:
.L_simem_size_0:
called_computation_lowered:
.L_overlay_start_0:
0x88: {  	s2 =	sld [smem:$0x3FD9]  }
0x89: {  	s3 =	sld [smem:$0x3FFE];
	_ =	sdelay $0x1  }
0x8a: {  	s1 =	srdreg.scid  }
0x8b: {  	s0 =	sand.u32 $0x1, s1  }
0x8c: {  	s16 =	sshll.u32 s0, $0xA;
	s2 =	sadd.s32 s3, s2  }
0x8d: {  	s2 =	sadd.s32 s2, s16  }
0x8e: {  	[smem:$0x3FB1] =	sst s2  }
0x8f: {  	_ = 	snop  }
0x90: {  	(tm) =	ssettm $0x1  }
0x91: {  	s17 =	sld [smem:$0x3FFB];
	_ =	sdelay $0x3  }
0x92: {  	_ =	strace s17  }
0x93: {  	s2 =	sld [smem:$0x3FFC];
	_ =	sdelay $0x3  }
0x94: {  	_ =	strace s2  }
0x95: {  	s2 =	sld [smem:$0x3FFD];
	_ =	sdelay $0x3  }
0x96: {  	_ =	strace s2  }
0x97: {  	_ =	strace $0x8FFFFFFF  }
0x98: {  	s18 =	sld [smem:$0x3FDB];
	_ =	sdelay $0x1  }
0x99: {  	s19 =	simm.s32 $_scs_section_size  }
0x9a: {  	s4 =	simm.s32 $_size__tile_overlayer_lowered;
	s5 =	simm.s32 $_tile_overlayer_lowered  }
0x9b: {  	s22 =	simm.s32 $0x1BFF;
	s21 =	sshll.u32 s5, $0x1;
	s2 =	sadd.s32 s19, s18  }
0x9c: {  	s6 =	simm.s32 $0x0;
	s20 =	sshll.u32 s4, $0x1;
	s4 =	sadd.s32 s21, s2  }
0x9d: {  	[timem:s6], [sflag:s22] =	dma.local [hbm:s4], s20  }
0x9e: {  	_ =	swait.ge [sflag:s22], s20  }
0x9f: {  	s3 =	ssub.s32 $0x0, s20;
	[sflag:s22] =	ssyncset.done $0x0  }
0xa0: {  	[sflag:s22] =	ssyncadd.s32 s3;
	_ =	sdelay $0x1  }
0xa1: {  	s23 =	simm.s32 $0x1B8B  }
0xa2: {  	_ =	swait.ge [sflag:s23], $0x1  }
0xa3: {  	[sflag:s23] =	ssyncset.done $0x0  }
0xa4: {  	s25 =	simm.s32 $0x1B8E;
	s24 =	sld [smem:$0x3FFE];
	[sflag:s23] =	ssyncadd.s32 $0xFFFFFFFF  }
0xa5: {  	s26 =	simm.s32 $execute0_lowered;
	[smem:$0x3FD2] =	sst s25  }
0xa6: {  	s4 =	sshll.u32 s26, $0x1;
	_ =	strace $0x80000046;
	[dreg:$0x1] =	wrdreg $0xFFFFFFFF  }
0xa7: {  	s28 =	simm.s32 $_size_execute0_lowered;
	s2 =	sadd.s32 s2, s4;
	[dreg:$0x0] =	wrdreg $0x0  }
0xa8: {  	s4 =	sshll.u32 s28, $0x1;
	[dreg:$0x2] =	wrdreg s2  }
0xa9: {  	[dreg:$0x3] =	wrdreg s4  }
0xaa: {  	[dreg:$0x4] =	wrdreg $0xC0  }
0xab: {  	_ =	task [dreg:s6], $0x5FFFF  }
0xac: {  	[dreg:$0x1] =	wrdreg $0xFFFFFFFF  }
0xad: {  	[dreg:$0x0] =	wrdreg $0x60  }
0xae: {  	[dreg:$0x2] =	wrdreg s24  }
0xaf: {  	[dreg:$0x3] =	wrdreg $0x38000  }
0xb0: {  	[dreg:$0x4] =	wrdreg $0x9  }
0xb1: {  	_ =	task.clear_ibuf [dreg:s6], $0x5FFFF;
	_ =	strace $0x90000046  }
0xb2: {  	s29 =	simm.s32 $0x9;
	_ =	strace $0x80000048  }
0xb3: {  	_ =	swait.ge [sflag:s29], $0x1  }
0xb4: {  	[sflag:s29] =	ssyncadd.s32 $0xFFFFFFFF  }
0xb5: {  	_ =	strace $0x90000048  }
0xb6: {  	_ =	sfence  }
0xb7: {  	s30 =	sld [smem:$0x0];
	_ =	sdelay $0x2  }
0xb8: {  	s31 =	sshll.u32 s1, $0xD;
	s1 =	sshrl.u32 s1, $0x2  }
0xb9: {  	s3 =	sand.u32 $0x4000, s31;
	s1 =	sadd.s32 s1, s30  }
0xba: {  	s0 =	sor.u32 s3, s0;
	s1 =	sshll.u32 s1, $0x11  }
0xbb: {  	s0 =	sor.u32 s1, s0  }
0xbc: {  	s0 =	sadd.s32 $0x8F2B, s0  }
0xbd: {  	[sflag:s0] =	ssyncadd.remote.s32 $0x1  }
0xbe: {  	_ =	sfence.sel $0xFFFF  }
0xbf: {  	[dreg:$0x0] =	wrdreg $0xFFFFFFFF;
	(pc) =	sbr.abs _section_cstart, $3  }
0xc0: {  	[dreg:$0x1] =	wrdreg $0xFFFFFFFF  }
0xc1: {  	_ =	task.clear_ibuf [dreg:s6], $0x2FFFF;
	_ =	strace $0x9FFFFFFF  }
0xc2: {  	(tm) =	ssettm $0x7FFFFFFF  }
0xc3: {  	_ =	shalt  }
tec
execute0_lowered:
.L_overlay_start_1:
0x0: {  	(tag) =	ssettag $0x1  }
0x1: {  	s8 =	rddreg [dreg:$0x0];
	s1 =	srdreg.scid  }
0x2: {  	s0 =	stileid.u32;
	s2 =	rddreg [dreg:$0x1];
	s3 =	simm.s32 $0x0  }
0x3: {  	s12 =	simm.s32 $0x1C400;
	s14 =	simm.s32 $0x80;
	s15 =	simm.s32 $0x2800  }
0x4: {  	s16 =	simm.s32 $0x1;
	s6 =	sand.u32 $0x1, s1;
	s1 =	rddreg [dreg:$0x2]  }
0x5: {  	s17 =	simm.s32 $0x0;
	s4 =	sshll.u32 s0, $0x1;
	[smem:$0x7FF] =	sst s3  }
0x6: {  	s11 =	smul.u32 $0x4F00, s0;
	s31 =	sshll.u32 s0, $0x6;
	s4 =	sor.u32 s6, s4  }
0x7: {  	_ =	strace $0x80000047;
	s7 =	ssub.s32 $0x2, s6;
	p0 =	seq.s32 s6, $0x1  }
0x8: {  	s5 =	smul.u32 $0x280, s4;
	s4 =	sadd.s32 $0x11C00, s8;
	s10 =	sshrl.u32 s7, $0x1  }
0x9: {  	s12 =	simm.s32 @!p0 $0x26200;
	s30 =	sshrl.u32 s11, $0x3;
	s13 =	sadd.s32 s11, s2  }
0xa: {  	s11 =	simm.s32 $0x1400;
	s10 =	ssub.s32 s7, s10;
	s12 =	sadd.s32 s12, s8  }
0xb: {  	s13 =	sshrl.u32 s13, $0x3;
	s9 =	sadd.s32 s5, s8;
	s5 =	sadd.s32 $0x1BA00, s8  }
0xc: {  	s8 =	smax.u32 s10, $0x1;
	s10 =	simm.s32 $0x2;
	s6 =	sadd.s32 $0xCC00, s9  }
0xd: {  	s7 =	sadd.s32 $0x7C00, s9;
	s9 =	sadd.s32 s12, s30;
	s12 =	sor.u32 $0x1C02, s31  }
.LBB2_1:
0xe: {  	[tilespmem:s3], [sflag:$0x2] =	stream.linear.gather [hbm4b:s6+s3], $0x1400, $0x38;
	[tilespmem:$0x8700] =	vst v63  }
0xf: {  	_ =	swait.ge [sflag:s10], $0x1400  }
0x10: {  	[sflag:s10] =	ssyncset.done $0x0  }
0x11: {  	[sflag:s10] =	ssyncadd.s32 $0xFFFFEC00  }
0x12: {  	[tilespmem:s11], [sflag:$0x2] =	stream.linear.gather [hbm4b:s7+s3], $0x1400, $0x38;
	[tilespmem:$0x8700] =	vst v63  }
0x13: {  	_ =	swait.ge [sflag:s10], $0x1400  }
0x14: {  	[sflag:s10] =	ssyncset.done $0x0  }
0x15: {  	[sflag:s10] =	ssyncadd.s32 $0xFFFFEC00  }
0x16: {  	[spmem:s13], [sflag:s12] =	dma.local [hbm:s5], $0x9E0  }
0x17: {  	_ =	swait.ge [sflag:s10], $0x9E0  }
0x18: {  	[sflag:s10] =	ssyncset.done $0x0  }
0x19: {  	[sflag:s10] =	ssyncadd.s32 $0xFFFFF620  }
0x1a: {  	s18 =	simm.s32 $0x0;
	[bflag:$0x0] =	sbarrier.arrive $0xFFFF  }
0x1b: {  	[tilespmem:s15], [sflag:$0x1] =	stream.indirect.gather [hbm4b:s4+s14], $0x20, s18, s14, $0xb8;
	[tilespmem:$0x8700] =	vst v63  }
0x1c: {  	_ =	swait.ge [sflag:s16], $0x1000  }
0x1d: {  	[sflag:s16] =	ssyncset.done $0x0  }
0x1e: {  	s31 =	simm.s32 $0x1400;
	[sflag:s16] =	ssyncadd.s32 $0xFFFFF000  }
0x1f: {  	[spmem:s2] =	stream.indirect.scatter.add.s32 [tilespmem:s15], [sflag:$0x2], $0x20, s31, s14, $0xb8;
	[tilespmem:$0x8700] =	vst v63  }
0x20: {  	_ =	swait.ge [sflag:s10], $0x1000  }
0x21: {  	s19 =	simm.s32 $0x400;
	s18 =	simm.s32 $0x200;
	[sflag:s10] =	ssyncset.done $0x0  }
.LBB2_2:
0x22: {  	s20 =	sshra.s32 s18, $0x2  }
0x23: {  	[sflag:s10] =	ssyncadd.s32 $0xFFFFF000;
	s18 =	smov.u32 s19;
	s21 =	sadd.s32 $0x200, s19  }
0x24: {  	[tilespmem:s15], [sflag:$0x1] =	stream.indirect.gather [hbm4b:s4+s14], $0x20, s20, s14, $0xb8;
	[tilespmem:$0x8700] =	vst v63  }
0x25: {  	p0 =	sne.s32 s19, $0x4E00;
	_ =	swait.ge [sflag:s16], $0x1000  }
.Ltmp0:
0x26: {  	[sflag:s16] =	ssyncset.done $0x0;
	(pc) =	sbr.rel @p0 .LBB2_2-.Ltmp0, $4  }
0x27: {  	s19 =	sadd.s32 $0x1400, s20;
	[sflag:s16] =	ssyncadd.s32 $0xFFFFF000  }
0x28: {  	[spmem:s2] =	stream.indirect.scatter.add.s32 [tilespmem:s15], [sflag:$0x2], $0x20, s19, s14, $0xb8;
	[tilespmem:$0x8700] =	vst v63  }
0x29: {  	_ =	swait.ge [sflag:s10], $0x1000  }
0x2a: {  	s19 =	smov.u32 s21;
	[sflag:s10] =	ssyncset.done $0x0  }
0x2b: {  	s18 =	sshra.s32 s18, $0x2;
	[sflag:s10] =	ssyncadd.s32 $0xFFFFF000  }
0x2c: {  	[tilespmem:s15], [sflag:$0x1] =	stream.indirect.gather [hbm4b:s4+s14], $0x20, s18, s14, $0xb8;
	[tilespmem:$0x8700] =	vst v63  }
0x2d: {  	_ =	swait.ge [sflag:s16], $0x1000  }
0x2e: {  	[sflag:s16] =	ssyncset.done $0x0  }
0x2f: {  	s18 =	sadd.s32 $0x1400, s18;
	[sflag:s16] =	ssyncadd.s32 $0xFFFFF000  }
0x30: {  	[spmem:s2] =	stream.indirect.scatter.add.s32 [tilespmem:s15], [sflag:$0x2], $0x20, s18, s14, $0xb8;
	[tilespmem:$0x8700] =	vst v63  }
0x31: {  	_ =	swait.ge [sflag:s10], $0x1000  }
0x32: {  	s17 =	sadd.s32 $0x1, s17;
	[sflag:s10] =	ssyncset.done $0x0  }
0x33: {  	p0 =	sne.s32 s17, s8;
	[sflag:s10] =	ssyncadd.s32 $0xFFFFF000  }
.Ltmp1:
0x34: {  	[bflag:$0x0] =	sbarrier.arrive $0xFFFF;
	(pc) =	sbr.rel @p0 .LBB2_1-.Ltmp1, $4  }
0x35: {  	[hbm:s9], [sflag:s12] =	dma.local [spmem:s13], $0x9E0  }
0x36: {  	_ =	swait.ge [sflag:s10], $0x9E0  }
0x37: {  	[sflag:s10] =	ssyncset.done $0x0  }
0x38: {  	[sflag:s10] =	ssyncadd.s32 $0xFFFFF620  }
0x39: {  	_ =	sfence.sel $0x180000  }
0x3a: {  	[bflag:$0x0] =	sbarrier.arrive $0xFFFF  }
0x3b: {  	p0 =	sne.s32 s0, $0x0;
	_ =	strace $0x90000047  }
0x3c: {  	s0 =	sadd.s32 @!p0 $0x100000, s1;
	[bflag:$0x2] =	sbarrier.arrive $0xFFFF  }
0x3d: {  	[sflag:s0] =	ssyncadd.tile.s32 @!p0 $0x1;
	_ =	shalt  }
.Lfunc_end2:
_tile_overlayer_lowered:
.L_overlay_start_2:
0x3e: {  	(tag) =	ssettag $0x2  }
0x3f: {  	s0 =	rddreg [dreg:$0x0];
	s2 =	stileid.u32  }
0x40: {  	s1 =	rddreg [dreg:$0x1];
	p0 =	sne.s32 s2, $0x0  }
0x41: {  	s3 =	rddreg [dreg:$0x2];
	[bflag:$0x3] =	sbarrier.arrive $0xFFFF;
	s2 =	simm.s32 @!p0 $0x1C02  }
0x42: {  	[timem:s3], [sflag:s2] =	dma.local @!p0 [hbm:s0], s1  }
0x43: {  	s0 =	simm.s32 @!p0 $0x2  }
0x44: {  	_ =	swait.ge @!p0 [sflag:s0], s1  }
0x45: {  	s1 =	ssub.s32 @!p0 $0x0, s1;
	[sflag:s0] =	ssyncset.done @!p0 $0x0  }
0x46: {  	[sflag:s0] =	ssyncadd.s32 @!p0 s1  }
0x47: {  	[bflag:$0x3] =	sbarrier.arrive $0xFFFF  }
0x48: {  	_ =	shalt  }

// kernel: kernel.18.cloned.1.call-start
scs
__scs_entry_jumppad:
0x0: {  	(pc) =	sbr.rel $0x88, $3  }
0x1: {  	(tag) =	ssettag $0x0;
	lr =	simm.s32 $0x1  }
0x2: {  	[smem:$0x3F8A] =	sst lr;
	_ =	strace $0xD0000000  }
0x3: {  	_ = 	snop  }
0x4: {  	_ = 	snop  }
0x5: {  	_ = 	snop  }
0x6: {  	_ = 	snop  }
0x7: {  	_ = 	snop  }
__scs_overlays_trampoline_lowered:
0x8: {  	[smem:$0x3F99] =	sst s0  }
0x9: {  	[smem:$0x3F9A] =	sst s1  }
0xa: {  	[smem:$0x3F9B] =	sst s2  }
0xb: {  	[smem:$0x3F9C] =	sst s3  }
0xc: {  	[smem:$0x3F9D] =	sst s4  }
0xd: {  	[smem:$0x3F9E] =	sst s5  }
0xe: {  	[smem:$0x3F9F] =	sst s6  }
0xf: {  	[smem:$0x3FA0] =	sst s7  }
0x10: {  	[smem:$0x3FA1] =	sst s8  }
0x11: {  	[smem:$0x3FA2] =	sst s9;
	s0 =	simm.s32 @!p0 $0x0  }
0x12: {  	s1 =	sld [smem:$0x3F88];
	s0 =	simm.s32 @p0 $0x1  }
0x13: {  	[smem:$0x3FA3] =	sst s0;
	s0 =	simm.s32 @!p1 $0x0  }
0x14: {  	s2 =	sld [smem:$0x3F87];
	s0 =	simm.s32 @p1 $0x1  }
0x15: {  	[smem:$0x3FA4] =	sst s0;
	s0 =	simm.s32 @!p2 $0x0  }
0x16: {  	s3 =	sld [smem:$0x3FDB];
	s0 =	simm.s32 @p2 $0x1  }
0x17: {  	s4 =	simm.s32 $0x1BF5;
	[smem:$0x3FA6] =	sst s0  }
0x18: {  	s0 =	sld [smem:$0x3F89];
	_ =	swait.ge [sflag:s4], $0x0  }
0x19: {  	s7 =	sld [smem:$0x3F8A]  }
0x1a: {  	s8 =	sadd.s32 $0xFFFFE003, lr  }
0x1b: {  	s9 =	sadd.s32 $0xFFFFFEF7, lr;
	s5 =	simm.s32 $0xFFFFFFFF;
	p2 =	slt.u32 s8, $0xFFFFF086  }
0x1c: {  	p1 =	slt.u32 s9, $0xF7A;
	s5 =	simm.s32 @!p2 $0x0  }
0x1d: {  	s5 =	simm.s32 @p1 $0x1;
	p0 =	seq.s32 s7, s2  }
0x1e: {  	s7 =	smul.u32 @!p0 $0xF7A, s2;
	p2 =	seq.s32 @!p0 s5, $0x0  }
0x1f: {  	s9 =	smul.u32 $0xF7A, s1;
	s8 =	simm.s32 @!p0 $0x1BF5;
	p2 =	por !p2, p0  }
0x20: {  	[sflag:s8] =	ssyncset.s32 @!p0 $0xFFFFF086;
	s6 =	sadd.s32 @!p0 s3, s7;
	s7 =	simm.s32 @!p0 $0x108  }
0x21: {  	s3 =	sadd.s32 s3, s9;
	s6 =	sadd.s32 @!p0 $0x88, s6;
	s7 =	simm.s32 @p2 $0x1082  }
0x22: {  	[simem:s7], [sflag:s8] =	dma.local @!p0 [hbm:s6], $0xF7A  }
0x23: {  	s9 =	sor.u32 $0xD0000000, s2;
	s6 =	simm.s32 $0x108;
	_ =	swait.ge @!p0 [sflag:s8], $0x0  }
0x24: {  	s3 =	sadd.s32 $0x88, s3;
	s6 =	simm.s32 @!p1 $0x1082;
	[sflag:s4] =	ssyncset.s32 $0xFFFFF086  }
0x25: {  	[simem:s6], [sflag:s4] =	dma.local [hbm:s3], $0xF7A  }
0x26: {  	[smem:$0x3F8A] =	sst s1;
	(tag) =	ssettag s2;
	_ =	strace s9  }
0x27: {  	s1 =	sld [smem:$0x3F9A]  }
0x28: {  	s2 =	sld [smem:$0x3F9B]  }
0x29: {  	s4 =	sld [smem:$0x3F9D]  }
0x2a: {  	p0 =	seq.s32 s5, $0x0;
	s5 =	sld [smem:$0x3F9E]  }
0x2b: {  	s6 =	sld [smem:$0x3F9F]  }
0x2c: {  	s7 =	sld [smem:$0x3FA0]  }
0x2d: {  	s3 =	simm.s32 $0x108;
	s8 =	sld [smem:$0x3FA1]  }
0x2e: {  	s3 =	simm.s32 @!p0 $0x1082;
	s9 =	sld [smem:$0x3FA2]  }
0x2f: {  	lr =	sadd.s32 s0, s3;
	s0 =	sld [smem:$0x3F99]  }
0x30: {  	s3 =	sld [smem:$0x3F9C]  }
0x31: {  	[smem:$0x3FA5] =	sst s10  }
0x32: {  	s10 =	sld [smem:$0x3FA3];
	_ =	sdelay $0x3  }
0x33: {  	p0 =	seq.s32 s10, $0x1;
	s10 =	sld [smem:$0x3FA5];
	_ =	sdelay $0x3  }
0x34: {  	[smem:$0x3FA5] =	sst s10  }
0x35: {  	s10 =	sld [smem:$0x3FA4];
	_ =	sdelay $0x3  }
0x36: {  	p1 =	seq.s32 s10, $0x1;
	s10 =	sld [smem:$0x3FA5];
	_ =	sdelay $0x3  }
0x37: {  	[smem:$0x3FA5] =	sst s10  }
0x38: {  	s10 =	sld [smem:$0x3FA6]  }
0x39: {  	_ = 	snop;
	(pc) =	sbr.ind lr, $3  }
0x3a: {  	_ = 	snop  }
0x3b: {  	_ = 	snop  }
0x3c: {  	p2 =	seq.s32 s10, $0x1;
	s10 =	sld [smem:$0x3FA5]  }
0x3d: {  	_ =	shalt  }
0x3e: {  	_ =	shalt  }
0x3f: {  	_ =	shalt  }
0x40: {  	_ =	shalt  }
0x41: {  	_ =	shalt  }
0x42: {  	_ =	shalt  }
0x43: {  	_ =	shalt  }
0x44: {  	_ =	shalt  }
0x45: {  	_ =	shalt  }
0x46: {  	_ =	shalt  }
0x47: {  	_ =	shalt  }
0x48: {  	_ =	shalt  }
0x49: {  	_ =	shalt  }
0x4a: {  	_ =	shalt  }
0x4b: {  	_ =	shalt  }
0x4c: {  	_ =	shalt  }
0x4d: {  	_ =	shalt  }
0x4e: {  	_ =	shalt  }
0x4f: {  	_ =	shalt  }
0x50: {  	_ =	shalt  }
0x51: {  	_ =	shalt  }
0x52: {  	_ =	shalt  }
0x53: {  	_ =	shalt  }
0x54: {  	_ =	shalt  }
0x55: {  	_ =	shalt  }
0x56: {  	_ =	shalt  }
0x57: {  	_ =	shalt  }
0x58: {  	_ =	shalt  }
0x59: {  	_ =	shalt  }
0x5a: {  	_ =	shalt  }
0x5b: {  	_ =	shalt  }
0x5c: {  	_ =	shalt  }
0x5d: {  	_ =	shalt  }
0x5e: {  	_ =	shalt  }
0x5f: {  	_ =	shalt  }
0x60: {  	_ =	shalt  }
0x61: {  	_ =	shalt  }
0x62: {  	_ =	shalt  }
0x63: {  	_ =	shalt  }
0x64: {  	_ =	shalt  }
0x65: {  	_ =	shalt  }
0x66: {  	_ =	shalt  }
0x67: {  	_ =	shalt  }
0x68: {  	_ =	shalt  }
0x69: {  	_ =	shalt  }
0x6a: {  	_ =	shalt  }
0x6b: {  	_ =	shalt  }
0x6c: {  	_ =	shalt  }
0x6d: {  	_ =	shalt  }
0x6e: {  	_ =	shalt  }
0x6f: {  	_ =	shalt  }
0x70: {  	_ =	shalt  }
0x71: {  	_ =	shalt  }
0x72: {  	_ =	shalt  }
0x73: {  	_ =	shalt  }
0x74: {  	_ =	shalt  }
0x75: {  	_ =	shalt  }
0x76: {  	_ =	shalt  }
0x77: {  	_ =	shalt  }
0x78: {  	_ =	shalt  }
0x79: {  	_ =	shalt  }
0x7a: {  	_ =	shalt  }
0x7b: {  	_ =	shalt  }
0x7c: {  	_ =	shalt  }
0x7d: {  	_ =	shalt  }
0x7e: {  	_ =	shalt  }
0x7f: {  	_ =	shalt  }
0x80: {  	_ =	shalt  }
0x81: {  	_ =	shalt  }
0x82: {  	_ =	shalt  }
0x83: {  	_ =	shalt  }
0x84: {  	_ =	shalt  }
0x85: {  	_ =	shalt  }
0x86: {  	_ =	shalt  }
0x87: {  	_ =	shalt  }
.Lfunc_end0:
.L_simem_size_0:
called_computation.1_lowered:
.L_overlay_start_0:
0x88: {  	s2 =	sld [smem:$0x3FD9]  }
0x89: {  	s3 =	sld [smem:$0x3FFE];
	_ =	sdelay $0x1  }
0x8a: {  	s1 =	srdreg.scid  }
0x8b: {  	s0 =	sand.u32 $0x1, s1  }
0x8c: {  	s16 =	sshll.u32 s0, $0xA;
	s2 =	sadd.s32 s3, s2  }
0x8d: {  	s2 =	sadd.s32 s2, s16  }
0x8e: {  	[smem:$0x3FB1] =	sst s2  }
0x8f: {  	_ = 	snop  }
0x90: {  	(tm) =	ssettm $0x1  }
0x91: {  	s17 =	sld [smem:$0x3FFB];
	_ =	sdelay $0x3  }
0x92: {  	_ =	strace s17  }
0x93: {  	s2 =	sld [smem:$0x3FFC];
	_ =	sdelay $0x3  }
0x94: {  	_ =	strace s2  }
0x95: {  	s2 =	sld [smem:$0x3FFD];
	_ =	sdelay $0x3  }
0x96: {  	_ =	strace s2  }
0x97: {  	_ =	strace $0x8FFFFFFF  }
0x98: {  	s18 =	sld [smem:$0x3FDB];
	_ =	sdelay $0x1  }
0x99: {  	s19 =	simm.s32 $_scs_section_size  }
0x9a: {  	s4 =	simm.s32 $_size__tile_overlayer_lowered;
	s5 =	simm.s32 $_tile_overlayer_lowered  }
0x9b: {  	s22 =	simm.s32 $0x1BFF;
	s21 =	sshll.u32 s5, $0x1;
	s2 =	sadd.s32 s19, s18  }
0x9c: {  	s6 =	simm.s32 $0x0;
	s20 =	sshll.u32 s4, $0x1;
	s4 =	sadd.s32 s21, s2  }
0x9d: {  	[timem:s6], [sflag:s22] =	dma.local [hbm:s4], s20  }
0x9e: {  	_ =	swait.ge [sflag:s22], s20  }
0x9f: {  	s3 =	ssub.s32 $0x0, s20;
	[sflag:s22] =	ssyncset.done $0x0  }
0xa0: {  	[sflag:s22] =	ssyncadd.s32 s3;
	_ =	sdelay $0x1  }
0xa1: {  	s23 =	simm.s32 $0x1B8B  }
0xa2: {  	_ =	swait.ge [sflag:s23], $0x1  }
0xa3: {  	[sflag:s23] =	ssyncset.done $0x0  }
0xa4: {  	s25 =	simm.s32 $0x1B8E;
	s24 =	sld [smem:$0x3FFE];
	[sflag:s23] =	ssyncadd.s32 $0xFFFFFFFF  }
0xa5: {  	s26 =	simm.s32 $execute0_lowered;
	[smem:$0x3FD2] =	sst s25  }
0xa6: {  	s4 =	sshll.u32 s26, $0x1;
	_ =	strace $0x80000049;
	[dreg:$0x1] =	wrdreg $0xFFFFFFFF  }
0xa7: {  	s28 =	simm.s32 $_size_execute0_lowered;
	s2 =	sadd.s32 s2, s4;
	[dreg:$0x0] =	wrdreg $0x0  }
0xa8: {  	s4 =	sshll.u32 s28, $0x1;
	[dreg:$0x2] =	wrdreg s2  }
0xa9: {  	[dreg:$0x3] =	wrdreg s4  }
0xaa: {  	[dreg:$0x4] =	wrdreg $0xC0  }
0xab: {  	_ =	task [dreg:s6], $0x5FFFF  }
0xac: {  	[dreg:$0x1] =	wrdreg $0xFFFFFFFF  }
0xad: {  	[dreg:$0x0] =	wrdreg $0x60  }
0xae: {  	[dreg:$0x2] =	wrdreg s24  }
0xaf: {  	[dreg:$0x3] =	wrdreg $0x38000  }
0xb0: {  	[dreg:$0x4] =	wrdreg $0x9  }
0xb1: {  	_ =	task.clear_ibuf [dreg:s6], $0x5FFFF;
	_ =	strace $0x90000049  }
0xb2: {  	s29 =	simm.s32 $0x9;
	_ =	strace $0x8000004B  }
0xb3: {  	_ =	swait.ge [sflag:s29], $0x1  }
0xb4: {  	[sflag:s29] =	ssyncadd.s32 $0xFFFFFFFF  }
0xb5: {  	_ =	strace $0x9000004B  }
0xb6: {  	_ =	sfence  }
0xb7: {  	s30 =	sld [smem:$0x0];
	_ =	sdelay $0x2  }
0xb8: {  	s31 =	sshll.u32 s1, $0xD;
	s1 =	sshrl.u32 s1, $0x2  }
0xb9: {  	s3 =	sand.u32 $0x4000, s31;
	s1 =	sadd.s32 s1, s30  }
0xba: {  	s0 =	sor.u32 s3, s0;
	s1 =	sshll.u32 s1, $0x11  }
0xbb: {  	s0 =	sor.u32 s1, s0  }
0xbc: {  	s0 =	sadd.s32 $0x8F2B, s0  }
0xbd: {  	[sflag:s0] =	ssyncadd.remote.s32 $0x1  }
0xbe: {  	_ =	sfence.sel $0xFFFF  }
0xbf: {  	[dreg:$0x0] =	wrdreg $0xFFFFFFFF;
	(pc) =	sbr.abs _section_cstart, $3  }
0xc0: {  	[dreg:$0x1] =	wrdreg $0xFFFFFFFF  }
0xc1: {  	_ =	task.clear_ibuf [dreg:s6], $0x2FFFF;
	_ =	strace $0x9FFFFFFF  }
0xc2: {  	(tm) =	ssettm $0x7FFFFFFF  }
0xc3: {  	_ =	shalt  }
tec
execute0_lowered:
.L_overlay_start_1:
0x0: {  	(tag) =	ssettag $0x1  }
0x1: {  	s8 =	rddreg [dreg:$0x0];
	s1 =	srdreg.scid  }
0x2: {  	s0 =	stileid.u32;
	s2 =	rddreg [dreg:$0x1];
	s3 =	simm.s32 $0x0  }
0x3: {  	s12 =	simm.s32 $0x1C400;
	s14 =	simm.s32 $0x80;
	s15 =	simm.s32 $0x2800  }
0x4: {  	s16 =	simm.s32 $0x1;
	s6 =	sand.u32 $0x1, s1;
	s1 =	rddreg [dreg:$0x2]  }
0x5: {  	s17 =	simm.s32 $0x0;
	s4 =	sshll.u32 s0, $0x1;
	[smem:$0x7FF] =	sst s3  }
0x6: {  	s11 =	smul.u32 $0x4F00, s0;
	s31 =	sshll.u32 s0, $0x6;
	s4 =	sor.u32 s6, s4  }
0x7: {  	_ =	strace $0x8000004A;
	s7 =	ssub.s32 $0x2, s6;
	p0 =	seq.s32 s6, $0x1  }
0x8: {  	s5 =	smul.u32 $0x280, s4;
	s4 =	sadd.s32 $0x11C00, s8;
	s10 =	sshrl.u32 s7, $0x1  }
0x9: {  	s12 =	simm.s32 @!p0 $0x26200;
	s30 =	sshrl.u32 s11, $0x3;
	s13 =	sadd.s32 s11, s2  }
0xa: {  	s11 =	simm.s32 $0x1400;
	s10 =	ssub.s32 s7, s10;
	s12 =	sadd.s32 s12, s8  }
0xb: {  	s13 =	sshrl.u32 s13, $0x3;
	s9 =	sadd.s32 s5, s8;
	s5 =	sadd.s32 $0x1BA00, s8  }
0xc: {  	s8 =	smax.u32 s10, $0x1;
	s10 =	simm.s32 $0x2;
	s6 =	sadd.s32 $0xCC00, s9  }
0xd: {  	s7 =	sadd.s32 $0x7C00, s9;
	s9 =	sadd.s32 s12, s30;
	s12 =	sor.u32 $0x1C02, s31  }
.LBB2_1:
0xe: {  	[tilespmem:s3], [sflag:$0x2] =	stream.linear.gather [hbm4b:s6+s3], $0x1400, $0x38;
	[tilespmem:$0x8700] =	vst v63  }
0xf: {  	_ =	swait.ge [sflag:s10], $0x1400  }
0x10: {  	[sflag:s10] =	ssyncset.done $0x0  }
0x11: {  	[sflag:s10] =	ssyncadd.s32 $0xFFFFEC00  }
0x12: {  	[tilespmem:s11], [sflag:$0x2] =	stream.linear.gather [hbm4b:s7+s3], $0x1400, $0x38;
	[tilespmem:$0x8700] =	vst v63  }
0x13: {  	_ =	swait.ge [sflag:s10], $0x1400  }
0x14: {  	[sflag:s10] =	ssyncset.done $0x0  }
0x15: {  	[sflag:s10] =	ssyncadd.s32 $0xFFFFEC00  }
0x16: {  	[spmem:s13], [sflag:s12] =	dma.local [hbm:s5], $0x9E0  }
0x17: {  	_ =	swait.ge [sflag:s10], $0x9E0  }
0x18: {  	[sflag:s10] =	ssyncset.done $0x0  }
0x19: {  	[sflag:s10] =	ssyncadd.s32 $0xFFFFF620  }
0x1a: {  	s18 =	simm.s32 $0x0;
	[bflag:$0x0] =	sbarrier.arrive $0xFFFF  }
0x1b: {  	[tilespmem:s15], [sflag:$0x1] =	stream.indirect.gather [hbm4b:s4+s14], $0x20, s18, s14, $0xb8;
	[tilespmem:$0x8700] =	vst v63  }
0x1c: {  	_ =	swait.ge [sflag:s16], $0x1000  }
0x1d: {  	[sflag:s16] =	ssyncset.done $0x0  }
0x1e: {  	s31 =	simm.s32 $0x1400;
	[sflag:s16] =	ssyncadd.s32 $0xFFFFF000  }
0x1f: {  	[spmem:s2] =	stream.indirect.scatter.add.s32 [tilespmem:s15], [sflag:$0x2], $0x20, s31, s14, $0xb8;
	[tilespmem:$0x8700] =	vst v63  }
0x20: {  	_ =	swait.ge [sflag:s10], $0x1000  }
0x21: {  	s19 =	simm.s32 $0x400;
	s18 =	simm.s32 $0x200;
	[sflag:s10] =	ssyncset.done $0x0  }
.LBB2_2:
0x22: {  	s20 =	sshra.s32 s18, $0x2  }
0x23: {  	[sflag:s10] =	ssyncadd.s32 $0xFFFFF000;
	s18 =	smov.u32 s19;
	s21 =	sadd.s32 $0x200, s19  }
0x24: {  	[tilespmem:s15], [sflag:$0x1] =	stream.indirect.gather [hbm4b:s4+s14], $0x20, s20, s14, $0xb8;
	[tilespmem:$0x8700] =	vst v63  }
0x25: {  	p0 =	sne.s32 s19, $0x4E00;
	_ =	swait.ge [sflag:s16], $0x1000  }
.Ltmp0:
0x26: {  	[sflag:s16] =	ssyncset.done $0x0;
	(pc) =	sbr.rel @p0 .LBB2_2-.Ltmp0, $4  }
0x27: {  	s19 =	sadd.s32 $0x1400, s20;
	[sflag:s16] =	ssyncadd.s32 $0xFFFFF000  }
0x28: {  	[spmem:s2] =	stream.indirect.scatter.add.s32 [tilespmem:s15], [sflag:$0x2], $0x20, s19, s14, $0xb8;
	[tilespmem:$0x8700] =	vst v63  }
0x29: {  	_ =	swait.ge [sflag:s10], $0x1000  }
0x2a: {  	s19 =	smov.u32 s21;
	[sflag:s10] =	ssyncset.done $0x0  }
0x2b: {  	s18 =	sshra.s32 s18, $0x2;
	[sflag:s10] =	ssyncadd.s32 $0xFFFFF000  }
0x2c: {  	[tilespmem:s15], [sflag:$0x1] =	stream.indirect.gather [hbm4b:s4+s14], $0x20, s18, s14, $0xb8;
	[tilespmem:$0x8700] =	vst v63  }
0x2d: {  	_ =	swait.ge [sflag:s16], $0x1000  }
0x2e: {  	[sflag:s16] =	ssyncset.done $0x0  }
0x2f: {  	s18 =	sadd.s32 $0x1400, s18;
	[sflag:s16] =	ssyncadd.s32 $0xFFFFF000  }
0x30: {  	[spmem:s2] =	stream.indirect.scatter.add.s32 [tilespmem:s15], [sflag:$0x2], $0x20, s18, s14, $0xb8;
	[tilespmem:$0x8700] =	vst v63  }
0x31: {  	_ =	swait.ge [sflag:s10], $0x1000  }
0x32: {  	s17 =	sadd.s32 $0x1, s17;
	[sflag:s10] =	ssyncset.done $0x0  }
0x33: {  	p0 =	sne.s32 s17, s8;
	[sflag:s10] =	ssyncadd.s32 $0xFFFFF000  }
.Ltmp1:
0x34: {  	[bflag:$0x0] =	sbarrier.arrive $0xFFFF;
	(pc) =	sbr.rel @p0 .LBB2_1-.Ltmp1, $4  }
0x35: {  	[hbm:s9], [sflag:s12] =	dma.local [spmem:s13], $0x9E0  }
0x36: {  	_ =	swait.ge [sflag:s10], $0x9E0  }
0x37: {  	[sflag:s10] =	ssyncset.done $0x0  }
0x38: {  	[sflag:s10] =	ssyncadd.s32 $0xFFFFF620  }
0x39: {  	_ =	sfence.sel $0x180000  }
0x3a: {  	[bflag:$0x0] =	sbarrier.arrive $0xFFFF  }
0x3b: {  	p0 =	sne.s32 s0, $0x0;
	_ =	strace $0x9000004A  }
0x3c: {  	s0 =	sadd.s32 @!p0 $0x100000, s1;
	[bflag:$0x2] =	sbarrier.arrive $0xFFFF  }
0x3d: {  	[sflag:s0] =	ssyncadd.tile.s32 @!p0 $0x1;
	_ =	shalt  }
.Lfunc_end2:
_tile_overlayer_lowered:
.L_overlay_start_2:
0x3e: {  	(tag) =	ssettag $0x2  }
0x3f: {  	s0 =	rddreg [dreg:$0x0];
	s2 =	stileid.u32  }
0x40: {  	s1 =	rddreg [dreg:$0x1];
	p0 =	sne.s32 s2, $0x0  }
0x41: {  	s3 =	rddreg [dreg:$0x2];
	[bflag:$0x3] =	sbarrier.arrive $0xFFFF;
	s2 =	simm.s32 @!p0 $0x1C02  }
0x42: {  	[timem:s3], [sflag:s2] =	dma.local @!p0 [hbm:s0], s1  }
0x43: {  	s0 =	simm.s32 @!p0 $0x2  }
0x44: {  	_ =	swait.ge @!p0 [sflag:s0], s1  }
0x45: {  	s1 =	ssub.s32 @!p0 $0x0, s1;
	[sflag:s0] =	ssyncset.done @!p0 $0x0  }
0x46: {  	[sflag:s0] =	ssyncadd.s32 @!p0 s1  }
0x47: {  	[bflag:$0x3] =	sbarrier.arrive $0xFFFF  }
0x48: {  	_ =	shalt  }

// kernel: kernel.21.cloned.1.call-start
scs
__scs_entry_jumppad:
0x0: {  	(pc) =	sbr.rel $0x88, $3  }
0x1: {  	(tag) =	ssettag $0x0;
	lr =	simm.s32 $0x1  }
0x2: {  	[smem:$0x3F8A] =	sst lr;
	_ =	strace $0xD0000000  }
0x3: {  	_ = 	snop  }
0x4: {  	_ = 	snop  }
0x5: {  	_ = 	snop  }
0x6: {  	_ = 	snop  }
0x7: {  	_ = 	snop  }
__scs_overlays_trampoline_lowered:
0x8: {  	[smem:$0x3F99] =	sst s0  }
0x9: {  	[smem:$0x3F9A] =	sst s1  }
0xa: {  	[smem:$0x3F9B] =	sst s2  }
0xb: {  	[smem:$0x3F9C] =	sst s3  }
0xc: {  	[smem:$0x3F9D] =	sst s4  }
0xd: {  	[smem:$0x3F9E] =	sst s5  }
0xe: {  	[smem:$0x3F9F] =	sst s6  }
0xf: {  	[smem:$0x3FA0] =	sst s7  }
0x10: {  	[smem:$0x3FA1] =	sst s8  }
0x11: {  	[smem:$0x3FA2] =	sst s9;
	s0 =	simm.s32 @!p0 $0x0  }
0x12: {  	s1 =	sld [smem:$0x3F88];
	s0 =	simm.s32 @p0 $0x1  }
0x13: {  	[smem:$0x3FA3] =	sst s0;
	s0 =	simm.s32 @!p1 $0x0  }
0x14: {  	s2 =	sld [smem:$0x3F87];
	s0 =	simm.s32 @p1 $0x1  }
0x15: {  	[smem:$0x3FA4] =	sst s0;
	s0 =	simm.s32 @!p2 $0x0  }
0x16: {  	s3 =	sld [smem:$0x3FDB];
	s0 =	simm.s32 @p2 $0x1  }
0x17: {  	s4 =	simm.s32 $0x1BF5;
	[smem:$0x3FA6] =	sst s0  }
0x18: {  	s0 =	sld [smem:$0x3F89];
	_ =	swait.ge [sflag:s4], $0x0  }
0x19: {  	s7 =	sld [smem:$0x3F8A]  }
0x1a: {  	s8 =	sadd.s32 $0xFFFFE003, lr  }
0x1b: {  	s9 =	sadd.s32 $0xFFFFFEF7, lr;
	s5 =	simm.s32 $0xFFFFFFFF;
	p2 =	slt.u32 s8, $0xFFFFF086  }
0x1c: {  	p1 =	slt.u32 s9, $0xF7A;
	s5 =	simm.s32 @!p2 $0x0  }
0x1d: {  	s5 =	simm.s32 @p1 $0x1;
	p0 =	seq.s32 s7, s2  }
0x1e: {  	s7 =	smul.u32 @!p0 $0xF7A, s2;
	p2 =	seq.s32 @!p0 s5, $0x0  }
0x1f: {  	s9 =	smul.u32 $0xF7A, s1;
	s8 =	simm.s32 @!p0 $0x1BF5;
	p2 =	por !p2, p0  }
0x20: {  	[sflag:s8] =	ssyncset.s32 @!p0 $0xFFFFF086;
	s6 =	sadd.s32 @!p0 s3, s7;
	s7 =	simm.s32 @!p0 $0x108  }
0x21: {  	s3 =	sadd.s32 s3, s9;
	s6 =	sadd.s32 @!p0 $0x88, s6;
	s7 =	simm.s32 @p2 $0x1082  }
0x22: {  	[simem:s7], [sflag:s8] =	dma.local @!p0 [hbm:s6], $0xF7A  }
0x23: {  	s9 =	sor.u32 $0xD0000000, s2;
	s6 =	simm.s32 $0x108;
	_ =	swait.ge @!p0 [sflag:s8], $0x0  }
0x24: {  	s3 =	sadd.s32 $0x88, s3;
	s6 =	simm.s32 @!p1 $0x1082;
	[sflag:s4] =	ssyncset.s32 $0xFFFFF086  }
0x25: {  	[simem:s6], [sflag:s4] =	dma.local [hbm:s3], $0xF7A  }
0x26: {  	[smem:$0x3F8A] =	sst s1;
	(tag) =	ssettag s2;
	_ =	strace s9  }
0x27: {  	s1 =	sld [smem:$0x3F9A]  }
0x28: {  	s2 =	sld [smem:$0x3F9B]  }
0x29: {  	s4 =	sld [smem:$0x3F9D]  }
0x2a: {  	p0 =	seq.s32 s5, $0x0;
	s5 =	sld [smem:$0x3F9E]  }
0x2b: {  	s6 =	sld [smem:$0x3F9F]  }
0x2c: {  	s7 =	sld [smem:$0x3FA0]  }
0x2d: {  	s3 =	simm.s32 $0x108;
	s8 =	sld [smem:$0x3FA1]  }
0x2e: {  	s3 =	simm.s32 @!p0 $0x1082;
	s9 =	sld [smem:$0x3FA2]  }
0x2f: {  	lr =	sadd.s32 s0, s3;
	s0 =	sld [smem:$0x3F99]  }
0x30: {  	s3 =	sld [smem:$0x3F9C]  }
0x31: {  	[smem:$0x3FA5] =	sst s10  }
0x32: {  	s10 =	sld [smem:$0x3FA3];
	_ =	sdelay $0x3  }
0x33: {  	p0 =	seq.s32 s10, $0x1;
	s10 =	sld [smem:$0x3FA5];
	_ =	sdelay $0x3  }
0x34: {  	[smem:$0x3FA5] =	sst s10  }
0x35: {  	s10 =	sld [smem:$0x3FA4];
	_ =	sdelay $0x3  }
0x36: {  	p1 =	seq.s32 s10, $0x1;
	s10 =	sld [smem:$0x3FA5];
	_ =	sdelay $0x3  }
0x37: {  	[smem:$0x3FA5] =	sst s10  }
0x38: {  	s10 =	sld [smem:$0x3FA6]  }
0x39: {  	_ = 	snop;
	(pc) =	sbr.ind lr, $3  }
0x3a: {  	_ = 	snop  }
0x3b: {  	_ = 	snop  }
0x3c: {  	p2 =	seq.s32 s10, $0x1;
	s10 =	sld [smem:$0x3FA5]  }
0x3d: {  	_ =	shalt  }
0x3e: {  	_ =	shalt  }
0x3f: {  	_ =	shalt  }
0x40: {  	_ =	shalt  }
0x41: {  	_ =	shalt  }
0x42: {  	_ =	shalt  }
0x43: {  	_ =	shalt  }
0x44: {  	_ =	shalt  }
0x45: {  	_ =	shalt  }
0x46: {  	_ =	shalt  }
0x47: {  	_ =	shalt  }
0x48: {  	_ =	shalt  }
0x49: {  	_ =	shalt  }
0x4a: {  	_ =	shalt  }
0x4b: {  	_ =	shalt  }
0x4c: {  	_ =	shalt  }
0x4d: {  	_ =	shalt  }
0x4e: {  	_ =	shalt  }
0x4f: {  	_ =	shalt  }
0x50: {  	_ =	shalt  }
0x51: {  	_ =	shalt  }
0x52: {  	_ =	shalt  }
0x53: {  	_ =	shalt  }
0x54: {  	_ =	shalt  }
0x55: {  	_ =	shalt  }
0x56: {  	_ =	shalt  }
0x57: {  	_ =	shalt  }
0x58: {  	_ =	shalt  }
0x59: {  	_ =	shalt  }
0x5a: {  	_ =	shalt  }
0x5b: {  	_ =	shalt  }
0x5c: {  	_ =	shalt  }
0x5d: {  	_ =	shalt  }
0x5e: {  	_ =	shalt  }
0x5f: {  	_ =	shalt  }
0x60: {  	_ =	shalt  }
0x61: {  	_ =	shalt  }
0x62: {  	_ =	shalt  }
0x63: {  	_ =	shalt  }
0x64: {  	_ =	shalt  }
0x65: {  	_ =	shalt  }
0x66: {  	_ =	shalt  }
0x67: {  	_ =	shalt  }
0x68: {  	_ =	shalt  }
0x69: {  	_ =	shalt  }
0x6a: {  	_ =	shalt  }
0x6b: {  	_ =	shalt  }
0x6c: {  	_ =	shalt  }
0x6d: {  	_ =	shalt  }
0x6e: {  	_ =	shalt  }
0x6f: {  	_ =	shalt  }
0x70: {  	_ =	shalt  }
0x71: {  	_ =	shalt  }
0x72: {  	_ =	shalt  }
0x73: {  	_ =	shalt  }
0x74: {  	_ =	shalt  }
0x75: {  	_ =	shalt  }
0x76: {  	_ =	shalt  }
0x77: {  	_ =	shalt  }
0x78: {  	_ =	shalt  }
0x79: {  	_ =	shalt  }
0x7a: {  	_ =	shalt  }
0x7b: {  	_ =	shalt  }
0x7c: {  	_ =	shalt  }
0x7d: {  	_ =	shalt  }
0x7e: {  	_ =	shalt  }
0x7f: {  	_ =	shalt  }
0x80: {  	_ =	shalt  }
0x81: {  	_ =	shalt  }
0x82: {  	_ =	shalt  }
0x83: {  	_ =	shalt  }
0x84: {  	_ =	shalt  }
0x85: {  	_ =	shalt  }
0x86: {  	_ =	shalt  }
0x87: {  	_ =	shalt  }
.Lfunc_end0:
.L_simem_size_0:
called_computation.2_lowered:
.L_overlay_start_0:
0x88: {  	s2 =	sld [smem:$0x3FD9]  }
0x89: {  	s3 =	sld [smem:$0x3FFE];
	_ =	sdelay $0x1  }
0x8a: {  	s1 =	srdreg.scid  }
0x8b: {  	s0 =	sand.u32 $0x1, s1  }
0x8c: {  	s16 =	sshll.u32 s0, $0xA;
	s2 =	sadd.s32 s3, s2  }
0x8d: {  	s2 =	sadd.s32 s2, s16  }
0x8e: {  	[smem:$0x3FB1] =	sst s2  }
0x8f: {  	_ = 	snop  }
0x90: {  	(tm) =	ssettm $0x1  }
0x91: {  	s17 =	sld [smem:$0x3FFB];
	_ =	sdelay $0x3  }
0x92: {  	_ =	strace s17  }
0x93: {  	s2 =	sld [smem:$0x3FFC];
	_ =	sdelay $0x3  }
0x94: {  	_ =	strace s2  }
0x95: {  	s2 =	sld [smem:$0x3FFD];
	_ =	sdelay $0x3  }
0x96: {  	_ =	strace s2  }
0x97: {  	_ =	strace $0x8FFFFFFF  }
0x98: {  	s18 =	sld [smem:$0x3FDB];
	_ =	sdelay $0x1  }
0x99: {  	s19 =	simm.s32 $_scs_section_size  }
0x9a: {  	s4 =	simm.s32 $_size__tile_overlayer_lowered;
	s5 =	simm.s32 $_tile_overlayer_lowered  }
0x9b: {  	s22 =	simm.s32 $0x1BFF;
	s21 =	sshll.u32 s5, $0x1;
	s2 =	sadd.s32 s19, s18  }
0x9c: {  	s6 =	simm.s32 $0x0;
	s20 =	sshll.u32 s4, $0x1;
	s4 =	sadd.s32 s21, s2  }
0x9d: {  	[timem:s6], [sflag:s22] =	dma.local [hbm:s4], s20  }
0x9e: {  	_ =	swait.ge [sflag:s22], s20  }
0x9f: {  	s3 =	ssub.s32 $0x0, s20;
	[sflag:s22] =	ssyncset.done $0x0  }
0xa0: {  	[sflag:s22] =	ssyncadd.s32 s3;
	_ =	sdelay $0x1  }
0xa1: {  	s23 =	simm.s32 $0x1B8B  }
0xa2: {  	_ =	swait.ge [sflag:s23], $0x1  }
0xa3: {  	[sflag:s23] =	ssyncset.done $0x0  }
0xa4: {  	s25 =	simm.s32 $0x1B8E;
	s24 =	sld [smem:$0x3FFE];
	[sflag:s23] =	ssyncadd.s32 $0xFFFFFFFF  }
0xa5: {  	s26 =	simm.s32 $execute0_lowered;
	[smem:$0x3FD2] =	sst s25  }
0xa6: {  	s4 =	sshll.u32 s26, $0x1;
	_ =	strace $0x8000004C;
	[dreg:$0x1] =	wrdreg $0xFFFFFFFF  }
0xa7: {  	s28 =	simm.s32 $_size_execute0_lowered;
	s2 =	sadd.s32 s2, s4;
	[dreg:$0x0] =	wrdreg $0x0  }
0xa8: {  	s4 =	sshll.u32 s28, $0x1;
	[dreg:$0x2] =	wrdreg s2  }
0xa9: {  	[dreg:$0x3] =	wrdreg s4  }
0xaa: {  	[dreg:$0x4] =	wrdreg $0xC0  }
0xab: {  	_ =	task [dreg:s6], $0x5FFFF  }
0xac: {  	[dreg:$0x1] =	wrdreg $0xFFFFFFFF  }
0xad: {  	[dreg:$0x0] =	wrdreg $0x60  }
0xae: {  	[dreg:$0x2] =	wrdreg s24  }
0xaf: {  	[dreg:$0x3] =	wrdreg $0x90000  }
0xb0: {  	[dreg:$0x4] =	wrdreg $0x9  }
0xb1: {  	_ =	task.clear_ibuf [dreg:s6], $0x5FFFF;
	_ =	strace $0x9000004C  }
0xb2: {  	s29 =	simm.s32 $0x9;
	_ =	strace $0x8000004E  }
0xb3: {  	_ =	swait.ge [sflag:s29], $0x1  }
0xb4: {  	[sflag:s29] =	ssyncadd.s32 $0xFFFFFFFF  }
0xb5: {  	_ =	strace $0x9000004E  }
0xb6: {  	_ =	sfence  }
0xb7: {  	s30 =	sld [smem:$0x0];
	_ =	sdelay $0x2  }
0xb8: {  	s31 =	sshll.u32 s1, $0xD;
	s1 =	sshrl.u32 s1, $0x2  }
0xb9: {  	s3 =	sand.u32 $0x4000, s31;
	s1 =	sadd.s32 s1, s30  }
0xba: {  	s0 =	sor.u32 s3, s0;
	s1 =	sshll.u32 s1, $0x11  }
0xbb: {  	s0 =	sor.u32 s1, s0  }
0xbc: {  	s0 =	sadd.s32 $0x8F2B, s0  }
0xbd: {  	[sflag:s0] =	ssyncadd.remote.s32 $0x1  }
0xbe: {  	_ =	sfence.sel $0xFFFF  }
0xbf: {  	[dreg:$0x0] =	wrdreg $0xFFFFFFFF;
	(pc) =	sbr.abs _section_cstart, $3  }
0xc0: {  	[dreg:$0x1] =	wrdreg $0xFFFFFFFF  }
0xc1: {  	_ =	task.clear_ibuf [dreg:s6], $0x2FFFF;
	_ =	strace $0x9FFFFFFF  }
0xc2: {  	(tm) =	ssettm $0x7FFFFFFF  }
0xc3: {  	_ =	shalt  }
tec
execute0_lowered:
.L_overlay_start_1:
0x0: {  	(tag) =	ssettag $0x1  }
0x1: {  	s8 =	rddreg [dreg:$0x0]  }
0x2: {  	s2 =	rddreg [dreg:$0x1]  }
0x3: {  	s0 =	rddreg [dreg:$0x2];
	s3 =	simm.s32 $0x0  }
0x4: {  	s1 =	stileid.u32;
	s7 =	srdreg.scid;
	s14 =	simm.s32 $0x2800  }
0x5: {  	s17 =	simm.s32 $0x80;
	s18 =	simm.s32 $0x5000;
	s19 =	simm.s32 $0x1  }
0x6: {  	s20 =	simm.s32 $0x0;
	[smem:$0x7FF] =	sst s3;
	s6 =	smul.u32 $0x500, s1  }
0x7: {  	s4 =	sadd.s32 $0x61800, s8;
	s5 =	sadd.s32 $0x89000, s8;
	s13 =	sand.u32 $0x1, s7  }
0x8: {  	s11 =	smul.u32 $0x4F000, s1;
	s7 =	sadd.s32 $0xB3000, s8;
	s15 =	sshll.u32 s1, $0x6  }
0x9: {  	_ =	strace $0x8000004D;
	s9 =	ssub.s32 $0x2, s13;
	p0 =	sne.s32 s13, $0x0  }
.Ltmp0:
0xa: {  	s13 =	simm.s32 $0x2;
	s15 =	sor.u32 $0x1C02, s15;
	(pc) =	sbr.rel .LBB2_1-.Ltmp0, $4  }
0xb: {  	s10 =	sadd.s32 s6, s8;
	s6 =	sadd.s32 $0xB0800, s8;
	s12 =	sshrl.u32 s9, $0x1  }
0xc: {  	s8 =	sadd.s32 $0xDA800, s8;
	s11 =	sshrl.u32 s11, $0x2;
	s12 =	ssub.s32 s9, s12  }
0xd: {  	s9 =	sadd.s32 $0x5C800, s10;
	s10 =	sadd.s32 $0x57800, s10;
	s16 =	sadd.s32 s11, s2  }
0xe: {  	s11 =	smul.u32 $0x2780, s1;
	s12 =	smax.u32 s12, $0x1;
	s16 =	sshrl.u32 s16, $0x3  }
.LBB2_7:
0xf: {  	s21 =	sshra.s32 s21, $0x2;
	[sflag:s13] =	ssyncadd.s32 $0xFFFFC000  }
0x10: {  	[tilespmem:s18], [sflag:$0x1] =	stream.indirect.gather [hbm4b:s5+s17], $0x80, s21, s17, $0xb8;
	[tilespmem:$0x1CC00] =	vst v63  }
0x11: {  	_ =	swait.ge [sflag:s19], $0x4000  }
0x12: {  	[sflag:s19] =	ssyncset.done $0x0  }
0x13: {  	s21 =	sadd.s32 $0x2800, s21;
	[sflag:s19] =	ssyncadd.s32 $0xFFFFC000  }
0x14: {  	[spmem:s2] =	stream.indirect.scatter.add.s32 [tilespmem:s18], [sflag:$0x2], $0x80, s21, s17, $0xb8;
	[tilespmem:$0x1CC00] =	vst v63  }
0x15: {  	_ =	swait.ge [sflag:s13], $0x4000  }
0x16: {  	[sflag:s13] =	ssyncset.done $0x0  }
0x17: {  	s21 =	smov.u32 s8;
	[sflag:s13] =	ssyncadd.s32 $0xFFFFC000  }
.LBB2_8:
0x18: {  	s20 =	sadd.s32 $0x1, s20  }
0x19: {  	p1 =	sne.s32 s20, s12  }
.Ltmp1:
0x1a: {  	s21 =	sadd.s32 s21, s11;
	[bflag:$0x0] =	sbarrier.arrive $0xFFFF;
	(pc) =	sbr.rel @!p1 .LBB2_9-.Ltmp1, $4  }
0x1b: {  	[hbm:s21], [sflag:s15] =	dma.local [spmem:s16], $0x2780  }
0x1c: {  	_ =	swait.ge [sflag:s13], $0x2780  }
0x1d: {  	[sflag:s13] =	ssyncset.done $0x0  }
0x1e: {  	[sflag:s13] =	ssyncadd.s32 $0xFFFFD880  }
.LBB2_1:
0x1f: {  	[tilespmem:s3], [sflag:$0x2] =	stream.linear.gather [hbm4b:s9+s3], $0x2780, $0x38;
	[tilespmem:$0x1CC00] =	vst v63  }
0x20: {  	_ =	swait.ge [sflag:s13], $0x2780  }
0x21: {  	[sflag:s13] =	ssyncset.done $0x0  }
0x22: {  	[sflag:s13] =	ssyncadd.s32 $0xFFFFD880  }
0x23: {  	[tilespmem:s14], [sflag:$0x2] =	stream.linear.gather [hbm4b:s10+s3], $0x2780, $0x38;
	[tilespmem:$0x1CC00] =	vst v63  }
0x24: {  	_ =	swait.ge [sflag:s13], $0x2780  }
0x25: {  	[sflag:s13] =	ssyncset.done $0x0  }
0x26: {  	[sflag:s13] =	ssyncadd.s32 $0xFFFFD880  }
0x27: {  	[spmem:s16], [sflag:s15] =	dma.local [hbm:s6], $0x2780  }
.Ltmp2:
0x28: {  	_ =	swait.ge [sflag:s13], $0x2780;
	(pc) =	sbr.rel @p0 .LBB2_5-.Ltmp2, $4  }
0x29: {  	[sflag:s13] =	ssyncset.done $0x0  }
0x2a: {  	[sflag:s13] =	ssyncadd.s32 $0xFFFFD880  }
0x2b: {  	[bflag:$0x0] =	sbarrier.arrive $0xFFFF  }
0x2c: {  	s21 =	simm.s32 $0x0  }
0x2d: {  	[tilespmem:s18], [sflag:$0x1] =	stream.indirect.gather [hbm4b:s4+s17], $0x80, s21, s17, $0xb8;
	[tilespmem:$0x1CC00] =	vst v63  }
0x2e: {  	_ =	swait.ge [sflag:s19], $0x4000  }
0x2f: {  	[sflag:s19] =	ssyncset.done $0x0  }
0x30: {  	s31 =	simm.s32 $0x2800;
	[sflag:s19] =	ssyncadd.s32 $0xFFFFC000  }
0x31: {  	[spmem:s2] =	stream.indirect.scatter.add.s32 [tilespmem:s18], [sflag:$0x2], $0x80, s31, s17, $0xb8;
	[tilespmem:$0x1CC00] =	vst v63  }
0x32: {  	_ =	swait.ge [sflag:s13], $0x4000  }
0x33: {  	s21 =	simm.s32 $0x200;
	s22 =	simm.s32 $0x400;
	[sflag:s13] =	ssyncset.done $0x0  }
.LBB2_3:
0x34: {  	s23 =	sshra.s32 s21, $0x2  }
0x35: {  	[sflag:s13] =	ssyncadd.s32 $0xFFFFC000;
	s21 =	smov.u32 s22;
	s24 =	sadd.s32 $0x200, s22  }
0x36: {  	[tilespmem:s18], [sflag:$0x1] =	stream.indirect.gather [hbm4b:s4+s17], $0x80, s23, s17, $0xb8;
	[tilespmem:$0x1CC00] =	vst v63  }
0x37: {  	p1 =	seq.s32 s22, $0x9C00;
	_ =	swait.ge [sflag:s19], $0x4000  }
.Ltmp3:
0x38: {  	[sflag:s19] =	ssyncset.done $0x0;
	(pc) =	sbr.rel @!p1 .LBB2_3-.Ltmp3, $4  }
0x39: {  	s22 =	sadd.s32 $0x2800, s23;
	[sflag:s19] =	ssyncadd.s32 $0xFFFFC000  }
0x3a: {  	[spmem:s2] =	stream.indirect.scatter.add.s32 [tilespmem:s18], [sflag:$0x2], $0x80, s22, s17, $0xb8;
	[tilespmem:$0x1CC00] =	vst v63  }
0x3b: {  	_ =	swait.ge [sflag:s13], $0x4000  }
0x3c: {  	s22 =	smov.u32 s24;
	[sflag:s13] =	ssyncset.done $0x0  }
0x3d: {  	s21 =	sshra.s32 s21, $0x2;
	[sflag:s13] =	ssyncadd.s32 $0xFFFFC000  }
0x3e: {  	[tilespmem:s18], [sflag:$0x1] =	stream.indirect.gather [hbm4b:s4+s17], $0x80, s21, s17, $0xb8;
	[tilespmem:$0x1CC00] =	vst v63  }
0x3f: {  	_ =	swait.ge [sflag:s19], $0x4000  }
0x40: {  	[sflag:s19] =	ssyncset.done $0x0  }
.Ltmp4:
0x41: {  	s21 =	sadd.s32 $0x2800, s21;
	[sflag:s19] =	ssyncadd.s32 $0xFFFFC000;
	(pc) =	sbr.rel .LBB2_8-.Ltmp4, $4  }
0x42: {  	[spmem:s2] =	stream.indirect.scatter.add.s32 [tilespmem:s18], [sflag:$0x2], $0x80, s21, s17, $0xb8;
	[tilespmem:$0x1CC00] =	vst v63  }
0x43: {  	_ =	swait.ge [sflag:s13], $0x4000  }
0x44: {  	[sflag:s13] =	ssyncset.done $0x0  }
0x45: {  	s21 =	smov.u32 s7;
	[sflag:s13] =	ssyncadd.s32 $0xFFFFC000  }
.LBB2_5:
0x46: {  	[tilespmem:s18], [sflag:$0x1] =	stream.indirect.gather [hbm4b:s5+s17], $0x80, s21, s17, $0xb8;
	[tilespmem:$0x1CC00] =	vst v63  }
0x47: {  	_ =	swait.ge [sflag:s19], $0x4000  }
0x48: {  	[sflag:s19] =	ssyncset.done $0x0  }
0x49: {  	s31 =	simm.s32 $0x2800;
	[sflag:s19] =	ssyncadd.s32 $0xFFFFC000  }
0x4a: {  	[spmem:s2] =	stream.indirect.scatter.add.s32 [tilespmem:s18], [sflag:$0x2], $0x80, s31, s17, $0xb8;
	[tilespmem:$0x1CC00] =	vst v63  }
0x4b: {  	_ =	swait.ge [sflag:s13], $0x4000  }
0x4c: {  	s21 =	simm.s32 $0x200;
	s22 =	simm.s32 $0x400;
	[sflag:s13] =	ssyncset.done $0x0  }
.LBB2_6:
0x4d: {  	s23 =	sshra.s32 s21, $0x2  }
0x4e: {  	[sflag:s13] =	ssyncadd.s32 $0xFFFFC000;
	s21 =	smov.u32 s22;
	s24 =	sadd.s32 $0x200, s22  }
0x4f: {  	[tilespmem:s18], [sflag:$0x1] =	stream.indirect.gather [hbm4b:s5+s17], $0x80, s23, s17, $0xb8;
	[tilespmem:$0x1CC00] =	vst v63  }
0x50: {  	p1 =	sne.s32 s22, $0x9C00;
	_ =	swait.ge [sflag:s19], $0x4000  }
.Ltmp5:
0x51: {  	[sflag:s19] =	ssyncset.done $0x0;
	(pc) =	sbr.rel @p1 .LBB2_6-.Ltmp5, $4  }
0x52: {  	s22 =	sadd.s32 $0x2800, s23;
	[sflag:s19] =	ssyncadd.s32 $0xFFFFC000  }
0x53: {  	[spmem:s2] =	stream.indirect.scatter.add.s32 [tilespmem:s18], [sflag:$0x2], $0x80, s22, s17, $0xb8;
	[tilespmem:$0x1CC00] =	vst v63  }
0x54: {  	_ =	swait.ge [sflag:s13], $0x4000  }
0x55: {  	s22 =	smov.u32 s24;
	[sflag:s13] =	ssyncset.done $0x0  }
.Ltmp6:
0x56: {  	_ = 	snop;
	(pc) =	sbr.rel .LBB2_7-.Ltmp6, $1  }
0x57: {  	_ =	sdelay $0x3  }
.LBB2_9:
0x58: {  	_ =	sfence.sel $0x180000  }
0x59: {  	[bflag:$0x0] =	sbarrier.arrive $0xFFFF  }
0x5a: {  	p0 =	sne.s32 s1, $0x0;
	_ =	strace $0x9000004D  }
0x5b: {  	s0 =	sadd.s32 @!p0 $0x100000, s0;
	[bflag:$0x2] =	sbarrier.arrive $0xFFFF  }
0x5c: {  	[sflag:s0] =	ssyncadd.tile.s32 @!p0 $0x1;
	_ =	shalt  }
.Lfunc_end2:
_tile_overlayer_lowered:
.L_overlay_start_2:
0x5d: {  	(tag) =	ssettag $0x2  }
0x5e: {  	s0 =	rddreg [dreg:$0x0];
	s2 =	stileid.u32  }
0x5f: {  	s1 =	rddreg [dreg:$0x1];
	p0 =	sne.s32 s2, $0x0  }
0x60: {  	s3 =	rddreg [dreg:$0x2];
	[bflag:$0x3] =	sbarrier.arrive $0xFFFF;
	s2 =	simm.s32 @!p0 $0x1C02  }
0x61: {  	[timem:s3], [sflag:s2] =	dma.local @!p0 [hbm:s0], s1  }
0x62: {  	s0 =	simm.s32 @!p0 $0x2  }
0x63: {  	_ =	swait.ge @!p0 [sflag:s0], s1  }
0x64: {  	s1 =	ssub.s32 @!p0 $0x0, s1;
	[sflag:s0] =	ssyncset.done @!p0 $0x0  }
0x65: {  	[sflag:s0] =	ssyncadd.s32 @!p0 s1  }
0x66: {  	[bflag:$0x3] =	sbarrier.arrive $0xFFFF  }
0x67: {  	_ =	shalt  }

// kernel: kernel.24.cloned.1.call-start
scs
__scs_entry_jumppad:
0x0: {  	(pc) =	sbr.rel $0x88, $3  }
0x1: {  	(tag) =	ssettag $0x0;
	lr =	simm.s32 $0x1  }
0x2: {  	[smem:$0x3F8A] =	sst lr;
	_ =	strace $0xD0000000  }
0x3: {  	_ = 	snop  }
0x4: {  	_ = 	snop  }
0x5: {  	_ = 	snop  }
0x6: {  	_ = 	snop  }
0x7: {  	_ = 	snop  }
__scs_overlays_trampoline_lowered:
0x8: {  	[smem:$0x3F99] =	sst s0  }
0x9: {  	[smem:$0x3F9A] =	sst s1  }
0xa: {  	[smem:$0x3F9B] =	sst s2  }
0xb: {  	[smem:$0x3F9C] =	sst s3  }
0xc: {  	[smem:$0x3F9D] =	sst s4  }
0xd: {  	[smem:$0x3F9E] =	sst s5  }
0xe: {  	[smem:$0x3F9F] =	sst s6  }
0xf: {  	[smem:$0x3FA0] =	sst s7  }
0x10: {  	[smem:$0x3FA1] =	sst s8  }
0x11: {  	[smem:$0x3FA2] =	sst s9;
	s0 =	simm.s32 @!p0 $0x0  }
0x12: {  	s1 =	sld [smem:$0x3F88];
	s0 =	simm.s32 @p0 $0x1  }
0x13: {  	[smem:$0x3FA3] =	sst s0;
	s0 =	simm.s32 @!p1 $0x0  }
0x14: {  	s2 =	sld [smem:$0x3F87];
	s0 =	simm.s32 @p1 $0x1  }
0x15: {  	[smem:$0x3FA4] =	sst s0;
	s0 =	simm.s32 @!p2 $0x0  }
0x16: {  	s3 =	sld [smem:$0x3FDB];
	s0 =	simm.s32 @p2 $0x1  }
0x17: {  	s4 =	simm.s32 $0x1BF5;
	[smem:$0x3FA6] =	sst s0  }
0x18: {  	s0 =	sld [smem:$0x3F89];
	_ =	swait.ge [sflag:s4], $0x0  }
0x19: {  	s7 =	sld [smem:$0x3F8A]  }
0x1a: {  	s8 =	sadd.s32 $0xFFFFE003, lr  }
0x1b: {  	s9 =	sadd.s32 $0xFFFFFEF7, lr;
	s5 =	simm.s32 $0xFFFFFFFF;
	p2 =	slt.u32 s8, $0xFFFFF086  }
0x1c: {  	p1 =	slt.u32 s9, $0xF7A;
	s5 =	simm.s32 @!p2 $0x0  }
0x1d: {  	s5 =	simm.s32 @p1 $0x1;
	p0 =	seq.s32 s7, s2  }
0x1e: {  	s7 =	smul.u32 @!p0 $0xF7A, s2;
	p2 =	seq.s32 @!p0 s5, $0x0  }
0x1f: {  	s9 =	smul.u32 $0xF7A, s1;
	s8 =	simm.s32 @!p0 $0x1BF5;
	p2 =	por !p2, p0  }
0x20: {  	[sflag:s8] =	ssyncset.s32 @!p0 $0xFFFFF086;
	s6 =	sadd.s32 @!p0 s3, s7;
	s7 =	simm.s32 @!p0 $0x108  }
0x21: {  	s3 =	sadd.s32 s3, s9;
	s6 =	sadd.s32 @!p0 $0x88, s6;
	s7 =	simm.s32 @p2 $0x1082  }
0x22: {  	[simem:s7], [sflag:s8] =	dma.local @!p0 [hbm:s6], $0xF7A  }
0x23: {  	s9 =	sor.u32 $0xD0000000, s2;
	s6 =	simm.s32 $0x108;
	_ =	swait.ge @!p0 [sflag:s8], $0x0  }
0x24: {  	s3 =	sadd.s32 $0x88, s3;
	s6 =	simm.s32 @!p1 $0x1082;
	[sflag:s4] =	ssyncset.s32 $0xFFFFF086  }
0x25: {  	[simem:s6], [sflag:s4] =	dma.local [hbm:s3], $0xF7A  }
0x26: {  	[smem:$0x3F8A] =	sst s1;
	(tag) =	ssettag s2;
	_ =	strace s9  }
0x27: {  	s1 =	sld [smem:$0x3F9A]  }
0x28: {  	s2 =	sld [smem:$0x3F9B]  }
0x29: {  	s4 =	sld [smem:$0x3F9D]  }
0x2a: {  	p0 =	seq.s32 s5, $0x0;
	s5 =	sld [smem:$0x3F9E]  }
0x2b: {  	s6 =	sld [smem:$0x3F9F]  }
0x2c: {  	s7 =	sld [smem:$0x3FA0]  }
0x2d: {  	s3 =	simm.s32 $0x108;
	s8 =	sld [smem:$0x3FA1]  }
0x2e: {  	s3 =	simm.s32 @!p0 $0x1082;
	s9 =	sld [smem:$0x3FA2]  }
0x2f: {  	lr =	sadd.s32 s0, s3;
	s0 =	sld [smem:$0x3F99]  }
0x30: {  	s3 =	sld [smem:$0x3F9C]  }
0x31: {  	[smem:$0x3FA5] =	sst s10  }
0x32: {  	s10 =	sld [smem:$0x3FA3];
	_ =	sdelay $0x3  }
0x33: {  	p0 =	seq.s32 s10, $0x1;
	s10 =	sld [smem:$0x3FA5];
	_ =	sdelay $0x3  }
0x34: {  	[smem:$0x3FA5] =	sst s10  }
0x35: {  	s10 =	sld [smem:$0x3FA4];
	_ =	sdelay $0x3  }
0x36: {  	p1 =	seq.s32 s10, $0x1;
	s10 =	sld [smem:$0x3FA5];
	_ =	sdelay $0x3  }
0x37: {  	[smem:$0x3FA5] =	sst s10  }
0x38: {  	s10 =	sld [smem:$0x3FA6]  }
0x39: {  	_ = 	snop;
	(pc) =	sbr.ind lr, $3  }
0x3a: {  	_ = 	snop  }
0x3b: {  	_ = 	snop  }
0x3c: {  	p2 =	seq.s32 s10, $0x1;
	s10 =	sld [smem:$0x3FA5]  }
0x3d: {  	_ =	shalt  }
0x3e: {  	_ =	shalt  }
0x3f: {  	_ =	shalt  }
0x40: {  	_ =	shalt  }
0x41: {  	_ =	shalt  }
0x42: {  	_ =	shalt  }
0x43: {  	_ =	shalt  }
0x44: {  	_ =	shalt  }
0x45: {  	_ =	shalt  }
0x46: {  	_ =	shalt  }
0x47: {  	_ =	shalt  }
0x48: {  	_ =	shalt  }
0x49: {  	_ =	shalt  }
0x4a: {  	_ =	shalt  }
0x4b: {  	_ =	shalt  }
0x4c: {  	_ =	shalt  }
0x4d: {  	_ =	shalt  }
0x4e: {  	_ =	shalt  }
0x4f: {  	_ =	shalt  }
0x50: {  	_ =	shalt  }
0x51: {  	_ =	shalt  }
0x52: {  	_ =	shalt  }
0x53: {  	_ =	shalt  }
0x54: {  	_ =	shalt  }
0x55: {  	_ =	shalt  }
0x56: {  	_ =	shalt  }
0x57: {  	_ =	shalt  }
0x58: {  	_ =	shalt  }
0x59: {  	_ =	shalt  }
0x5a: {  	_ =	shalt  }
0x5b: {  	_ =	shalt  }
0x5c: {  	_ =	shalt  }
0x5d: {  	_ =	shalt  }
0x5e: {  	_ =	shalt  }
0x5f: {  	_ =	shalt  }
0x60: {  	_ =	shalt  }
0x61: {  	_ =	shalt  }
0x62: {  	_ =	shalt  }
0x63: {  	_ =	shalt  }
0x64: {  	_ =	shalt  }
0x65: {  	_ =	shalt  }
0x66: {  	_ =	shalt  }
0x67: {  	_ =	shalt  }
0x68: {  	_ =	shalt  }
0x69: {  	_ =	shalt  }
0x6a: {  	_ =	shalt  }
0x6b: {  	_ =	shalt  }
0x6c: {  	_ =	shalt  }
0x6d: {  	_ =	shalt  }
0x6e: {  	_ =	shalt  }
0x6f: {  	_ =	shalt  }
0x70: {  	_ =	shalt  }
0x71: {  	_ =	shalt  }
0x72: {  	_ =	shalt  }
0x73: {  	_ =	shalt  }
0x74: {  	_ =	shalt  }
0x75: {  	_ =	shalt  }
0x76: {  	_ =	shalt  }
0x77: {  	_ =	shalt  }
0x78: {  	_ =	shalt  }
0x79: {  	_ =	shalt  }
0x7a: {  	_ =	shalt  }
0x7b: {  	_ =	shalt  }
0x7c: {  	_ =	shalt  }
0x7d: {  	_ =	shalt  }
0x7e: {  	_ =	shalt  }
0x7f: {  	_ =	shalt  }
0x80: {  	_ =	shalt  }
0x81: {  	_ =	shalt  }
0x82: {  	_ =	shalt  }
0x83: {  	_ =	shalt  }
0x84: {  	_ =	shalt  }
0x85: {  	_ =	shalt  }
0x86: {  	_ =	shalt  }
0x87: {  	_ =	shalt  }
.Lfunc_end0:
.L_simem_size_0:
called_computation.3_lowered:
.L_overlay_start_0:
0x88: {  	s2 =	sld [smem:$0x3FD9]  }
0x89: {  	s3 =	sld [smem:$0x3FFE];
	_ =	sdelay $0x1  }
0x8a: {  	s1 =	srdreg.scid  }
0x8b: {  	s0 =	sand.u32 $0x1, s1  }
0x8c: {  	s16 =	sshll.u32 s0, $0xA;
	s2 =	sadd.s32 s3, s2  }
0x8d: {  	s2 =	sadd.s32 s2, s16  }
0x8e: {  	[smem:$0x3FB1] =	sst s2  }
0x8f: {  	_ = 	snop  }
0x90: {  	(tm) =	ssettm $0x1  }
0x91: {  	s17 =	sld [smem:$0x3FFB];
	_ =	sdelay $0x3  }
0x92: {  	_ =	strace s17  }
0x93: {  	s2 =	sld [smem:$0x3FFC];
	_ =	sdelay $0x3  }
0x94: {  	_ =	strace s2  }
0x95: {  	s2 =	sld [smem:$0x3FFD];
	_ =	sdelay $0x3  }
0x96: {  	_ =	strace s2  }
0x97: {  	_ =	strace $0x8FFFFFFF  }
0x98: {  	s18 =	sld [smem:$0x3FDB];
	_ =	sdelay $0x1  }
0x99: {  	s19 =	simm.s32 $_scs_section_size  }
0x9a: {  	s4 =	simm.s32 $_size__tile_overlayer_lowered;
	s5 =	simm.s32 $_tile_overlayer_lowered  }
0x9b: {  	s22 =	simm.s32 $0x1BFF;
	s21 =	sshll.u32 s5, $0x1;
	s2 =	sadd.s32 s19, s18  }
0x9c: {  	s6 =	simm.s32 $0x0;
	s20 =	sshll.u32 s4, $0x1;
	s4 =	sadd.s32 s21, s2  }
0x9d: {  	[timem:s6], [sflag:s22] =	dma.local [hbm:s4], s20  }
0x9e: {  	_ =	swait.ge [sflag:s22], s20  }
0x9f: {  	s3 =	ssub.s32 $0x0, s20;
	[sflag:s22] =	ssyncset.done $0x0  }
0xa0: {  	[sflag:s22] =	ssyncadd.s32 s3;
	_ =	sdelay $0x1  }
0xa1: {  	s23 =	simm.s32 $0x1B8B  }
0xa2: {  	_ =	swait.ge [sflag:s23], $0x1  }
0xa3: {  	[sflag:s23] =	ssyncset.done $0x0  }
0xa4: {  	s25 =	simm.s32 $0x1B8E;
	s24 =	sld [smem:$0x3FFE];
	[sflag:s23] =	ssyncadd.s32 $0xFFFFFFFF  }
0xa5: {  	s26 =	simm.s32 $execute0_lowered;
	[smem:$0x3FD2] =	sst s25  }
0xa6: {  	s4 =	sshll.u32 s26, $0x1;
	_ =	strace $0x8000004F;
	[dreg:$0x1] =	wrdreg $0xFFFFFFFF  }
0xa7: {  	s28 =	simm.s32 $_size_execute0_lowered;
	s2 =	sadd.s32 s2, s4;
	[dreg:$0x0] =	wrdreg $0x0  }
0xa8: {  	s4 =	sshll.u32 s28, $0x1;
	[dreg:$0x2] =	wrdreg s2  }
0xa9: {  	[dreg:$0x3] =	wrdreg s4  }
0xaa: {  	[dreg:$0x4] =	wrdreg $0xC0  }
0xab: {  	_ =	task [dreg:s6], $0x5FFFF  }
0xac: {  	[dreg:$0x1] =	wrdreg $0xFFFFFFFF  }
0xad: {  	[dreg:$0x0] =	wrdreg $0x60  }
0xae: {  	[dreg:$0x2] =	wrdreg s24  }
0xaf: {  	[dreg:$0x3] =	wrdreg $0x90000  }
0xb0: {  	[dreg:$0x4] =	wrdreg $0x9  }
0xb1: {  	_ =	task.clear_ibuf [dreg:s6], $0x5FFFF;
	_ =	strace $0x9000004F  }
0xb2: {  	s29 =	simm.s32 $0x9;
	_ =	strace $0x80000051  }
0xb3: {  	_ =	swait.ge [sflag:s29], $0x1  }
0xb4: {  	[sflag:s29] =	ssyncadd.s32 $0xFFFFFFFF  }
0xb5: {  	_ =	strace $0x90000051  }
0xb6: {  	_ =	sfence  }
0xb7: {  	s30 =	sld [smem:$0x0];
	_ =	sdelay $0x2  }
0xb8: {  	s31 =	sshll.u32 s1, $0xD;
	s1 =	sshrl.u32 s1, $0x2  }
0xb9: {  	s3 =	sand.u32 $0x4000, s31;
	s1 =	sadd.s32 s1, s30  }
0xba: {  	s0 =	sor.u32 s3, s0;
	s1 =	sshll.u32 s1, $0x11  }
0xbb: {  	s0 =	sor.u32 s1, s0  }
0xbc: {  	s0 =	sadd.s32 $0x8F2B, s0  }
0xbd: {  	[sflag:s0] =	ssyncadd.remote.s32 $0x1  }
0xbe: {  	_ =	sfence.sel $0xFFFF  }
0xbf: {  	[dreg:$0x0] =	wrdreg $0xFFFFFFFF;
	(pc) =	sbr.abs _section_cstart, $3  }
0xc0: {  	[dreg:$0x1] =	wrdreg $0xFFFFFFFF  }
0xc1: {  	_ =	task.clear_ibuf [dreg:s6], $0x2FFFF;
	_ =	strace $0x9FFFFFFF  }
0xc2: {  	(tm) =	ssettm $0x7FFFFFFF  }
0xc3: {  	_ =	shalt  }
tec
execute0_lowered:
.L_overlay_start_1:
0x0: {  	(tag) =	ssettag $0x1  }
0x1: {  	s8 =	rddreg [dreg:$0x0]  }
0x2: {  	s2 =	rddreg [dreg:$0x1]  }
0x3: {  	s0 =	rddreg [dreg:$0x2];
	s3 =	simm.s32 $0x0  }
0x4: {  	s1 =	stileid.u32;
	s7 =	srdreg.scid;
	s14 =	simm.s32 $0x2800  }
0x5: {  	s17 =	simm.s32 $0x80;
	s18 =	simm.s32 $0x5000;
	s19 =	simm.s32 $0x1  }
0x6: {  	s20 =	simm.s32 $0x0;
	[smem:$0x7FF] =	sst s3;
	s6 =	smul.u32 $0x500, s1  }
0x7: {  	s4 =	sadd.s32 $0xB3000, s8;
	s5 =	sadd.s32 $0xDA800, s8;
	s13 =	sand.u32 $0x1, s7  }
0x8: {  	s11 =	smul.u32 $0x4F000, s1;
	s7 =	sadd.s32 $0x102000, s8;
	s15 =	sshll.u32 s1, $0x6  }
0x9: {  	_ =	strace $0x80000050;
	s9 =	ssub.s32 $0x2, s13;
	p0 =	sne.s32 s13, $0x0  }
.Ltmp0:
0xa: {  	s13 =	simm.s32 $0x2;
	s15 =	sor.u32 $0x1C02, s15;
	(pc) =	sbr.rel .LBB2_1-.Ltmp0, $4  }
0xb: {  	s10 =	sadd.s32 s6, s8;
	s6 =	sadd.s32 $0xB0800, s8;
	s12 =	sshrl.u32 s9, $0x1  }
0xc: {  	s8 =	sadd.s32 $0x129800, s8;
	s11 =	sshrl.u32 s11, $0x2;
	s12 =	ssub.s32 s9, s12  }
0xd: {  	s9 =	sadd.s32 $0x5C800, s10;
	s10 =	sadd.s32 $0x57800, s10;
	s16 =	sadd.s32 s11, s2  }
0xe: {  	s11 =	smul.u32 $0x2780, s1;
	s12 =	smax.u32 s12, $0x1;
	s16 =	sshrl.u32 s16, $0x3  }
.LBB2_7:
0xf: {  	s21 =	sshra.s32 s21, $0x2;
	[sflag:s13] =	ssyncadd.s32 $0xFFFFC000  }
0x10: {  	[tilespmem:s18], [sflag:$0x1] =	stream.indirect.gather [hbm4b:s5+s17], $0x80, s21, s17, $0xb8;
	[tilespmem:$0x1CC00] =	vst v63  }
0x11: {  	_ =	swait.ge [sflag:s19], $0x4000  }
0x12: {  	[sflag:s19] =	ssyncset.done $0x0  }
0x13: {  	s21 =	sadd.s32 $0x2800, s21;
	[sflag:s19] =	ssyncadd.s32 $0xFFFFC000  }
0x14: {  	[spmem:s2] =	stream.indirect.scatter.add.s32 [tilespmem:s18], [sflag:$0x2], $0x80, s21, s17, $0xb8;
	[tilespmem:$0x1CC00] =	vst v63  }
0x15: {  	_ =	swait.ge [sflag:s13], $0x4000  }
0x16: {  	[sflag:s13] =	ssyncset.done $0x0  }
0x17: {  	s21 =	smov.u32 s8;
	[sflag:s13] =	ssyncadd.s32 $0xFFFFC000  }
.LBB2_8:
0x18: {  	s20 =	sadd.s32 $0x1, s20  }
0x19: {  	p1 =	sne.s32 s20, s12  }
.Ltmp1:
0x1a: {  	s21 =	sadd.s32 s21, s11;
	[bflag:$0x0] =	sbarrier.arrive $0xFFFF;
	(pc) =	sbr.rel @!p1 .LBB2_9-.Ltmp1, $4  }
0x1b: {  	[hbm:s21], [sflag:s15] =	dma.local [spmem:s16], $0x2780  }
0x1c: {  	_ =	swait.ge [sflag:s13], $0x2780  }
0x1d: {  	[sflag:s13] =	ssyncset.done $0x0  }
0x1e: {  	[sflag:s13] =	ssyncadd.s32 $0xFFFFD880  }
.LBB2_1:
0x1f: {  	[tilespmem:s3], [sflag:$0x2] =	stream.linear.gather [hbm4b:s9+s3], $0x2780, $0x38;
	[tilespmem:$0x1CC00] =	vst v63  }
0x20: {  	_ =	swait.ge [sflag:s13], $0x2780  }
0x21: {  	[sflag:s13] =	ssyncset.done $0x0  }
0x22: {  	[sflag:s13] =	ssyncadd.s32 $0xFFFFD880  }
0x23: {  	[tilespmem:s14], [sflag:$0x2] =	stream.linear.gather [hbm4b:s10+s3], $0x2780, $0x38;
	[tilespmem:$0x1CC00] =	vst v63  }
0x24: {  	_ =	swait.ge [sflag:s13], $0x2780  }
0x25: {  	[sflag:s13] =	ssyncset.done $0x0  }
0x26: {  	[sflag:s13] =	ssyncadd.s32 $0xFFFFD880  }
0x27: {  	[spmem:s16], [sflag:s15] =	dma.local [hbm:s6], $0x2780  }
.Ltmp2:
0x28: {  	_ =	swait.ge [sflag:s13], $0x2780;
	(pc) =	sbr.rel @p0 .LBB2_5-.Ltmp2, $4  }
0x29: {  	[sflag:s13] =	ssyncset.done $0x0  }
0x2a: {  	[sflag:s13] =	ssyncadd.s32 $0xFFFFD880  }
0x2b: {  	[bflag:$0x0] =	sbarrier.arrive $0xFFFF  }
0x2c: {  	s21 =	simm.s32 $0x0  }
0x2d: {  	[tilespmem:s18], [sflag:$0x1] =	stream.indirect.gather [hbm4b:s4+s17], $0x80, s21, s17, $0xb8;
	[tilespmem:$0x1CC00] =	vst v63  }
0x2e: {  	_ =	swait.ge [sflag:s19], $0x4000  }
0x2f: {  	[sflag:s19] =	ssyncset.done $0x0  }
0x30: {  	s31 =	simm.s32 $0x2800;
	[sflag:s19] =	ssyncadd.s32 $0xFFFFC000  }
0x31: {  	[spmem:s2] =	stream.indirect.scatter.add.s32 [tilespmem:s18], [sflag:$0x2], $0x80, s31, s17, $0xb8;
	[tilespmem:$0x1CC00] =	vst v63  }
0x32: {  	_ =	swait.ge [sflag:s13], $0x4000  }
0x33: {  	s21 =	simm.s32 $0x200;
	s22 =	simm.s32 $0x400;
	[sflag:s13] =	ssyncset.done $0x0  }
.LBB2_3:
0x34: {  	s23 =	sshra.s32 s21, $0x2  }
0x35: {  	[sflag:s13] =	ssyncadd.s32 $0xFFFFC000;
	s21 =	smov.u32 s22;
	s24 =	sadd.s32 $0x200, s22  }
0x36: {  	[tilespmem:s18], [sflag:$0x1] =	stream.indirect.gather [hbm4b:s4+s17], $0x80, s23, s17, $0xb8;
	[tilespmem:$0x1CC00] =	vst v63  }
0x37: {  	p1 =	seq.s32 s22, $0x9C00;
	_ =	swait.ge [sflag:s19], $0x4000  }
.Ltmp3:
0x38: {  	[sflag:s19] =	ssyncset.done $0x0;
	(pc) =	sbr.rel @!p1 .LBB2_3-.Ltmp3, $4  }
0x39: {  	s22 =	sadd.s32 $0x2800, s23;
	[sflag:s19] =	ssyncadd.s32 $0xFFFFC000  }
0x3a: {  	[spmem:s2] =	stream.indirect.scatter.add.s32 [tilespmem:s18], [sflag:$0x2], $0x80, s22, s17, $0xb8;
	[tilespmem:$0x1CC00] =	vst v63  }
0x3b: {  	_ =	swait.ge [sflag:s13], $0x4000  }
0x3c: {  	s22 =	smov.u32 s24;
	[sflag:s13] =	ssyncset.done $0x0  }
0x3d: {  	s21 =	sshra.s32 s21, $0x2;
	[sflag:s13] =	ssyncadd.s32 $0xFFFFC000  }
0x3e: {  	[tilespmem:s18], [sflag:$0x1] =	stream.indirect.gather [hbm4b:s4+s17], $0x80, s21, s17, $0xb8;
	[tilespmem:$0x1CC00] =	vst v63  }
0x3f: {  	_ =	swait.ge [sflag:s19], $0x4000  }
0x40: {  	[sflag:s19] =	ssyncset.done $0x0  }
.Ltmp4:
0x41: {  	s21 =	sadd.s32 $0x2800, s21;
	[sflag:s19] =	ssyncadd.s32 $0xFFFFC000;
	(pc) =	sbr.rel .LBB2_8-.Ltmp4, $4  }
0x42: {  	[spmem:s2] =	stream.indirect.scatter.add.s32 [tilespmem:s18], [sflag:$0x2], $0x80, s21, s17, $0xb8;
	[tilespmem:$0x1CC00] =	vst v63  }
0x43: {  	_ =	swait.ge [sflag:s13], $0x4000  }
0x44: {  	[sflag:s13] =	ssyncset.done $0x0  }
0x45: {  	s21 =	smov.u32 s7;
	[sflag:s13] =	ssyncadd.s32 $0xFFFFC000  }
.LBB2_5:
0x46: {  	[tilespmem:s18], [sflag:$0x1] =	stream.indirect.gather [hbm4b:s5+s17], $0x80, s21, s17, $0xb8;
	[tilespmem:$0x1CC00] =	vst v63  }
0x47: {  	_ =	swait.ge [sflag:s19], $0x4000  }
0x48: {  	[sflag:s19] =	ssyncset.done $0x0  }
0x49: {  	s31 =	simm.s32 $0x2800;
	[sflag:s19] =	ssyncadd.s32 $0xFFFFC000  }
0x4a: {  	[spmem:s2] =	stream.indirect.scatter.add.s32 [tilespmem:s18], [sflag:$0x2], $0x80, s31, s17, $0xb8;
	[tilespmem:$0x1CC00] =	vst v63  }
0x4b: {  	_ =	swait.ge [sflag:s13], $0x4000  }
0x4c: {  	s21 =	simm.s32 $0x200;
	s22 =	simm.s32 $0x400;
	[sflag:s13] =	ssyncset.done $0x0  }
.LBB2_6:
0x4d: {  	s23 =	sshra.s32 s21, $0x2  }
0x4e: {  	[sflag:s13] =	ssyncadd.s32 $0xFFFFC000;
	s21 =	smov.u32 s22;
	s24 =	sadd.s32 $0x200, s22  }
0x4f: {  	[tilespmem:s18], [sflag:$0x1] =	stream.indirect.gather [hbm4b:s5+s17], $0x80, s23, s17, $0xb8;
	[tilespmem:$0x1CC00] =	vst v63  }
0x50: {  	p1 =	sne.s32 s22, $0x9C00;
	_ =	swait.ge [sflag:s19], $0x4000  }
.Ltmp5:
0x51: {  	[sflag:s19] =	ssyncset.done $0x0;
	(pc) =	sbr.rel @p1 .LBB2_6-.Ltmp5, $4  }
0x52: {  	s22 =	sadd.s32 $0x2800, s23;
	[sflag:s19] =	ssyncadd.s32 $0xFFFFC000  }
0x53: {  	[spmem:s2] =	stream.indirect.scatter.add.s32 [tilespmem:s18], [sflag:$0x2], $0x80, s22, s17, $0xb8;
	[tilespmem:$0x1CC00] =	vst v63  }
0x54: {  	_ =	swait.ge [sflag:s13], $0x4000  }
0x55: {  	s22 =	smov.u32 s24;
	[sflag:s13] =	ssyncset.done $0x0  }
.Ltmp6:
0x56: {  	_ = 	snop;
	(pc) =	sbr.rel .LBB2_7-.Ltmp6, $1  }
0x57: {  	_ =	sdelay $0x3  }
.LBB2_9:
0x58: {  	_ =	sfence.sel $0x180000  }
0x59: {  	[bflag:$0x0] =	sbarrier.arrive $0xFFFF  }
0x5a: {  	p0 =	sne.s32 s1, $0x0;
	_ =	strace $0x90000050  }
0x5b: {  	s0 =	sadd.s32 @!p0 $0x100000, s0;
	[bflag:$0x2] =	sbarrier.arrive $0xFFFF  }
0x5c: {  	[sflag:s0] =	ssyncadd.tile.s32 @!p0 $0x1;
	_ =	shalt  }
.Lfunc_end2:
_tile_overlayer_lowered:
.L_overlay_start_2:
0x5d: {  	(tag) =	ssettag $0x2  }
0x5e: {  	s0 =	rddreg [dreg:$0x0];
	s2 =	stileid.u32  }
0x5f: {  	s1 =	rddreg [dreg:$0x1];
	p0 =	sne.s32 s2, $0x0  }
0x60: {  	s3 =	rddreg [dreg:$0x2];
	[bflag:$0x3] =	sbarrier.arrive $0xFFFF;
	s2 =	simm.s32 @!p0 $0x1C02  }
0x61: {  	[timem:s3], [sflag:s2] =	dma.local @!p0 [hbm:s0], s1  }
0x62: {  	s0 =	simm.s32 @!p0 $0x2  }
0x63: {  	_ =	swait.ge @!p0 [sflag:s0], s1  }
0x64: {  	s1 =	ssub.s32 @!p0 $0x0, s1;
	[sflag:s0] =	ssyncset.done @!p0 $0x0  }
0x65: {  	[sflag:s0] =	ssyncadd.s32 @!p0 s1  }
0x66: {  	[bflag:$0x3] =	sbarrier.arrive $0xFFFF  }
0x67: {  	_ =	shalt  }

// kernel: kernel.27.cloned.1.call-start
scs
__scs_entry_jumppad:
0x0: {  	(pc) =	sbr.rel $0x88, $3  }
0x1: {  	(tag) =	ssettag $0x0;
	lr =	simm.s32 $0x1  }
0x2: {  	[smem:$0x3F8A] =	sst lr;
	_ =	strace $0xD0000000  }
0x3: {  	_ = 	snop  }
0x4: {  	_ = 	snop  }
0x5: {  	_ = 	snop  }
0x6: {  	_ = 	snop  }
0x7: {  	_ = 	snop  }
__scs_overlays_trampoline_lowered:
0x8: {  	[smem:$0x3F99] =	sst s0  }
0x9: {  	[smem:$0x3F9A] =	sst s1  }
0xa: {  	[smem:$0x3F9B] =	sst s2  }
0xb: {  	[smem:$0x3F9C] =	sst s3  }
0xc: {  	[smem:$0x3F9D] =	sst s4  }
0xd: {  	[smem:$0x3F9E] =	sst s5  }
0xe: {  	[smem:$0x3F9F] =	sst s6  }
0xf: {  	[smem:$0x3FA0] =	sst s7  }
0x10: {  	[smem:$0x3FA1] =	sst s8  }
0x11: {  	[smem:$0x3FA2] =	sst s9;
	s0 =	simm.s32 @!p0 $0x0  }
0x12: {  	s1 =	sld [smem:$0x3F88];
	s0 =	simm.s32 @p0 $0x1  }
0x13: {  	[smem:$0x3FA3] =	sst s0;
	s0 =	simm.s32 @!p1 $0x0  }
0x14: {  	s2 =	sld [smem:$0x3F87];
	s0 =	simm.s32 @p1 $0x1  }
0x15: {  	[smem:$0x3FA4] =	sst s0;
	s0 =	simm.s32 @!p2 $0x0  }
0x16: {  	s3 =	sld [smem:$0x3FDB];
	s0 =	simm.s32 @p2 $0x1  }
0x17: {  	s4 =	simm.s32 $0x1BF5;
	[smem:$0x3FA6] =	sst s0  }
0x18: {  	s0 =	sld [smem:$0x3F89];
	_ =	swait.ge [sflag:s4], $0x0  }
0x19: {  	s7 =	sld [smem:$0x3F8A]  }
0x1a: {  	s8 =	sadd.s32 $0xFFFFE003, lr  }
0x1b: {  	s9 =	sadd.s32 $0xFFFFFEF7, lr;
	s5 =	simm.s32 $0xFFFFFFFF;
	p2 =	slt.u32 s8, $0xFFFFF086  }
0x1c: {  	p1 =	slt.u32 s9, $0xF7A;
	s5 =	simm.s32 @!p2 $0x0  }
0x1d: {  	s5 =	simm.s32 @p1 $0x1;
	p0 =	seq.s32 s7, s2  }
0x1e: {  	s7 =	smul.u32 @!p0 $0xF7A, s2;
	p2 =	seq.s32 @!p0 s5, $0x0  }
0x1f: {  	s9 =	smul.u32 $0xF7A, s1;
	s8 =	simm.s32 @!p0 $0x1BF5;
	p2 =	por !p2, p0  }
0x20: {  	[sflag:s8] =	ssyncset.s32 @!p0 $0xFFFFF086;
	s6 =	sadd.s32 @!p0 s3, s7;
	s7 =	simm.s32 @!p0 $0x108  }
0x21: {  	s3 =	sadd.s32 s3, s9;
	s6 =	sadd.s32 @!p0 $0x88, s6;
	s7 =	simm.s32 @p2 $0x1082  }
0x22: {  	[simem:s7], [sflag:s8] =	dma.local @!p0 [hbm:s6], $0xF7A  }
0x23: {  	s9 =	sor.u32 $0xD0000000, s2;
	s6 =	simm.s32 $0x108;
	_ =	swait.ge @!p0 [sflag:s8], $0x0  }
0x24: {  	s3 =	sadd.s32 $0x88, s3;
	s6 =	simm.s32 @!p1 $0x1082;
	[sflag:s4] =	ssyncset.s32 $0xFFFFF086  }
0x25: {  	[simem:s6], [sflag:s4] =	dma.local [hbm:s3], $0xF7A  }
0x26: {  	[smem:$0x3F8A] =	sst s1;
	(tag) =	ssettag s2;
	_ =	strace s9  }
0x27: {  	s1 =	sld [smem:$0x3F9A]  }
0x28: {  	s2 =	sld [smem:$0x3F9B]  }
0x29: {  	s4 =	sld [smem:$0x3F9D]  }
0x2a: {  	p0 =	seq.s32 s5, $0x0;
	s5 =	sld [smem:$0x3F9E]  }
0x2b: {  	s6 =	sld [smem:$0x3F9F]  }
0x2c: {  	s7 =	sld [smem:$0x3FA0]  }
0x2d: {  	s3 =	simm.s32 $0x108;
	s8 =	sld [smem:$0x3FA1]  }
0x2e: {  	s3 =	simm.s32 @!p0 $0x1082;
	s9 =	sld [smem:$0x3FA2]  }
0x2f: {  	lr =	sadd.s32 s0, s3;
	s0 =	sld [smem:$0x3F99]  }
0x30: {  	s3 =	sld [smem:$0x3F9C]  }
0x31: {  	[smem:$0x3FA5] =	sst s10  }
0x32: {  	s10 =	sld [smem:$0x3FA3];
	_ =	sdelay $0x3  }
0x33: {  	p0 =	seq.s32 s10, $0x1;
	s10 =	sld [smem:$0x3FA5];
	_ =	sdelay $0x3  }
0x34: {  	[smem:$0x3FA5] =	sst s10  }
0x35: {  	s10 =	sld [smem:$0x3FA4];
	_ =	sdelay $0x3  }
0x36: {  	p1 =	seq.s32 s10, $0x1;
	s10 =	sld [smem:$0x3FA5];
	_ =	sdelay $0x3  }
0x37: {  	[smem:$0x3FA5] =	sst s10  }
0x38: {  	s10 =	sld [smem:$0x3FA6]  }
0x39: {  	_ = 	snop;
	(pc) =	sbr.ind lr, $3  }
0x3a: {  	_ = 	snop  }
0x3b: {  	_ = 	snop  }
0x3c: {  	p2 =	seq.s32 s10, $0x1;
	s10 =	sld [smem:$0x3FA5]  }
0x3d: {  	_ =	shalt  }
0x3e: {  	_ =	shalt  }
0x3f: {  	_ =	shalt  }
0x40: {  	_ =	shalt  }
0x41: {  	_ =	shalt  }
0x42: {  	_ =	shalt  }
0x43: {  	_ =	shalt  }
0x44: {  	_ =	shalt  }
0x45: {  	_ =	shalt  }
0x46: {  	_ =	shalt  }
0x47: {  	_ =	shalt  }
0x48: {  	_ =	shalt  }
0x49: {  	_ =	shalt  }
0x4a: {  	_ =	shalt  }
0x4b: {  	_ =	shalt  }
0x4c: {  	_ =	shalt  }
0x4d: {  	_ =	shalt  }
0x4e: {  	_ =	shalt  }
0x4f: {  	_ =	shalt  }
0x50: {  	_ =	shalt  }
0x51: {  	_ =	shalt  }
0x52: {  	_ =	shalt  }
0x53: {  	_ =	shalt  }
0x54: {  	_ =	shalt  }
0x55: {  	_ =	shalt  }
0x56: {  	_ =	shalt  }
0x57: {  	_ =	shalt  }
0x58: {  	_ =	shalt  }
0x59: {  	_ =	shalt  }
0x5a: {  	_ =	shalt  }
0x5b: {  	_ =	shalt  }
0x5c: {  	_ =	shalt  }
0x5d: {  	_ =	shalt  }
0x5e: {  	_ =	shalt  }
0x5f: {  	_ =	shalt  }
0x60: {  	_ =	shalt  }
0x61: {  	_ =	shalt  }
0x62: {  	_ =	shalt  }
0x63: {  	_ =	shalt  }
0x64: {  	_ =	shalt  }
0x65: {  	_ =	shalt  }
0x66: {  	_ =	shalt  }
0x67: {  	_ =	shalt  }
0x68: {  	_ =	shalt  }
0x69: {  	_ =	shalt  }
0x6a: {  	_ =	shalt  }
0x6b: {  	_ =	shalt  }
0x6c: {  	_ =	shalt  }
0x6d: {  	_ =	shalt  }
0x6e: {  	_ =	shalt  }
0x6f: {  	_ =	shalt  }
0x70: {  	_ =	shalt  }
0x71: {  	_ =	shalt  }
0x72: {  	_ =	shalt  }
0x73: {  	_ =	shalt  }
0x74: {  	_ =	shalt  }
0x75: {  	_ =	shalt  }
0x76: {  	_ =	shalt  }
0x77: {  	_ =	shalt  }
0x78: {  	_ =	shalt  }
0x79: {  	_ =	shalt  }
0x7a: {  	_ =	shalt  }
0x7b: {  	_ =	shalt  }
0x7c: {  	_ =	shalt  }
0x7d: {  	_ =	shalt  }
0x7e: {  	_ =	shalt  }
0x7f: {  	_ =	shalt  }
0x80: {  	_ =	shalt  }
0x81: {  	_ =	shalt  }
0x82: {  	_ =	shalt  }
0x83: {  	_ =	shalt  }
0x84: {  	_ =	shalt  }
0x85: {  	_ =	shalt  }
0x86: {  	_ =	shalt  }
0x87: {  	_ =	shalt  }
.Lfunc_end0:
.L_simem_size_0:
called_computation.4_lowered:
.L_overlay_start_0:
0x88: {  	s2 =	sld [smem:$0x3FD9]  }
0x89: {  	s3 =	sld [smem:$0x3FFE];
	_ =	sdelay $0x1  }
0x8a: {  	s1 =	srdreg.scid  }
0x8b: {  	s0 =	sand.u32 $0x1, s1  }
0x8c: {  	s16 =	sshll.u32 s0, $0xA;
	s2 =	sadd.s32 s3, s2  }
0x8d: {  	s2 =	sadd.s32 s2, s16  }
0x8e: {  	[smem:$0x3FB1] =	sst s2  }
0x8f: {  	_ = 	snop  }
0x90: {  	(tm) =	ssettm $0x1  }
0x91: {  	s17 =	sld [smem:$0x3FFB];
	_ =	sdelay $0x3  }
0x92: {  	_ =	strace s17  }
0x93: {  	s2 =	sld [smem:$0x3FFC];
	_ =	sdelay $0x3  }
0x94: {  	_ =	strace s2  }
0x95: {  	s2 =	sld [smem:$0x3FFD];
	_ =	sdelay $0x3  }
0x96: {  	_ =	strace s2  }
0x97: {  	_ =	strace $0x8FFFFFFF  }
0x98: {  	s18 =	sld [smem:$0x3FDB];
	_ =	sdelay $0x1  }
0x99: {  	s19 =	simm.s32 $_scs_section_size  }
0x9a: {  	s4 =	simm.s32 $_size__tile_overlayer_lowered;
	s5 =	simm.s32 $_tile_overlayer_lowered  }
0x9b: {  	s22 =	simm.s32 $0x1BFF;
	s21 =	sshll.u32 s5, $0x1;
	s2 =	sadd.s32 s19, s18  }
0x9c: {  	s6 =	simm.s32 $0x0;
	s20 =	sshll.u32 s4, $0x1;
	s4 =	sadd.s32 s21, s2  }
0x9d: {  	[timem:s6], [sflag:s22] =	dma.local [hbm:s4], s20  }
0x9e: {  	_ =	swait.ge [sflag:s22], s20  }
0x9f: {  	s3 =	ssub.s32 $0x0, s20;
	[sflag:s22] =	ssyncset.done $0x0  }
0xa0: {  	[sflag:s22] =	ssyncadd.s32 s3;
	_ =	sdelay $0x1  }
0xa1: {  	s23 =	simm.s32 $0x1B8B  }
0xa2: {  	_ =	swait.ge [sflag:s23], $0x1  }
0xa3: {  	[sflag:s23] =	ssyncset.done $0x0  }
0xa4: {  	s25 =	simm.s32 $0x1B8E;
	s24 =	sld [smem:$0x3FFE];
	[sflag:s23] =	ssyncadd.s32 $0xFFFFFFFF  }
0xa5: {  	s26 =	simm.s32 $execute0_lowered;
	[smem:$0x3FD2] =	sst s25  }
0xa6: {  	s4 =	sshll.u32 s26, $0x1;
	_ =	strace $0x80000052;
	[dreg:$0x1] =	wrdreg $0xFFFFFFFF  }
0xa7: {  	s28 =	simm.s32 $_size_execute0_lowered;
	s2 =	sadd.s32 s2, s4;
	[dreg:$0x0] =	wrdreg $0x0  }
0xa8: {  	s4 =	sshll.u32 s28, $0x1;
	[dreg:$0x2] =	wrdreg s2  }
0xa9: {  	[dreg:$0x3] =	wrdreg s4  }
0xaa: {  	[dreg:$0x4] =	wrdreg $0xC0  }
0xab: {  	_ =	task [dreg:s6], $0x5FFFF  }
0xac: {  	[dreg:$0x1] =	wrdreg $0xFFFFFFFF  }
0xad: {  	[dreg:$0x0] =	wrdreg $0x60  }
0xae: {  	[dreg:$0x2] =	wrdreg s24  }
0xaf: {  	[dreg:$0x3] =	wrdreg $0x90000  }
0xb0: {  	[dreg:$0x4] =	wrdreg $0x9  }
0xb1: {  	_ =	task.clear_ibuf [dreg:s6], $0x5FFFF;
	_ =	strace $0x90000052  }
0xb2: {  	s29 =	simm.s32 $0x9;
	_ =	strace $0x80000054  }
0xb3: {  	_ =	swait.ge [sflag:s29], $0x1  }
0xb4: {  	[sflag:s29] =	ssyncadd.s32 $0xFFFFFFFF  }
0xb5: {  	_ =	strace $0x90000054  }
0xb6: {  	_ =	sfence  }
0xb7: {  	s30 =	sld [smem:$0x0];
	_ =	sdelay $0x2  }
0xb8: {  	s31 =	sshll.u32 s1, $0xD;
	s1 =	sshrl.u32 s1, $0x2  }
0xb9: {  	s3 =	sand.u32 $0x4000, s31;
	s1 =	sadd.s32 s1, s30  }
0xba: {  	s0 =	sor.u32 s3, s0;
	s1 =	sshll.u32 s1, $0x11  }
0xbb: {  	s0 =	sor.u32 s1, s0  }
0xbc: {  	s0 =	sadd.s32 $0x8F2B, s0  }
0xbd: {  	[sflag:s0] =	ssyncadd.remote.s32 $0x1  }
0xbe: {  	_ =	sfence.sel $0xFFFF  }
0xbf: {  	[dreg:$0x0] =	wrdreg $0xFFFFFFFF;
	(pc) =	sbr.abs _section_cstart, $3  }
0xc0: {  	[dreg:$0x1] =	wrdreg $0xFFFFFFFF  }
0xc1: {  	_ =	task.clear_ibuf [dreg:s6], $0x2FFFF;
	_ =	strace $0x9FFFFFFF  }
0xc2: {  	(tm) =	ssettm $0x7FFFFFFF  }
0xc3: {  	_ =	shalt  }
tec
execute0_lowered:
.L_overlay_start_1:
0x0: {  	(tag) =	ssettag $0x1  }
0x1: {  	s8 =	rddreg [dreg:$0x0]  }
0x2: {  	s2 =	rddreg [dreg:$0x1]  }
0x3: {  	s0 =	rddreg [dreg:$0x2];
	s3 =	simm.s32 $0x0  }
0x4: {  	s1 =	stileid.u32;
	s7 =	srdreg.scid;
	s14 =	simm.s32 $0x2800  }
0x5: {  	s17 =	simm.s32 $0x80;
	s18 =	simm.s32 $0x5000;
	s19 =	simm.s32 $0x1  }
0x6: {  	s20 =	simm.s32 $0x0;
	[smem:$0x7FF] =	sst s3;
	s6 =	smul.u32 $0x500, s1  }
0x7: {  	s4 =	sadd.s32 $0xDA800, s8;
	s5 =	sadd.s32 $0x102000, s8;
	s13 =	sand.u32 $0x1, s7  }
0x8: {  	s11 =	smul.u32 $0x4F000, s1;
	s7 =	sadd.s32 $0x129800, s8;
	s15 =	sshll.u32 s1, $0x6  }
0x9: {  	_ =	strace $0x80000053;
	s9 =	ssub.s32 $0x2, s13;
	p0 =	sne.s32 s13, $0x0  }
.Ltmp0:
0xa: {  	s13 =	simm.s32 $0x2;
	s15 =	sor.u32 $0x1C02, s15;
	(pc) =	sbr.rel .LBB2_1-.Ltmp0, $4  }
0xb: {  	s10 =	sadd.s32 s6, s8;
	s6 =	sadd.s32 $0xB0800, s8;
	s12 =	sshrl.u32 s9, $0x1  }
0xc: {  	s8 =	sadd.s32 $0x151000, s8;
	s11 =	sshrl.u32 s11, $0x2;
	s12 =	ssub.s32 s9, s12  }
0xd: {  	s9 =	sadd.s32 $0x5C800, s10;
	s10 =	sadd.s32 $0x57800, s10;
	s16 =	sadd.s32 s11, s2  }
0xe: {  	s11 =	smul.u32 $0x2780, s1;
	s12 =	smax.u32 s12, $0x1;
	s16 =	sshrl.u32 s16, $0x3  }
.LBB2_7:
0xf: {  	s21 =	sshra.s32 s21, $0x2;
	[sflag:s13] =	ssyncadd.s32 $0xFFFFC000  }
0x10: {  	[tilespmem:s18], [sflag:$0x1] =	stream.indirect.gather [hbm4b:s5+s17], $0x80, s21, s17, $0xb8;
	[tilespmem:$0x1CC00] =	vst v63  }
0x11: {  	_ =	swait.ge [sflag:s19], $0x4000  }
0x12: {  	[sflag:s19] =	ssyncset.done $0x0  }
0x13: {  	s21 =	sadd.s32 $0x2800, s21;
	[sflag:s19] =	ssyncadd.s32 $0xFFFFC000  }
0x14: {  	[spmem:s2] =	stream.indirect.scatter.add.s32 [tilespmem:s18], [sflag:$0x2], $0x80, s21, s17, $0xb8;
	[tilespmem:$0x1CC00] =	vst v63  }
0x15: {  	_ =	swait.ge [sflag:s13], $0x4000  }
0x16: {  	[sflag:s13] =	ssyncset.done $0x0  }
0x17: {  	s21 =	smov.u32 s8;
	[sflag:s13] =	ssyncadd.s32 $0xFFFFC000  }
.LBB2_8:
0x18: {  	s20 =	sadd.s32 $0x1, s20  }
0x19: {  	p1 =	sne.s32 s20, s12  }
.Ltmp1:
0x1a: {  	s21 =	sadd.s32 s21, s11;
	[bflag:$0x0] =	sbarrier.arrive $0xFFFF;
	(pc) =	sbr.rel @!p1 .LBB2_9-.Ltmp1, $4  }
0x1b: {  	[hbm:s21], [sflag:s15] =	dma.local [spmem:s16], $0x2780  }
0x1c: {  	_ =	swait.ge [sflag:s13], $0x2780  }
0x1d: {  	[sflag:s13] =	ssyncset.done $0x0  }
0x1e: {  	[sflag:s13] =	ssyncadd.s32 $0xFFFFD880  }
.LBB2_1:
0x1f: {  	[tilespmem:s3], [sflag:$0x2] =	stream.linear.gather [hbm4b:s9+s3], $0x2780, $0x38;
	[tilespmem:$0x1CC00] =	vst v63  }
0x20: {  	_ =	swait.ge [sflag:s13], $0x2780  }
0x21: {  	[sflag:s13] =	ssyncset.done $0x0  }
0x22: {  	[sflag:s13] =	ssyncadd.s32 $0xFFFFD880  }
0x23: {  	[tilespmem:s14], [sflag:$0x2] =	stream.linear.gather [hbm4b:s10+s3], $0x2780, $0x38;
	[tilespmem:$0x1CC00] =	vst v63  }
0x24: {  	_ =	swait.ge [sflag:s13], $0x2780  }
0x25: {  	[sflag:s13] =	ssyncset.done $0x0  }
0x26: {  	[sflag:s13] =	ssyncadd.s32 $0xFFFFD880  }
0x27: {  	[spmem:s16], [sflag:s15] =	dma.local [hbm:s6], $0x2780  }
.Ltmp2:
0x28: {  	_ =	swait.ge [sflag:s13], $0x2780;
	(pc) =	sbr.rel @p0 .LBB2_5-.Ltmp2, $4  }
0x29: {  	[sflag:s13] =	ssyncset.done $0x0  }
0x2a: {  	[sflag:s13] =	ssyncadd.s32 $0xFFFFD880  }
0x2b: {  	[bflag:$0x0] =	sbarrier.arrive $0xFFFF  }
0x2c: {  	s21 =	simm.s32 $0x0  }
0x2d: {  	[tilespmem:s18], [sflag:$0x1] =	stream.indirect.gather [hbm4b:s4+s17], $0x80, s21, s17, $0xb8;
	[tilespmem:$0x1CC00] =	vst v63  }
0x2e: {  	_ =	swait.ge [sflag:s19], $0x4000  }
0x2f: {  	[sflag:s19] =	ssyncset.done $0x0  }
0x30: {  	s31 =	simm.s32 $0x2800;
	[sflag:s19] =	ssyncadd.s32 $0xFFFFC000  }
0x31: {  	[spmem:s2] =	stream.indirect.scatter.add.s32 [tilespmem:s18], [sflag:$0x2], $0x80, s31, s17, $0xb8;
	[tilespmem:$0x1CC00] =	vst v63  }
0x32: {  	_ =	swait.ge [sflag:s13], $0x4000  }
0x33: {  	s21 =	simm.s32 $0x200;
	s22 =	simm.s32 $0x400;
	[sflag:s13] =	ssyncset.done $0x0  }
.LBB2_3:
0x34: {  	s23 =	sshra.s32 s21, $0x2  }
0x35: {  	[sflag:s13] =	ssyncadd.s32 $0xFFFFC000;
	s21 =	smov.u32 s22;
	s24 =	sadd.s32 $0x200, s22  }
0x36: {  	[tilespmem:s18], [sflag:$0x1] =	stream.indirect.gather [hbm4b:s4+s17], $0x80, s23, s17, $0xb8;
	[tilespmem:$0x1CC00] =	vst v63  }
0x37: {  	p1 =	seq.s32 s22, $0x9C00;
	_ =	swait.ge [sflag:s19], $0x4000  }
.Ltmp3:
0x38: {  	[sflag:s19] =	ssyncset.done $0x0;
	(pc) =	sbr.rel @!p1 .LBB2_3-.Ltmp3, $4  }
0x39: {  	s22 =	sadd.s32 $0x2800, s23;
	[sflag:s19] =	ssyncadd.s32 $0xFFFFC000  }
0x3a: {  	[spmem:s2] =	stream.indirect.scatter.add.s32 [tilespmem:s18], [sflag:$0x2], $0x80, s22, s17, $0xb8;
	[tilespmem:$0x1CC00] =	vst v63  }
0x3b: {  	_ =	swait.ge [sflag:s13], $0x4000  }
0x3c: {  	s22 =	smov.u32 s24;
	[sflag:s13] =	ssyncset.done $0x0  }
0x3d: {  	s21 =	sshra.s32 s21, $0x2;
	[sflag:s13] =	ssyncadd.s32 $0xFFFFC000  }
0x3e: {  	[tilespmem:s18], [sflag:$0x1] =	stream.indirect.gather [hbm4b:s4+s17], $0x80, s21, s17, $0xb8;
	[tilespmem:$0x1CC00] =	vst v63  }
0x3f: {  	_ =	swait.ge [sflag:s19], $0x4000  }
0x40: {  	[sflag:s19] =	ssyncset.done $0x0  }
.Ltmp4:
0x41: {  	s21 =	sadd.s32 $0x2800, s21;
	[sflag:s19] =	ssyncadd.s32 $0xFFFFC000;
	(pc) =	sbr.rel .LBB2_8-.Ltmp4, $4  }
0x42: {  	[spmem:s2] =	stream.indirect.scatter.add.s32 [tilespmem:s18], [sflag:$0x2], $0x80, s21, s17, $0xb8;
	[tilespmem:$0x1CC00] =	vst v63  }
0x43: {  	_ =	swait.ge [sflag:s13], $0x4000  }
0x44: {  	[sflag:s13] =	ssyncset.done $0x0  }
0x45: {  	s21 =	smov.u32 s7;
	[sflag:s13] =	ssyncadd.s32 $0xFFFFC000  }
.LBB2_5:
0x46: {  	[tilespmem:s18], [sflag:$0x1] =	stream.indirect.gather [hbm4b:s5+s17], $0x80, s21, s17, $0xb8;
	[tilespmem:$0x1CC00] =	vst v63  }
0x47: {  	_ =	swait.ge [sflag:s19], $0x4000  }
0x48: {  	[sflag:s19] =	ssyncset.done $0x0  }
0x49: {  	s31 =	simm.s32 $0x2800;
	[sflag:s19] =	ssyncadd.s32 $0xFFFFC000  }
0x4a: {  	[spmem:s2] =	stream.indirect.scatter.add.s32 [tilespmem:s18], [sflag:$0x2], $0x80, s31, s17, $0xb8;
	[tilespmem:$0x1CC00] =	vst v63  }
0x4b: {  	_ =	swait.ge [sflag:s13], $0x4000  }
0x4c: {  	s21 =	simm.s32 $0x200;
	s22 =	simm.s32 $0x400;
	[sflag:s13] =	ssyncset.done $0x0  }
.LBB2_6:
0x4d: {  	s23 =	sshra.s32 s21, $0x2  }
0x4e: {  	[sflag:s13] =	ssyncadd.s32 $0xFFFFC000;
	s21 =	smov.u32 s22;
	s24 =	sadd.s32 $0x200, s22  }
0x4f: {  	[tilespmem:s18], [sflag:$0x1] =	stream.indirect.gather [hbm4b:s5+s17], $0x80, s23, s17, $0xb8;
	[tilespmem:$0x1CC00] =	vst v63  }
0x50: {  	p1 =	sne.s32 s22, $0x9C00;
	_ =	swait.ge [sflag:s19], $0x4000  }
.Ltmp5:
0x51: {  	[sflag:s19] =	ssyncset.done $0x0;
	(pc) =	sbr.rel @p1 .LBB2_6-.Ltmp5, $4  }
0x52: {  	s22 =	sadd.s32 $0x2800, s23;
	[sflag:s19] =	ssyncadd.s32 $0xFFFFC000  }
0x53: {  	[spmem:s2] =	stream.indirect.scatter.add.s32 [tilespmem:s18], [sflag:$0x2], $0x80, s22, s17, $0xb8;
	[tilespmem:$0x1CC00] =	vst v63  }
0x54: {  	_ =	swait.ge [sflag:s13], $0x4000  }
0x55: {  	s22 =	smov.u32 s24;
	[sflag:s13] =	ssyncset.done $0x0  }
.Ltmp6:
0x56: {  	_ = 	snop;
	(pc) =	sbr.rel .LBB2_7-.Ltmp6, $1  }
0x57: {  	_ =	sdelay $0x3  }
.LBB2_9:
0x58: {  	_ =	sfence.sel $0x180000  }
0x59: {  	[bflag:$0x0] =	sbarrier.arrive $0xFFFF  }
0x5a: {  	p0 =	sne.s32 s1, $0x0;
	_ =	strace $0x90000053  }
0x5b: {  	s0 =	sadd.s32 @!p0 $0x100000, s0;
	[bflag:$0x2] =	sbarrier.arrive $0xFFFF  }
0x5c: {  	[sflag:s0] =	ssyncadd.tile.s32 @!p0 $0x1;
	_ =	shalt  }
.Lfunc_end2:
_tile_overlayer_lowered:
.L_overlay_start_2:
0x5d: {  	(tag) =	ssettag $0x2  }
0x5e: {  	s0 =	rddreg [dreg:$0x0];
	s2 =	stileid.u32  }
0x5f: {  	s1 =	rddreg [dreg:$0x1];
	p0 =	sne.s32 s2, $0x0  }
0x60: {  	s3 =	rddreg [dreg:$0x2];
	[bflag:$0x3] =	sbarrier.arrive $0xFFFF;
	s2 =	simm.s32 @!p0 $0x1C02  }
0x61: {  	[timem:s3], [sflag:s2] =	dma.local @!p0 [hbm:s0], s1  }
0x62: {  	s0 =	simm.s32 @!p0 $0x2  }
0x63: {  	_ =	swait.ge @!p0 [sflag:s0], s1  }
0x64: {  	s1 =	ssub.s32 @!p0 $0x0, s1;
	[sflag:s0] =	ssyncset.done @!p0 $0x0  }
0x65: {  	[sflag:s0] =	ssyncadd.s32 @!p0 s1  }
0x66: {  	[bflag:$0x3] =	sbarrier.arrive $0xFFFF  }
0x67: {  	_ =	shalt  }

</sc_bundles>
